<compile_context>
chip_gen: v7x
topology: tpu7x:2x2x1
jax: 0.10.2.dev20260603
libtpu: 0.0.44.dev20260713+nightly
codegen_flags: <defaults>
</compile_context>

<pallas_src>
import functools

import jax
import jax.numpy as jnp
from jax import lax
from jax.experimental import pallas as pl
from jax.experimental.pallas import tpu as pltpu
from jax.experimental.pallas import tpu_sc as plsc

N = 10000
E = 320000
D = 128

NC = 2
NS = 16
NW = NC * NS

C = 128

EPW = E // NW
K = 80
EPW_PAD = K * C
PAD = EPW_PAD - EPW

DEG_SHIFT = 11000
DEG_ROWS = 22528
DEG_ZROWS = DEG_ROWS // NS

NH = N // NC
ACC_H = 5120
EPT = E // NS
K2 = 160
EPT_PAD = K2 * C
PAD2 = EPT_PAD - EPT
ZROWS2 = ACC_H // NS
ZC = 64
ZCH2 = ZROWS2 // ZC

_mesh = plsc.VectorSubcoreMesh(core_axis_name="c", subcore_axis_name="s")



@functools.partial(
    pl.kernel,
    out_type=jax.ShapeDtypeStruct((NC, DEG_ROWS), jnp.float32),
    mesh=_mesh,
    scratch_types=[
        pltpu.VMEM((K, C), jnp.int32),
        pltpu.VMEM((K, C), jnp.int32),
        pltpu.VMEM((C,), jnp.float32),
        pltpu.VMEM((DEG_ZROWS,), jnp.float32),
        pltpu.VMEM_SHARED((DEG_ROWS,), jnp.float32),
        pltpu.SemaphoreType.DMA,
    ],
)
def _deg_kernel(src_hbm, dst_hbm, out_hbm, src_v, dst_v, ones_v, buf_v, acc,
                sem):
    cid = lax.axis_index("c")
    sid = lax.axis_index("s")
    wid = cid * NS + sid
    pltpu.sync_copy(src_hbm.at[wid], src_v)
    pltpu.sync_copy(dst_hbm.at[wid], dst_v)

    @pl.loop(0, C // 16)
    def _ofill(r):
        ones_v[pl.ds(r * 16, 16)] = jnp.ones((16,), jnp.float32)

    @pl.loop(0, DEG_ZROWS // 16)
    def _zfill(r):
        buf_v[pl.ds(r * 16, 16)] = jnp.zeros((16,), jnp.float32)

    pltpu.sync_copy(buf_v, acc.at[pl.ds(sid * DEG_ZROWS, DEG_ZROWS)])
    plsc.subcore_barrier()

    @pl.loop(0, K // 8)
    def _body(g):
        for i in range(8):
            j = g * 8 + i
            pltpu.async_copy(ones_v, acc.at[src_v.at[j]], sem, add=True)
            pltpu.async_copy(ones_v, acc.at[dst_v.at[j]], sem, add=True)
        for i in range(8):
            j = g * 8 + i
            pltpu.make_async_copy(ones_v, acc.at[src_v.at[j]], sem).wait()
            pltpu.make_async_copy(ones_v, acc.at[dst_v.at[j]], sem).wait()

    plsc.subcore_barrier()
    pltpu.sync_copy(acc.at[pl.ds(sid * DEG_ZROWS, DEG_ZROWS)], buf_v)
    pltpu.sync_copy(buf_v, out_hbm.at[cid, pl.ds(sid * DEG_ZROWS, DEG_ZROWS)])


@functools.partial(
    pl.kernel,
    out_type=jax.ShapeDtypeStruct((NC, ACC_H, D), jnp.float32),
    mesh=_mesh,
    scratch_types=[
        pltpu.VMEM((K2, C), jnp.int32),
        pltpu.VMEM((K2, C), jnp.int32),
        pltpu.VMEM((C, D), jnp.float32),
        pltpu.VMEM((C, D), jnp.float32),
        pltpu.VMEM((ZC, D), jnp.float32),
        pltpu.VMEM_SHARED((ACC_H, D), jnp.float32),
        pltpu.SemaphoreType.DMA,
        pltpu.SemaphoreType.DMA,
    ],
)
def _agg_kernel(h_hbm, src_hbm, dst_hbm, out_hbm,
                src_v, dst_v, rows_a, rows_b, buf_v, acc, sem_a, sem_b):
    cid = lax.axis_index("c")
    sid = lax.axis_index("s")
    pltpu.sync_copy(src_hbm.at[sid], src_v)
    pltpu.sync_copy(dst_hbm.at[cid, sid], dst_v)

    @pl.loop(0, ZC)
    def _zfill(r):
        @pl.loop(0, D // 16)
        def _zlane(c):
            buf_v[r, pl.ds(c * 16, 16)] = jnp.zeros((16,), jnp.float32)

    @pl.loop(0, ZCH2)
    def _zacc(k):
        pltpu.sync_copy(buf_v, acc.at[pl.ds(sid * ZROWS2 + k * ZC, ZC)])

    plsc.subcore_barrier()

    pltpu.async_copy(h_hbm.at[src_v.at[0]], rows_a, sem_a)

    @pl.loop(0, K2 // 2)
    def _body(jj):
        j0 = jj * 2
        j1 = j0 + 1
        j2 = lax.rem(j0 + 2, K2)
        pltpu.async_copy(h_hbm.at[src_v.at[j1]], rows_b, sem_b)
        pltpu.make_async_copy(h_hbm.at[src_v.at[j0]], rows_a, sem_a).wait()
        pltpu.sync_copy(rows_a, acc.at[dst_v.at[j0]], add=True)
        pltpu.async_copy(h_hbm.at[src_v.at[j2]], rows_a, sem_a)
        pltpu.make_async_copy(h_hbm.at[src_v.at[j1]], rows_b, sem_b).wait()
        pltpu.sync_copy(rows_b, acc.at[dst_v.at[j1]], add=True)

    pltpu.make_async_copy(h_hbm.at[src_v.at[0]], rows_a, sem_a).wait()

    plsc.subcore_barrier()

    @pl.loop(0, ZCH2)
    def _cout(k):
        pltpu.sync_copy(acc.at[pl.ds(sid * ZROWS2 + k * ZC, ZC)], buf_v)
        pltpu.sync_copy(buf_v, out_hbm.at[cid, pl.ds(sid * ZROWS2 + k * ZC, ZC)])



_R = 1000


def _prep_body(dego_ref, degi_ref, feat_ref, h0s_ref, ns_ref, nd_ref):
    do = dego_ref[0] + dego_ref[1]
    di = degi_ref[0] + degi_ref[1]
    ns = lax.rsqrt(jnp.maximum(do, 1.0))
    nd = lax.rsqrt(jnp.maximum(di, 1.0))
    ns_ref[...] = ns
    nd_ref[...] = nd
    h0s_ref[...] = feat_ref[...] * ns


_prep_call = pl.pallas_call(
    _prep_body,
    grid=(N // _R,),
    in_specs=[
        pl.BlockSpec((NC, _R, 1), lambda i: (0, i, 0)),
        pl.BlockSpec((NC, _R, 1), lambda i: (0, i, 0)),
        pl.BlockSpec((_R, D), lambda i: (i, 0)),
    ],
    out_specs=[
        pl.BlockSpec((_R, D), lambda i: (i, 0)),
        pl.BlockSpec((_R, 1), lambda i: (i, 0)),
        pl.BlockSpec((_R, 1), lambda i: (i, 0)),
    ],
    out_shape=[
        jax.ShapeDtypeStruct((N, D), jnp.float32),
        jax.ShapeDtypeStruct((N, 1), jnp.float32),
        jax.ShapeDtypeStruct((N, 1), jnp.float32),
    ],
)

_agg_spec = pl.BlockSpec((1, _R, D), lambda i: (i // 5, i % 5, 0))


def _l1_body(acc_ref, nd_ref, w_ref, b_ref, feat_ref, ns_ref, out_ref):
    a = acc_ref[0] * nd_ref[...]
    z = jnp.dot(a, w_ref[...], preferred_element_type=jnp.float32) + b_ref[...]
    h = jnp.maximum(z, 0.0) + feat_ref[...]
    out_ref[...] = h * ns_ref[...]


_l1_call = pl.pallas_call(
    _l1_body,
    grid=(N // _R,),
    in_specs=[
        _agg_spec,
        pl.BlockSpec((_R, 1), lambda i: (i, 0)),
        pl.BlockSpec((D, D), lambda i: (0, 0)),
        pl.BlockSpec((1, D), lambda i: (0, 0)),
        pl.BlockSpec((_R, D), lambda i: (i, 0)),
        pl.BlockSpec((_R, 1), lambda i: (i, 0)),
    ],
    out_specs=pl.BlockSpec((_R, D), lambda i: (i, 0)),
    out_shape=jax.ShapeDtypeStruct((N, D), jnp.float32),
)


def _l2_body(acc_ref, nd_ref, w_ref, b_ref, feat_ref, out_ref):
    a = acc_ref[0] * nd_ref[...]
    z = jnp.dot(a, w_ref[...], preferred_element_type=jnp.float32) + b_ref[...]
    out_ref[...] = jnp.maximum(z, 0.0) + 2.0 * feat_ref[...]


_l2_call = pl.pallas_call(
    _l2_body,
    grid=(N // _R,),
    in_specs=[
        _agg_spec,
        pl.BlockSpec((_R, 1), lambda i: (i, 0)),
        pl.BlockSpec((D, D), lambda i: (0, 0)),
        pl.BlockSpec((1, D), lambda i: (0, 0)),
        pl.BlockSpec((_R, D), lambda i: (i, 0)),
    ],
    out_specs=pl.BlockSpec((_R, D), lambda i: (i, 0)),
    out_shape=jax.ShapeDtypeStruct((N, D), jnp.float32),
)



def kernel(features, edge_index, W1, b1, W2, b2):
    src = edge_index[0]
    dst = edge_index[1]

    src_w = src.reshape(NW, EPW)
    dst_w = dst.reshape(NW, EPW)
    lane = jnp.arange(PAD, dtype=jnp.int32)[None, :]
    widv = jnp.arange(NW, dtype=jnp.int32)[:, None]
    pad_deg_src = 10000 + ((widv * 31 + lane) % 512)
    pad_deg_dst = 21000 + ((widv * 31 + lane) % 1000)

    def cat(a, p, k):
        return jnp.concatenate([a, p.astype(jnp.int32)], axis=-1).reshape(
            a.shape[:-1] + (k, C))

    src_deg = cat(src_w, pad_deg_src, K)
    dst_deg = cat(dst_w + DEG_SHIFT, pad_deg_dst, K)

    src_t = src.reshape(NS, EPT)
    dst_t = dst.reshape(NS, EPT)
    lane2 = jnp.arange(PAD2, dtype=jnp.int32)[None, :]
    sidv = jnp.arange(NS, dtype=jnp.int32)[:, None]
    pad_gather = (sidv * 613 + lane2 * 97) % N
    src_agg = cat(src_t, pad_gather, K2)

    trash = NH + ((jnp.arange(EPT, dtype=jnp.int32)[None, :]
                   + 17 * sidv) % (ACC_H - NH))
    base = jnp.array([0, NH], dtype=jnp.int32)[:, None, None]
    drel = dst_t[None] - base
    dcore = jnp.where((drel >= 0) & (drel < NH), drel, trash[None])
    pad_trash = NH + ((sidv * 7 + lane2) % (ACC_H - NH))
    dst_agg = cat(dcore, jnp.broadcast_to(pad_trash[None], (NC, NS, PAD2)), K2)

    b1r = b1.reshape(1, D)
    b2r = b2.reshape(1, D)

    degp = _deg_kernel(src_deg, dst_deg)
    dego = degp[:, :N].reshape(NC, N, 1)
    degi = degp[:, DEG_SHIFT:DEG_SHIFT + N].reshape(NC, N, 1)
    h0s, ns, nd = _prep_call(dego, degi, features)

    a1 = _agg_kernel(h0s, src_agg, dst_agg)
    h1s = _l1_call(a1, nd, W1, b1r, features, ns)
    a2 = _agg_kernel(h1s, src_agg, dst_agg)
    return _l2_call(a2, nd, W2, b2r, features)

# --- scband reference (transcript-rebuilt; emitter-appended) ---
"""Pipeline reference for scband-gcn-encoder-45947560132669 (READ-ONLY COPY).

The authoritative reference and input builder live on the scoring server;
editing this copy changes nothing except your own understanding.
"""

import jax, jax.numpy as jnp
import numpy as np

N = 10000
E = 320000
D = 128


def setup_inputs(seed: int = 0) -> dict:
    key = jax.random.key(seed)
    k1, k2, k3, k4, k5, k6 = jax.random.split(key, 6)
    features = jax.random.normal(k1, (N, D), dtype=jnp.float32)
    edge_index = jax.random.randint(k2, (2, E), 0, N, dtype=jnp.int32)
    scale = 1.0 / np.sqrt(D)
    W1 = jax.random.uniform(k3, (D, D), dtype=jnp.float32, minval=-scale, maxval=scale)
    b1 = jnp.zeros((D,), dtype=jnp.float32)
    W2 = jax.random.uniform(k4, (D, D), dtype=jnp.float32, minval=-scale, maxval=scale)
    b2 = jnp.zeros((D,), dtype=jnp.float32)
    return {"features": features, "edge_index": edge_index, "W1": W1, "b1": b1, "W2": W2, "b2": b2}


def _gcn_layer(h, src, dst, W, b):
    # DGL GraphConv with norm='both': D_out^{-1/2} on source, aggregate, D_in^{-1/2} on dest
    deg_out = jnp.clip(jnp.bincount(src, length=N), 1, None).astype(jnp.float32)
    deg_in = jnp.clip(jnp.bincount(dst, length=N), 1, None).astype(jnp.float32)
    norm_src = deg_out ** -0.5
    norm_dst = deg_in ** -0.5
    h = h * norm_src[:, None]
    msg = h[src]
    agg = jax.ops.segment_sum(msg, dst, num_segments=N)
    h = agg * norm_dst[:, None]
    h = h @ W + b
    return jax.nn.relu(h)


def reference(features, edge_index, W1, b1, W2, b2):
    src = edge_index[0]
    dst = edge_index[1]
    h = features
    # layer 0 (dropout skipped for i==0; eval-mode dropout is identity anyway)
    h = _gcn_layer(h, src, dst, W1, b1) + features
    # layer 1
    h = _gcn_layer(h, src, dst, W2, b2) + features
    return h + features

if __name__ == "__main__":
    import jax
    _d = setup_inputs()
    print(jax.jit(kernel)(*tuple(_d.values())))

</pallas_src>

<mosaic_0001>
#map = affine_map<(d0, d1) -> (0, 0)>
#map1 = affine_map<(d0, d1) -> (0, 0, 0)>
#map2 = affine_map<(d0, d1) -> (0, 0, 0, 0)>
module attributes {stable_mosaic.version = 14 : i64} {
  func.func @_agg_kernel(%arg0: i32, %arg1: i32, %arg2: memref<10000x128xf32, #tpu.memory_space<hbm>>, %arg3: memref<16x160x128xi32, #tpu.memory_space<hbm>>, %arg4: memref<2x16x160x128xi32, #tpu.memory_space<hbm>>, %arg5: memref<2x5120x128xf32, #tpu.memory_space<hbm>>, %arg6: memref<160x128xi32, #tpu.memory_space<vmem>>, %arg7: memref<160x128xi32, #tpu.memory_space<vmem>>, %arg8: memref<128x128xf32, #tpu.memory_space<vmem>>, %arg9: memref<128x128xf32, #tpu.memory_space<vmem>>, %arg10: memref<64x128xf32, #tpu.memory_space<vmem>>, %arg11: memref<5120x128xf32, #tpu.memory_space<vmem_shared>>, %arg12: memref<!tpu.dma_semaphore, #tpu.memory_space<semaphore_mem>>, %arg13: memref<!tpu.dma_semaphore, #tpu.memory_space<semaphore_mem>>) attributes {dimension_semantics = [#tpu.dimension_semantics<core_parallel>, #tpu.dimension_semantics<subcore_parallel>], iteration_bounds = array<i64: 2, 16>, scalar_prefetch = 0 : i64, scratch_operands = 8 : i64, tpu.core_type = #tpu.core_type<sc_vector_subcore>, window_params = [{transform_indices = #map}, {transform_indices = #map1}, {transform_indices = #map2}, {transform_indices = #map1}]} {
    "tpu.region"() ({
      %run_scoped3A = tpu.sem_alloc : memref<!tpu.dma_semaphore, #tpu.memory_space<semaphore_mem>>
      %dma_start3A_32 = arith.constant 0 : i32
      %dma_start3A_33 = arith.constant 0 : i32
      %dma_start3A_34 = tpu.memref_slice %arg3[%arg1, %dma_start3A_32, %dma_start3A_33] : memref<16x160x128xi32, #tpu.memory_space<hbm>> -> memref<1x160x128xi32, #tpu.memory_space<hbm>>
      %dma_start3A_35 = tpu.memref_squeeze %dma_start3A_34 : memref<1x160x128xi32, #tpu.memory_space<hbm>> -> memref<160x128xi32, #tpu.memory_space<hbm>>
      %dma_start3A_36 = arith.constant 0 : i32
      %dma_start3A_37 = arith.constant 0 : i32
      %dma_start3A_38 = tpu.memref_slice %arg3[%arg1, %dma_start3A_36, %dma_start3A_37] : memref<16x160x128xi32, #tpu.memory_space<hbm>> -> memref<1x160x128xi32, #tpu.memory_space<hbm>>
      %dma_start3A_39 = tpu.memref_squeeze %dma_start3A_38 : memref<1x160x128xi32, #tpu.memory_space<hbm>> -> memref<160x128xi32, #tpu.memory_space<hbm>>
      tpu.enqueue_dma source(%dma_start3A_39 : memref<160x128xi32, #tpu.memory_space<hbm>>) target(%arg6 : memref<160x128xi32, #tpu.memory_space<vmem>>) target_semaphore(%run_scoped3A : memref<!tpu.dma_semaphore, #tpu.memory_space<semaphore_mem>>)
      %dma_wait3A_40 = arith.constant 0 : i32
      %dma_wait3A_41 = arith.constant 0 : i32
      %dma_wait3A_42 = tpu.memref_slice %arg3[%arg1, %dma_wait3A_40, %dma_wait3A_41] : memref<16x160x128xi32, #tpu.memory_space<hbm>> -> memref<1x160x128xi32, #tpu.memory_space<hbm>>
      %dma_wait3A_43 = tpu.memref_squeeze %dma_wait3A_42 : memref<1x160x128xi32, #tpu.memory_space<hbm>> -> memref<160x128xi32, #tpu.memory_space<hbm>>
      %dma_wait3A_44 = arith.constant 0 : i32
      %dma_wait3A_45 = arith.constant 0 : i32
      %dma_wait3A_46 = tpu.memref_slice %arg3[%arg1, %dma_wait3A_44, %dma_wait3A_45] : memref<16x160x128xi32, #tpu.memory_space<hbm>> -> memref<1x160x128xi32, #tpu.memory_space<hbm>>
      %dma_wait3A_47 = tpu.memref_squeeze %dma_wait3A_46 : memref<1x160x128xi32, #tpu.memory_space<hbm>> -> memref<160x128xi32, #tpu.memory_space<hbm>>
      tpu.wait_dma2 semaphore(%run_scoped3A : memref<!tpu.dma_semaphore, #tpu.memory_space<semaphore_mem>>) src(%dma_wait3A_47 : memref<160x128xi32, #tpu.memory_space<hbm>>) dst(%arg6 : memref<160x128xi32, #tpu.memory_space<vmem>>)
      tpu.yield
    }) : () -> ()
    "tpu.region"() ({
      %run_scoped3A = tpu.sem_alloc : memref<!tpu.dma_semaphore, #tpu.memory_space<semaphore_mem>>
      %dma_start3A_32 = arith.constant 0 : i32
      %dma_start3A_33 = arith.constant 0 : i32
      %dma_start3A_34 = tpu.memref_slice %arg4[%arg0, %arg1, %dma_start3A_32, %dma_start3A_33] : memref<2x16x160x128xi32, #tpu.memory_space<hbm>> -> memref<1x1x160x128xi32, #tpu.memory_space<hbm>>
      %dma_start3A_35 = tpu.memref_squeeze %dma_start3A_34 : memref<1x1x160x128xi32, #tpu.memory_space<hbm>> -> memref<160x128xi32, #tpu.memory_space<hbm>>
      %dma_start3A_36 = arith.constant 0 : i32
      %dma_start3A_37 = arith.constant 0 : i32
      %dma_start3A_38 = tpu.memref_slice %arg4[%arg0, %arg1, %dma_start3A_36, %dma_start3A_37] : memref<2x16x160x128xi32, #tpu.memory_space<hbm>> -> memref<1x1x160x128xi32, #tpu.memory_space<hbm>>
      %dma_start3A_39 = tpu.memref_squeeze %dma_start3A_38 : memref<1x1x160x128xi32, #tpu.memory_space<hbm>> -> memref<160x128xi32, #tpu.memory_space<hbm>>
      tpu.enqueue_dma source(%dma_start3A_39 : memref<160x128xi32, #tpu.memory_space<hbm>>) target(%arg7 : memref<160x128xi32, #tpu.memory_space<vmem>>) target_semaphore(%run_scoped3A : memref<!tpu.dma_semaphore, #tpu.memory_space<semaphore_mem>>)
      %dma_wait3A_40 = arith.constant 0 : i32
      %dma_wait3A_41 = arith.constant 0 : i32
      %dma_wait3A_42 = tpu.memref_slice %arg4[%arg0, %arg1, %dma_wait3A_40, %dma_wait3A_41] : memref<2x16x160x128xi32, #tpu.memory_space<hbm>> -> memref<1x1x160x128xi32, #tpu.memory_space<hbm>>
      %dma_wait3A_43 = tpu.memref_squeeze %dma_wait3A_42 : memref<1x1x160x128xi32, #tpu.memory_space<hbm>> -> memref<160x128xi32, #tpu.memory_space<hbm>>
      %dma_wait3A_44 = arith.constant 0 : i32
      %dma_wait3A_45 = arith.constant 0 : i32
      %dma_wait3A_46 = tpu.memref_slice %arg4[%arg0, %arg1, %dma_wait3A_44, %dma_wait3A_45] : memref<2x16x160x128xi32, #tpu.memory_space<hbm>> -> memref<1x1x160x128xi32, #tpu.memory_space<hbm>>
      %dma_wait3A_47 = tpu.memref_squeeze %dma_wait3A_46 : memref<1x1x160x128xi32, #tpu.memory_space<hbm>> -> memref<160x128xi32, #tpu.memory_space<hbm>>
      tpu.wait_dma2 semaphore(%run_scoped3A : memref<!tpu.dma_semaphore, #tpu.memory_space<semaphore_mem>>) src(%dma_wait3A_47 : memref<160x128xi32, #tpu.memory_space<hbm>>) dst(%arg7 : memref<160x128xi32, #tpu.memory_space<vmem>>)
      tpu.yield
    }) : () -> ()
    %scan3A = arith.constant 0 : i32
    %scan3A_0 = arith.constant 64 : i32
    %scan3A_1 = arith.addi %scan3A, %scan3A_0 : i32
    %scan3A_2 = arith.constant 1 : i32
    scf.for %scan3A_32 = %scan3A to %scan3A_1 step %scan3A_2  : i32 {
      %mul3A = arith.constant 1 : i32
      %mul3A_33 = arith.muli %scan3A_32, %mul3A : i32
      %add3A = arith.constant 0 : i32
      %add3A_34 = arith.addi %add3A, %mul3A_33 : i32
      %scan3A_35 = arith.constant 0 : i32
      %scan3A_36 = arith.constant 8 : i32
      %scan3A_37 = arith.addi %scan3A_35, %scan3A_36 : i32
      %scan3A_38 = arith.constant 1 : i32
      scf.for %scan3A_40 = %scan3A_35 to %scan3A_37 step %scan3A_38  : i32 {
        %mul3A_41 = arith.constant 1 : i32
        %mul3A_42 = arith.muli %scan3A_40, %mul3A_41 : i32
        %add3A_43 = arith.constant 0 : i32
        %add3A_44 = arith.addi %add3A_43, %mul3A_42 : i32
        %broadcast_in_dim3A = arith.constant 0.000000e+00 : f32
        %broadcast_in_dim3A_45 = vector.broadcast %broadcast_in_dim3A : f32 to vector<16xf32>
        %mul3A_46 = arith.constant 16 : i32
        %mul3A_47 = arith.muli %add3A_44, %mul3A_46 : i32
        %swap3A = arith.index_cast %add3A_34 : i32 to index
        %swap3A_48 = arith.index_cast %mul3A_47 : i32 to index
        %swap3A_49 = tpu.vector_load %arg10[%swap3A, %swap3A_48] {strides = array<i32>} : memref<64x128xf32, #tpu.memory_space<vmem>>, vector<1x16xf32>,
        %swap3A_50 = vector.shape_cast %swap3A_49 : vector<1x16xf32> to vector<16xf32>
        %swap3A_51 = vector.shape_cast %broadcast_in_dim3A_45 : vector<16xf32> to vector<1x16xf32>
        tpu.vector_store %arg10[%swap3A, %swap3A_48], %swap3A_51 {strides = array<i32>} : memref<64x128xf32, #tpu.memory_space<vmem>>, vector<1x16xf32>,
      }
      %scan3A_39 = arith.constant 8 : i32
    }
    %scan3A_3 = arith.constant 64 : i32
    %scan3A_4 = arith.constant 0 : i32
    %scan3A_5 = arith.constant 5 : i32
    %scan3A_6 = arith.addi %scan3A_4, %scan3A_5 : i32
    %scan3A_7 = arith.constant 1 : i32
    scf.for %scan3A_32 = %scan3A_4 to %scan3A_6 step %scan3A_7  : i32 {
      %mul3A = arith.constant 1 : i32
      %mul3A_33 = arith.muli %scan3A_32, %mul3A : i32
      %add3A = arith.constant 0 : i32
      %add3A_34 = arith.addi %add3A, %mul3A_33 : i32
      %mul3A_35 = arith.constant 320 : i32
      %mul3A_36 = arith.muli %arg1, %mul3A_35 : i32
      %mul3A_37 = arith.constant 64 : i32
      %mul3A_38 = arith.muli %add3A_34, %mul3A_37 : i32
      %add3A_39 = arith.addi %mul3A_36, %mul3A_38 : i32
      "tpu.region"() ({
        %run_scoped3A = tpu.sem_alloc : memref<!tpu.dma_semaphore, #tpu.memory_space<semaphore_mem>>
        %dma_start3A_40 = arith.constant 0 : i32
        %dma_start3A_41 = tpu.memref_slice %arg11[%add3A_39, %dma_start3A_40] : memref<5120x128xf32, #tpu.memory_space<vmem_shared>> -> memref<64x128xf32, #tpu.memory_space<vmem_shared>>
        %dma_start3A_42 = arith.constant 0 : i32
        %dma_start3A_43 = tpu.memref_slice %arg11[%add3A_39, %dma_start3A_42] : memref<5120x128xf32, #tpu.memory_space<vmem_shared>> -> memref<64x128xf32, #tpu.memory_space<vmem_shared>>
        tpu.enqueue_dma source(%arg10 : memref<64x128xf32, #tpu.memory_space<vmem>>) target(%dma_start3A_43 : memref<64x128xf32, #tpu.memory_space<vmem_shared>>) target_semaphore(%run_scoped3A : memref<!tpu.dma_semaphore, #tpu.memory_space<semaphore_mem>>)
        %dma_wait3A_44 = arith.constant 0 : i32
        %dma_wait3A_45 = tpu.memref_slice %arg11[%add3A_39, %dma_wait3A_44] : memref<5120x128xf32, #tpu.memory_space<vmem_shared>> -> memref<64x128xf32, #tpu.memory_space<vmem_shared>>
        %dma_wait3A_46 = arith.constant 0 : i32
        %dma_wait3A_47 = tpu.memref_slice %arg11[%add3A_39, %dma_wait3A_46] : memref<5120x128xf32, #tpu.memory_space<vmem_shared>> -> memref<64x128xf32, #tpu.memory_space<vmem_shared>>
        tpu.wait_dma2 semaphore(%run_scoped3A : memref<!tpu.dma_semaphore, #tpu.memory_space<semaphore_mem>>) src(%arg10 : memref<64x128xf32, #tpu.memory_space<vmem>>) dst(%dma_wait3A_47 : memref<64x128xf32, #tpu.memory_space<vmem_shared>>)
        tpu.yield
      }) : () -> ()
    }
    %scan3A_8 = arith.constant 5 : i32
    %barrier3A = arith.constant 0 : index
    tpu.barrier barrier_id(%barrier3A)
    %dma_start3A = arith.constant 0 : i32
    %dma_start3A_9 = arith.constant 0 : i32
    %dma_start3A_10 = tpu.memref_slice %arg6[%dma_start3A, %dma_start3A_9] : memref<160x128xi32, #tpu.memory_space<vmem>> -> memref<1x128xi32, #tpu.memory_space<vmem>>
    %dma_start3A_11 = tpu.memref_squeeze %dma_start3A_10 : memref<1x128xi32, #tpu.memory_space<vmem>> -> memref<128xi32, #tpu.memory_space<vmem>>
    %dma_start3A_12 = arith.constant 0 : i32
    %dma_start3A_13 = arith.constant 0 : i32
    %dma_start3A_14 = tpu.memref_slice %arg2[%dma_start3A_12, %dma_start3A_13] : memref<10000x128xf32, #tpu.memory_space<hbm>> -> memref<10000x128xf32, #tpu.memory_space<hbm>>
    tpu.enqueue_indirect_dma source(%dma_start3A_14 : memref<10000x128xf32, #tpu.memory_space<hbm>>) target(%arg8 : memref<128x128xf32, #tpu.memory_space<vmem>>) offsets(%dma_start3A_11 : memref<128xi32, #tpu.memory_space<vmem>>) semaphore(%arg12 : memref<!tpu.dma_semaphore, #tpu.memory_space<semaphore_mem>>)
    %scan3A_15 = arith.constant 0 : i32
    %scan3A_16 = arith.constant 80 : i32
    %scan3A_17 = arith.addi %scan3A_15, %scan3A_16 : i32
    %scan3A_18 = arith.constant 1 : i32
    scf.for %scan3A_32 = %scan3A_15 to %scan3A_17 step %scan3A_18  : i32 {
      %mul3A = arith.constant 1 : i32
      %mul3A_33 = arith.muli %scan3A_32, %mul3A : i32
      %add3A = arith.constant 0 : i32
      %add3A_34 = arith.addi %add3A, %mul3A_33 : i32
      %mul3A_35 = arith.constant 2 : i32
      %mul3A_36 = arith.muli %add3A_34, %mul3A_35 : i32
      %add3A_37 = arith.constant 1 : i32
      %add3A_38 = arith.addi %mul3A_36, %add3A_37 : i32
      %add3A_39 = arith.constant 2 : i32
      %add3A_40 = arith.addi %mul3A_36, %add3A_39 : i32
      %rem3A = arith.constant 160 : i32
      %rem3A_41 = arith.remsi %add3A_40, %rem3A : i32
      %dma_start3A_42 = arith.constant 0 : i32
      %dma_start3A_43 = tpu.memref_slice %arg6[%add3A_38, %dma_start3A_42] : memref<160x128xi32, #tpu.memory_space<vmem>> -> memref<1x128xi32, #tpu.memory_space<vmem>>
      %dma_start3A_44 = tpu.memref_squeeze %dma_start3A_43 : memref<1x128xi32, #tpu.memory_space<vmem>> -> memref<128xi32, #tpu.memory_space<vmem>>
      %dma_start3A_45 = arith.constant 0 : i32
      %dma_start3A_46 = arith.constant 0 : i32
      %dma_start3A_47 = tpu.memref_slice %arg2[%dma_start3A_45, %dma_start3A_46] : memref<10000x128xf32, #tpu.memory_space<hbm>> -> memref<10000x128xf32, #tpu.memory_space<hbm>>
      tpu.enqueue_indirect_dma source(%dma_start3A_47 : memref<10000x128xf32, #tpu.memory_space<hbm>>) target(%arg9 : memref<128x128xf32, #tpu.memory_space<vmem>>) offsets(%dma_start3A_44 : memref<128xi32, #tpu.memory_space<vmem>>) semaphore(%arg13 : memref<!tpu.dma_semaphore, #tpu.memory_space<semaphore_mem>>)
      %dma_wait3A_48 = arith.constant 0 : i32
      %dma_wait3A_49 = tpu.memref_slice %arg6[%mul3A_36, %dma_wait3A_48] : memref<160x128xi32, #tpu.memory_space<vmem>> -> memref<1x128xi32, #tpu.memory_space<vmem>>
      %dma_wait3A_50 = tpu.memref_squeeze %dma_wait3A_49 : memref<1x128xi32, #tpu.memory_space<vmem>> -> memref<128xi32, #tpu.memory_space<vmem>>
      %dma_wait3A_51 = arith.constant 0 : i32
      %dma_wait3A_52 = arith.constant 0 : i32
      %dma_wait3A_53 = tpu.memref_slice %arg2[%dma_wait3A_51, %dma_wait3A_52] : memref<10000x128xf32, #tpu.memory_space<hbm>> -> memref<10000x128xf32, #tpu.memory_space<hbm>>
      tpu.wait_indirect_dma semaphore(%arg12 : memref<!tpu.dma_semaphore, #tpu.memory_space<semaphore_mem>>) src(%dma_wait3A_53 : memref<10000x128xf32, #tpu.memory_space<hbm>>) dst(%arg8 : memref<128x128xf32, #tpu.memory_space<vmem>>)
      "tpu.region"() ({
        %run_scoped3A = tpu.sem_alloc : memref<!tpu.dma_semaphore, #tpu.memory_space<semaphore_mem>>
        %dma_start3A_66 = arith.constant 0 : i32
        %dma_start3A_67 = tpu.memref_slice %arg7[%mul3A_36, %dma_start3A_66] : memref<160x128xi32, #tpu.memory_space<vmem>> -> memref<1x128xi32, #tpu.memory_space<vmem>>
        %dma_start3A_68 = tpu.memref_squeeze %dma_start3A_67 : memref<1x128xi32, #tpu.memory_space<vmem>> -> memref<128xi32, #tpu.memory_space<vmem>>
        %dma_start3A_69 = arith.constant 0 : i32
        %dma_start3A_70 = arith.constant 0 : i32
        %dma_start3A_71 = tpu.memref_slice %arg11[%dma_start3A_69, %dma_start3A_70] : memref<5120x128xf32, #tpu.memory_space<vmem_shared>> -> memref<5120x128xf32, #tpu.memory_space<vmem_shared>>
        tpu.enqueue_indirect_dma source(%arg8 : memref<128x128xf32, #tpu.memory_space<vmem>>) target(%dma_start3A_71 : memref<5120x128xf32, #tpu.memory_space<vmem_shared>>) offsets(%dma_start3A_68 : memref<128xi32, #tpu.memory_space<vmem>>) semaphore(%run_scoped3A : memref<!tpu.dma_semaphore, #tpu.memory_space<semaphore_mem>>) {add = true}
        %dma_wait3A_72 = arith.constant 0 : i32
        %dma_wait3A_73 = tpu.memref_slice %arg7[%mul3A_36, %dma_wait3A_72] : memref<160x128xi32, #tpu.memory_space<vmem>> -> memref<1x128xi32, #tpu.memory_space<vmem>>
        %dma_wait3A_74 = tpu.memref_squeeze %dma_wait3A_73 : memref<1x128xi32, #tpu.memory_space<vmem>> -> memref<128xi32, #tpu.memory_space<vmem>>
        %dma_wait3A_75 = arith.constant 0 : i32
        %dma_wait3A_76 = arith.constant 0 : i32
        %dma_wait3A_77 = tpu.memref_slice %arg11[%dma_wait3A_75, %dma_wait3A_76] : memref<5120x128xf32, #tpu.memory_space<vmem_shared>> -> memref<5120x128xf32, #tpu.memory_space<vmem_shared>>
        tpu.wait_indirect_dma semaphore(%run_scoped3A : memref<!tpu.dma_semaphore, #tpu.memory_space<semaphore_mem>>) src(%arg8 : memref<128x128xf32, #tpu.memory_space<vmem>>) dst(%dma_wait3A_77 : memref<5120x128xf32, #tpu.memory_space<vmem_shared>>)
        tpu.yield
      }) : () -> ()
      %dma_start3A_54 = arith.constant 0 : i32
      %dma_start3A_55 = tpu.memref_slice %arg6[%rem3A_41, %dma_start3A_54] : memref<160x128xi32, #tpu.memory_space<vmem>> -> memref<1x128xi32, #tpu.memory_space<vmem>>
      %dma_start3A_56 = tpu.memref_squeeze %dma_start3A_55 : memref<1x128xi32, #tpu.memory_space<vmem>> -> memref<128xi32, #tpu.memory_space<vmem>>
      %dma_start3A_57 = arith.constant 0 : i32
      %dma_start3A_58 = arith.constant 0 : i32
      %dma_start3A_59 = tpu.memref_slice %arg2[%dma_start3A_57, %dma_start3A_58] : memref<10000x128xf32, #tpu.memory_space<hbm>> -> memref<10000x128xf32, #tpu.memory_space<hbm>>
      tpu.enqueue_indirect_dma source(%dma_start3A_59 : memref<10000x128xf32, #tpu.memory_space<hbm>>) target(%arg8 : memref<128x128xf32, #tpu.memory_space<vmem>>) offsets(%dma_start3A_56 : memref<128xi32, #tpu.memory_space<vmem>>) semaphore(%arg12 : memref<!tpu.dma_semaphore, #tpu.memory_space<semaphore_mem>>)
      %dma_wait3A_60 = arith.constant 0 : i32
      %dma_wait3A_61 = tpu.memref_slice %arg6[%add3A_38, %dma_wait3A_60] : memref<160x128xi32, #tpu.memory_space<vmem>> -> memref<1x128xi32, #tpu.memory_space<vmem>>
      %dma_wait3A_62 = tpu.memref_squeeze %dma_wait3A_61 : memref<1x128xi32, #tpu.memory_space<vmem>> -> memref<128xi32, #tpu.memory_space<vmem>>
      %dma_wait3A_63 = arith.constant 0 : i32
      %dma_wait3A_64 = arith.constant 0 : i32
      %dma_wait3A_65 = tpu.memref_slice %arg2[%dma_wait3A_63, %dma_wait3A_64] : memref<10000x128xf32, #tpu.memory_space<hbm>> -> memref<10000x128xf32, #tpu.memory_space<hbm>>
      tpu.wait_indirect_dma semaphore(%arg13 : memref<!tpu.dma_semaphore, #tpu.memory_space<semaphore_mem>>) src(%dma_wait3A_65 : memref<10000x128xf32, #tpu.memory_space<hbm>>) dst(%arg9 : memref<128x128xf32, #tpu.memory_space<vmem>>)
      "tpu.region"() ({
        %run_scoped3A = tpu.sem_alloc : memref<!tpu.dma_semaphore, #tpu.memory_space<semaphore_mem>>
        %dma_start3A_66 = arith.constant 0 : i32
        %dma_start3A_67 = tpu.memref_slice %arg7[%add3A_38, %dma_start3A_66] : memref<160x128xi32, #tpu.memory_space<vmem>> -> memref<1x128xi32, #tpu.memory_space<vmem>>
        %dma_start3A_68 = tpu.memref_squeeze %dma_start3A_67 : memref<1x128xi32, #tpu.memory_space<vmem>> -> memref<128xi32, #tpu.memory_space<vmem>>
        %dma_start3A_69 = arith.constant 0 : i32
        %dma_start3A_70 = arith.constant 0 : i32
        %dma_start3A_71 = tpu.memref_slice %arg11[%dma_start3A_69, %dma_start3A_70] : memref<5120x128xf32, #tpu.memory_space<vmem_shared>> -> memref<5120x128xf32, #tpu.memory_space<vmem_shared>>
        tpu.enqueue_indirect_dma source(%arg9 : memref<128x128xf32, #tpu.memory_space<vmem>>) target(%dma_start3A_71 : memref<5120x128xf32, #tpu.memory_space<vmem_shared>>) offsets(%dma_start3A_68 : memref<128xi32, #tpu.memory_space<vmem>>) semaphore(%run_scoped3A : memref<!tpu.dma_semaphore, #tpu.memory_space<semaphore_mem>>) {add = true}
        %dma_wait3A_72 = arith.constant 0 : i32
        %dma_wait3A_73 = tpu.memref_slice %arg7[%add3A_38, %dma_wait3A_72] : memref<160x128xi32, #tpu.memory_space<vmem>> -> memref<1x128xi32, #tpu.memory_space<vmem>>
        %dma_wait3A_74 = tpu.memref_squeeze %dma_wait3A_73 : memref<1x128xi32, #tpu.memory_space<vmem>> -> memref<128xi32, #tpu.memory_space<vmem>>
        %dma_wait3A_75 = arith.constant 0 : i32
        %dma_wait3A_76 = arith.constant 0 : i32
        %dma_wait3A_77 = tpu.memref_slice %arg11[%dma_wait3A_75, %dma_wait3A_76] : memref<5120x128xf32, #tpu.memory_space<vmem_shared>> -> memref<5120x128xf32, #tpu.memory_space<vmem_shared>>
        tpu.wait_indirect_dma semaphore(%run_scoped3A : memref<!tpu.dma_semaphore, #tpu.memory_space<semaphore_mem>>) src(%arg9 : memref<128x128xf32, #tpu.memory_space<vmem>>) dst(%dma_wait3A_77 : memref<5120x128xf32, #tpu.memory_space<vmem_shared>>)
        tpu.yield
      }) : () -> ()
    }
    %scan3A_19 = arith.constant 80 : i32
    %dma_wait3A = arith.constant 0 : i32
    %dma_wait3A_20 = arith.constant 0 : i32
    %dma_wait3A_21 = tpu.memref_slice %arg6[%dma_wait3A, %dma_wait3A_20] : memref<160x128xi32, #tpu.memory_space<vmem>> -> memref<1x128xi32, #tpu.memory_space<vmem>>
    %dma_wait3A_22 = tpu.memref_squeeze %dma_wait3A_21 : memref<1x128xi32, #tpu.memory_space<vmem>> -> memref<128xi32, #tpu.memory_space<vmem>>
    %dma_wait3A_23 = arith.constant 0 : i32
    %dma_wait3A_24 = arith.constant 0 : i32
    %dma_wait3A_25 = tpu.memref_slice %arg2[%dma_wait3A_23, %dma_wait3A_24] : memref<10000x128xf32, #tpu.memory_space<hbm>> -> memref<10000x128xf32, #tpu.memory_space<hbm>>
    tpu.wait_indirect_dma semaphore(%arg12 : memref<!tpu.dma_semaphore, #tpu.memory_space<semaphore_mem>>) src(%dma_wait3A_25 : memref<10000x128xf32, #tpu.memory_space<hbm>>) dst(%arg8 : memref<128x128xf32, #tpu.memory_space<vmem>>)
    %barrier3A_26 = arith.constant 0 : index
    tpu.barrier barrier_id(%barrier3A_26)
    %scan3A_27 = arith.constant 0 : i32
    %scan3A_28 = arith.constant 5 : i32
    %scan3A_29 = arith.addi %scan3A_27, %scan3A_28 : i32
    %scan3A_30 = arith.constant 1 : i32
    scf.for %scan3A_32 = %scan3A_27 to %scan3A_29 step %scan3A_30  : i32 {
      %mul3A = arith.constant 1 : i32
      %mul3A_33 = arith.muli %scan3A_32, %mul3A : i32
      %add3A = arith.constant 0 : i32
      %add3A_34 = arith.addi %add3A, %mul3A_33 : i32
      %mul3A_35 = arith.constant 320 : i32
      %mul3A_36 = arith.muli %arg1, %mul3A_35 : i32
      %mul3A_37 = arith.constant 64 : i32
      %mul3A_38 = arith.muli %add3A_34, %mul3A_37 : i32
      %add3A_39 = arith.addi %mul3A_36, %mul3A_38 : i32
      "tpu.region"() ({
        %run_scoped3A = tpu.sem_alloc : memref<!tpu.dma_semaphore, #tpu.memory_space<semaphore_mem>>
        %dma_start3A_45 = arith.constant 0 : i32
        %dma_start3A_46 = tpu.memref_slice %arg11[%add3A_39, %dma_start3A_45] : memref<5120x128xf32, #tpu.memory_space<vmem_shared>> -> memref<64x128xf32, #tpu.memory_space<vmem_shared>>
        %dma_start3A_47 = arith.constant 0 : i32
        %dma_start3A_48 = tpu.memref_slice %arg11[%add3A_39, %dma_start3A_47] : memref<5120x128xf32, #tpu.memory_space<vmem_shared>> -> memref<64x128xf32, #tpu.memory_space<vmem_shared>>
        tpu.enqueue_dma source(%dma_start3A_48 : memref<64x128xf32, #tpu.memory_space<vmem_shared>>) target(%arg10 : memref<64x128xf32, #tpu.memory_space<vmem>>) target_semaphore(%run_scoped3A : memref<!tpu.dma_semaphore, #tpu.memory_space<semaphore_mem>>)
        %dma_wait3A_49 = arith.constant 0 : i32
        %dma_wait3A_50 = tpu.memref_slice %arg11[%add3A_39, %dma_wait3A_49] : memref<5120x128xf32, #tpu.memory_space<vmem_shared>> -> memref<64x128xf32, #tpu.memory_space<vmem_shared>>
        %dma_wait3A_51 = arith.constant 0 : i32
        %dma_wait3A_52 = tpu.memref_slice %arg11[%add3A_39, %dma_wait3A_51] : memref<5120x128xf32, #tpu.memory_space<vmem_shared>> -> memref<64x128xf32, #tpu.memory_space<vmem_shared>>
        tpu.wait_dma2 semaphore(%run_scoped3A : memref<!tpu.dma_semaphore, #tpu.memory_space<semaphore_mem>>) src(%dma_wait3A_52 : memref<64x128xf32, #tpu.memory_space<vmem_shared>>) dst(%arg10 : memref<64x128xf32, #tpu.memory_space<vmem>>)
        tpu.yield
      }) : () -> ()
      %mul3A_40 = arith.constant 320 : i32
      %mul3A_41 = arith.muli %arg1, %mul3A_40 : i32
      %mul3A_42 = arith.constant 64 : i32
      %mul3A_43 = arith.muli %add3A_34, %mul3A_42 : i32
      %add3A_44 = arith.addi %mul3A_41, %mul3A_43 : i32
      "tpu.region"() ({
        %run_scoped3A = tpu.sem_alloc : memref<!tpu.dma_semaphore, #tpu.memory_space<semaphore_mem>>
        %dma_start3A_45 = arith.constant 0 : i32
        %dma_start3A_46 = tpu.memref_slice %arg5[%arg0, %add3A_44, %dma_start3A_45] : memref<2x5120x128xf32, #tpu.memory_space<hbm>> -> memref<1x64x128xf32, #tpu.memory_space<hbm>>
        %dma_start3A_47 = tpu.memref_squeeze %dma_start3A_46 : memref<1x64x128xf32, #tpu.memory_space<hbm>> -> memref<64x128xf32, #tpu.memory_space<hbm>>
        %dma_start3A_48 = arith.constant 0 : i32
        %dma_start3A_49 = tpu.memref_slice %arg5[%arg0, %add3A_44, %dma_start3A_48] : memref<2x5120x128xf32, #tpu.memory_space<hbm>> -> memref<1x64x128xf32, #tpu.memory_space<hbm>>
        %dma_start3A_50 = tpu.memref_squeeze %dma_start3A_49 : memref<1x64x128xf32, #tpu.memory_space<hbm>> -> memref<64x128xf32, #tpu.memory_space<hbm>>
        tpu.enqueue_dma source(%arg10 : memref<64x128xf32, #tpu.memory_space<vmem>>) target(%dma_start3A_50 : memref<64x128xf32, #tpu.memory_space<hbm>>) target_semaphore(%run_scoped3A : memref<!tpu.dma_semaphore, #tpu.memory_space<semaphore_mem>>)
        %dma_wait3A_51 = arith.constant 0 : i32
        %dma_wait3A_52 = tpu.memref_slice %arg5[%arg0, %add3A_44, %dma_wait3A_51] : memref<2x5120x128xf32, #tpu.memory_space<hbm>> -> memref<1x64x128xf32, #tpu.memory_space<hbm>>
        %dma_wait3A_53 = tpu.memref_squeeze %dma_wait3A_52 : memref<1x64x128xf32, #tpu.memory_space<hbm>> -> memref<64x128xf32, #tpu.memory_space<hbm>>
        %dma_wait3A_54 = arith.constant 0 : i32
        %dma_wait3A_55 = tpu.memref_slice %arg5[%arg0, %add3A_44, %dma_wait3A_54] : memref<2x5120x128xf32, #tpu.memory_space<hbm>> -> memref<1x64x128xf32, #tpu.memory_space<hbm>>
        %dma_wait3A_56 = tpu.memref_squeeze %dma_wait3A_55 : memref<1x64x128xf32, #tpu.memory_space<hbm>> -> memref<64x128xf32, #tpu.memory_space<hbm>>
        tpu.wait_dma2 semaphore(%run_scoped3A : memref<!tpu.dma_semaphore, #tpu.memory_space<semaphore_mem>>) src(%arg10 : memref<64x128xf32, #tpu.memory_space<vmem>>) dst(%dma_wait3A_56 : memref<64x128xf32, #tpu.memory_space<hbm>>)
        tpu.yield
      }) : () -> ()
    }
    %scan3A_31 = arith.constant 5 : i32
    return
  }
}

#map = affine_map<(d0, d1) -> (0, 0, 0)>
#map1 = affine_map<(d0, d1) -> (0, 0)>
module attributes {stable_mosaic.version = 14 : i64} {
  func.func @_deg_kernel(%arg0: i32, %arg1: i32, %arg2: memref<32x80x128xi32, #tpu.memory_space<hbm>>, %arg3: memref<32x80x128xi32, #tpu.memory_space<hbm>>, %arg4: memref<2x22528xf32, #tpu.memory_space<hbm>>, %arg5: memref<80x128xi32, #tpu.memory_space<vmem>>, %arg6: memref<80x128xi32, #tpu.memory_space<vmem>>, %arg7: memref<128xf32, #tpu.memory_space<vmem>>, %arg8: memref<1408xf32, #tpu.memory_space<vmem>>, %arg9: memref<22528xf32, #tpu.memory_space<vmem_shared>>, %arg10: memref<!tpu.dma_semaphore, #tpu.memory_space<semaphore_mem>>) attributes {dimension_semantics = [#tpu.dimension_semantics<core_parallel>, #tpu.dimension_semantics<subcore_parallel>], iteration_bounds = array<i64: 2, 16>, scalar_prefetch = 0 : i64, scratch_operands = 6 : i64, tpu.core_type = #tpu.core_type<sc_vector_subcore>, window_params = [{transform_indices = #map}, {transform_indices = #map}, {transform_indices = #map1}]} {
    %mul3A = arith.constant 16 : i32
    %mul3A_0 = arith.muli %arg0, %mul3A : i32
    %add3A = arith.addi %mul3A_0, %arg1 : i32
    "tpu.region"() ({
      %run_scoped3A = tpu.sem_alloc : memref<!tpu.dma_semaphore, #tpu.memory_space<semaphore_mem>>
      %dma_start3A = arith.constant 0 : i32
      %dma_start3A_22 = arith.constant 0 : i32
      %dma_start3A_23 = tpu.memref_slice %arg2[%add3A, %dma_start3A, %dma_start3A_22] : memref<32x80x128xi32, #tpu.memory_space<hbm>> -> memref<1x80x128xi32, #tpu.memory_space<hbm>>
      %dma_start3A_24 = tpu.memref_squeeze %dma_start3A_23 : memref<1x80x128xi32, #tpu.memory_space<hbm>> -> memref<80x128xi32, #tpu.memory_space<hbm>>
      %dma_start3A_25 = arith.constant 0 : i32
      %dma_start3A_26 = arith.constant 0 : i32
      %dma_start3A_27 = tpu.memref_slice %arg2[%add3A, %dma_start3A_25, %dma_start3A_26] : memref<32x80x128xi32, #tpu.memory_space<hbm>> -> memref<1x80x128xi32, #tpu.memory_space<hbm>>
      %dma_start3A_28 = tpu.memref_squeeze %dma_start3A_27 : memref<1x80x128xi32, #tpu.memory_space<hbm>> -> memref<80x128xi32, #tpu.memory_space<hbm>>
      tpu.enqueue_dma source(%dma_start3A_28 : memref<80x128xi32, #tpu.memory_space<hbm>>) target(%arg5 : memref<80x128xi32, #tpu.memory_space<vmem>>) target_semaphore(%run_scoped3A : memref<!tpu.dma_semaphore, #tpu.memory_space<semaphore_mem>>)
      %dma_wait3A = arith.constant 0 : i32
      %dma_wait3A_29 = arith.constant 0 : i32
      %dma_wait3A_30 = tpu.memref_slice %arg2[%add3A, %dma_wait3A, %dma_wait3A_29] : memref<32x80x128xi32, #tpu.memory_space<hbm>> -> memref<1x80x128xi32, #tpu.memory_space<hbm>>
      %dma_wait3A_31 = tpu.memref_squeeze %dma_wait3A_30 : memref<1x80x128xi32, #tpu.memory_space<hbm>> -> memref<80x128xi32, #tpu.memory_space<hbm>>
      %dma_wait3A_32 = arith.constant 0 : i32
      %dma_wait3A_33 = arith.constant 0 : i32
      %dma_wait3A_34 = tpu.memref_slice %arg2[%add3A, %dma_wait3A_32, %dma_wait3A_33] : memref<32x80x128xi32, #tpu.memory_space<hbm>> -> memref<1x80x128xi32, #tpu.memory_space<hbm>>
      %dma_wait3A_35 = tpu.memref_squeeze %dma_wait3A_34 : memref<1x80x128xi32, #tpu.memory_space<hbm>> -> memref<80x128xi32, #tpu.memory_space<hbm>>
      tpu.wait_dma2 semaphore(%run_scoped3A : memref<!tpu.dma_semaphore, #tpu.memory_space<semaphore_mem>>) src(%dma_wait3A_35 : memref<80x128xi32, #tpu.memory_space<hbm>>) dst(%arg5 : memref<80x128xi32, #tpu.memory_space<vmem>>)
      tpu.yield
    }) : () -> ()
    "tpu.region"() ({
      %run_scoped3A = tpu.sem_alloc : memref<!tpu.dma_semaphore, #tpu.memory_space<semaphore_mem>>
      %dma_start3A = arith.constant 0 : i32
      %dma_start3A_22 = arith.constant 0 : i32
      %dma_start3A_23 = tpu.memref_slice %arg3[%add3A, %dma_start3A, %dma_start3A_22] : memref<32x80x128xi32, #tpu.memory_space<hbm>> -> memref<1x80x128xi32, #tpu.memory_space<hbm>>
      %dma_start3A_24 = tpu.memref_squeeze %dma_start3A_23 : memref<1x80x128xi32, #tpu.memory_space<hbm>> -> memref<80x128xi32, #tpu.memory_space<hbm>>
      %dma_start3A_25 = arith.constant 0 : i32
      %dma_start3A_26 = arith.constant 0 : i32
      %dma_start3A_27 = tpu.memref_slice %arg3[%add3A, %dma_start3A_25, %dma_start3A_26] : memref<32x80x128xi32, #tpu.memory_space<hbm>> -> memref<1x80x128xi32, #tpu.memory_space<hbm>>
      %dma_start3A_28 = tpu.memref_squeeze %dma_start3A_27 : memref<1x80x128xi32, #tpu.memory_space<hbm>> -> memref<80x128xi32, #tpu.memory_space<hbm>>
      tpu.enqueue_dma source(%dma_start3A_28 : memref<80x128xi32, #tpu.memory_space<hbm>>) target(%arg6 : memref<80x128xi32, #tpu.memory_space<vmem>>) target_semaphore(%run_scoped3A : memref<!tpu.dma_semaphore, #tpu.memory_space<semaphore_mem>>)
      %dma_wait3A = arith.constant 0 : i32
      %dma_wait3A_29 = arith.constant 0 : i32
      %dma_wait3A_30 = tpu.memref_slice %arg3[%add3A, %dma_wait3A, %dma_wait3A_29] : memref<32x80x128xi32, #tpu.memory_space<hbm>> -> memref<1x80x128xi32, #tpu.memory_space<hbm>>
      %dma_wait3A_31 = tpu.memref_squeeze %dma_wait3A_30 : memref<1x80x128xi32, #tpu.memory_space<hbm>> -> memref<80x128xi32, #tpu.memory_space<hbm>>
      %dma_wait3A_32 = arith.constant 0 : i32
      %dma_wait3A_33 = arith.constant 0 : i32
      %dma_wait3A_34 = tpu.memref_slice %arg3[%add3A, %dma_wait3A_32, %dma_wait3A_33] : memref<32x80x128xi32, #tpu.memory_space<hbm>> -> memref<1x80x128xi32, #tpu.memory_space<hbm>>
      %dma_wait3A_35 = tpu.memref_squeeze %dma_wait3A_34 : memref<1x80x128xi32, #tpu.memory_space<hbm>> -> memref<80x128xi32, #tpu.memory_space<hbm>>
      tpu.wait_dma2 semaphore(%run_scoped3A : memref<!tpu.dma_semaphore, #tpu.memory_space<semaphore_mem>>) src(%dma_wait3A_35 : memref<80x128xi32, #tpu.memory_space<hbm>>) dst(%arg6 : memref<80x128xi32, #tpu.memory_space<vmem>>)
      tpu.yield
    }) : () -> ()
    %scan3A = arith.constant 0 : i32
    %scan3A_1 = arith.constant 8 : i32
    %scan3A_2 = arith.addi %scan3A, %scan3A_1 : i32
    %scan3A_3 = arith.constant 1 : i32
    scf.for %scan3A_22 = %scan3A to %scan3A_2 step %scan3A_3  : i32 {
      %mul3A_23 = arith.constant 1 : i32
      %mul3A_24 = arith.muli %scan3A_22, %mul3A_23 : i32
      %add3A_25 = arith.constant 0 : i32
      %add3A_26 = arith.addi %add3A_25, %mul3A_24 : i32
      %broadcast_in_dim3A = arith.constant 1.000000e+00 : f32
      %broadcast_in_dim3A_27 = vector.broadcast %broadcast_in_dim3A : f32 to vector<16xf32>
      %mul3A_28 = arith.constant 16 : i32
      %mul3A_29 = arith.muli %add3A_26, %mul3A_28 : i32
      %swap3A = arith.index_cast %mul3A_29 : i32 to index
      %swap3A_30 = tpu.vector_load %arg7[%swap3A] {strides = array<i32>} : memref<128xf32, #tpu.memory_space<vmem>>, vector<16xf32>,
      %swap3A_31 = vector.shape_cast %swap3A_30 : vector<16xf32> to vector<16xf32>
      %swap3A_32 = vector.shape_cast %broadcast_in_dim3A_27 : vector<16xf32> to vector<16xf32>
      tpu.vector_store %arg7[%swap3A], %swap3A_32 {strides = array<i32>} : memref<128xf32, #tpu.memory_space<vmem>>, vector<16xf32>,
    }
    %scan3A_4 = arith.constant 8 : i32
    %scan3A_5 = arith.constant 0 : i32
    %scan3A_6 = arith.constant 88 : i32
    %scan3A_7 = arith.addi %scan3A_5, %scan3A_6 : i32
    %scan3A_8 = arith.constant 1 : i32
    scf.for %scan3A_22 = %scan3A_5 to %scan3A_7 step %scan3A_8  : i32 {
      %mul3A_23 = arith.constant 1 : i32
      %mul3A_24 = arith.muli %scan3A_22, %mul3A_23 : i32
      %add3A_25 = arith.constant 0 : i32
      %add3A_26 = arith.addi %add3A_25, %mul3A_24 : i32
      %broadcast_in_dim3A = arith.constant 0.000000e+00 : f32
      %broadcast_in_dim3A_27 = vector.broadcast %broadcast_in_dim3A : f32 to vector<16xf32>
      %mul3A_28 = arith.constant 16 : i32
      %mul3A_29 = arith.muli %add3A_26, %mul3A_28 : i32
      %swap3A = arith.index_cast %mul3A_29 : i32 to index
      %swap3A_30 = tpu.vector_load %arg8[%swap3A] {strides = array<i32>} : memref<1408xf32, #tpu.memory_space<vmem>>, vector<16xf32>,
      %swap3A_31 = vector.shape_cast %swap3A_30 : vector<16xf32> to vector<16xf32>
      %swap3A_32 = vector.shape_cast %broadcast_in_dim3A_27 : vector<16xf32> to vector<16xf32>
      tpu.vector_store %arg8[%swap3A], %swap3A_32 {strides = array<i32>} : memref<1408xf32, #tpu.memory_space<vmem>>, vector<16xf32>,
    }
    %scan3A_9 = arith.constant 88 : i32
    %mul3A_10 = arith.constant 1408 : i32
    %mul3A_11 = arith.muli %arg1, %mul3A_10 : i32
    "tpu.region"() ({
      %run_scoped3A = tpu.sem_alloc : memref<!tpu.dma_semaphore, #tpu.memory_space<semaphore_mem>>
      %dma_start3A = tpu.memref_slice %arg9[%mul3A_11] : memref<22528xf32, #tpu.memory_space<vmem_shared>> -> memref<1408xf32, #tpu.memory_space<vmem_shared>>
      %dma_start3A_22 = tpu.memref_slice %arg9[%mul3A_11] : memref<22528xf32, #tpu.memory_space<vmem_shared>> -> memref<1408xf32, #tpu.memory_space<vmem_shared>>
      tpu.enqueue_dma source(%arg8 : memref<1408xf32, #tpu.memory_space<vmem>>) target(%dma_start3A_22 : memref<1408xf32, #tpu.memory_space<vmem_shared>>) target_semaphore(%run_scoped3A : memref<!tpu.dma_semaphore, #tpu.memory_space<semaphore_mem>>)
      %dma_wait3A = tpu.memref_slice %arg9[%mul3A_11] : memref<22528xf32, #tpu.memory_space<vmem_shared>> -> memref<1408xf32, #tpu.memory_space<vmem_shared>>
      %dma_wait3A_23 = tpu.memref_slice %arg9[%mul3A_11] : memref<22528xf32, #tpu.memory_space<vmem_shared>> -> memref<1408xf32, #tpu.memory_space<vmem_shared>>
      tpu.wait_dma2 semaphore(%run_scoped3A : memref<!tpu.dma_semaphore, #tpu.memory_space<semaphore_mem>>) src(%arg8 : memref<1408xf32, #tpu.memory_space<vmem>>) dst(%dma_wait3A_23 : memref<1408xf32, #tpu.memory_space<vmem_shared>>)
      tpu.yield
    }) : () -> ()
    %barrier3A = arith.constant 0 : index
    tpu.barrier barrier_id(%barrier3A)
    %scan3A_12 = arith.constant 0 : i32
    %scan3A_13 = arith.constant 10 : i32
    %scan3A_14 = arith.addi %scan3A_12, %scan3A_13 : i32
    %scan3A_15 = arith.constant 1 : i32
    scf.for %scan3A_22 = %scan3A_12 to %scan3A_14 step %scan3A_15  : i32 {
      %mul3A_23 = arith.constant 1 : i32
      %mul3A_24 = arith.muli %scan3A_22, %mul3A_23 : i32
      %add3A_25 = arith.constant 0 : i32
      %add3A_26 = arith.addi %add3A_25, %mul3A_24 : i32
      %mul3A_27 = arith.constant 8 : i32
      %mul3A_28 = arith.muli %add3A_26, %mul3A_27 : i32
      %add3A_29 = arith.constant 0 : i32
      %add3A_30 = arith.addi %mul3A_28, %add3A_29 : i32
      %dma_start3A = arith.constant 0 : i32
      %dma_start3A_31 = tpu.memref_slice %arg5[%add3A_30, %dma_start3A] : memref<80x128xi32, #tpu.memory_space<vmem>> -> memref<1x128xi32, #tpu.memory_space<vmem>>
      %dma_start3A_32 = tpu.memref_squeeze %dma_start3A_31 : memref<1x128xi32, #tpu.memory_space<vmem>> -> memref<128xi32, #tpu.memory_space<vmem>>
      %dma_start3A_33 = arith.constant 0 : i32
      %dma_start3A_34 = tpu.memref_slice %arg9[%dma_start3A_33] : memref<22528xf32, #tpu.memory_space<vmem_shared>> -> memref<22528xf32, #tpu.memory_space<vmem_shared>>
      tpu.enqueue_indirect_dma source(%arg7 : memref<128xf32, #tpu.memory_space<vmem>>) target(%dma_start3A_34 : memref<22528xf32, #tpu.memory_space<vmem_shared>>) offsets(%dma_start3A_32 : memref<128xi32, #tpu.memory_space<vmem>>) semaphore(%arg10 : memref<!tpu.dma_semaphore, #tpu.memory_space<semaphore_mem>>) {add = true}
      %dma_start3A_35 = arith.constant 0 : i32
      %dma_start3A_36 = tpu.memref_slice %arg6[%add3A_30, %dma_start3A_35] : memref<80x128xi32, #tpu.memory_space<vmem>> -> memref<1x128xi32, #tpu.memory_space<vmem>>
      %dma_start3A_37 = tpu.memref_squeeze %dma_start3A_36 : memref<1x128xi32, #tpu.memory_space<vmem>> -> memref<128xi32, #tpu.memory_space<vmem>>
      %dma_start3A_38 = arith.constant 0 : i32
      %dma_start3A_39 = tpu.memref_slice %arg9[%dma_start3A_38] : memref<22528xf32, #tpu.memory_space<vmem_shared>> -> memref<22528xf32, #tpu.memory_space<vmem_shared>>
      tpu.enqueue_indirect_dma source(%arg7 : memref<128xf32, #tpu.memory_space<vmem>>) target(%dma_start3A_39 : memref<22528xf32, #tpu.memory_space<vmem_shared>>) offsets(%dma_start3A_37 : memref<128xi32, #tpu.memory_space<vmem>>) semaphore(%arg10 : memref<!tpu.dma_semaphore, #tpu.memory_space<semaphore_mem>>) {add = true}
      %mul3A_40 = arith.constant 8 : i32
      %mul3A_41 = arith.muli %add3A_26, %mul3A_40 : i32
      %add3A_42 = arith.constant 1 : i32
      %add3A_43 = arith.addi %mul3A_41, %add3A_42 : i32
      %dma_start3A_44 = arith.constant 0 : i32
      %dma_start3A_45 = tpu.memref_slice %arg5[%add3A_43, %dma_start3A_44] : memref<80x128xi32, #tpu.memory_space<vmem>> -> memref<1x128xi32, #tpu.memory_space<vmem>>
      %dma_start3A_46 = tpu.memref_squeeze %dma_start3A_45 : memref<1x128xi32, #tpu.memory_space<vmem>> -> memref<128xi32, #tpu.memory_space<vmem>>
      %dma_start3A_47 = arith.constant 0 : i32
      %dma_start3A_48 = tpu.memref_slice %arg9[%dma_start3A_47] : memref<22528xf32, #tpu.memory_space<vmem_shared>> -> memref<22528xf32, #tpu.memory_space<vmem_shared>>
      tpu.enqueue_indirect_dma source(%arg7 : memref<128xf32, #tpu.memory_space<vmem>>) target(%dma_start3A_48 : memref<22528xf32, #tpu.memory_space<vmem_shared>>) offsets(%dma_start3A_46 : memref<128xi32, #tpu.memory_space<vmem>>) semaphore(%arg10 : memref<!tpu.dma_semaphore, #tpu.memory_space<semaphore_mem>>) {add = true}
      %dma_start3A_49 = arith.constant 0 : i32
      %dma_start3A_50 = tpu.memref_slice %arg6[%add3A_43, %dma_start3A_49] : memref<80x128xi32, #tpu.memory_space<vmem>> -> memref<1x128xi32, #tpu.memory_space<vmem>>
      %dma_start3A_51 = tpu.memref_squeeze %dma_start3A_50 : memref<1x128xi32, #tpu.memory_space<vmem>> -> memref<128xi32, #tpu.memory_space<vmem>>
      %dma_start3A_52 = arith.constant 0 : i32
      %dma_start3A_53 = tpu.memref_slice %arg9[%dma_start3A_52] : memref<22528xf32, #tpu.memory_space<vmem_shared>> -> memref<22528xf32, #tpu.memory_space<vmem_shared>>
      tpu.enqueue_indirect_dma source(%arg7 : memref<128xf32, #tpu.memory_space<vmem>>) target(%dma_start3A_53 : memref<22528xf32, #tpu.memory_space<vmem_shared>>) offsets(%dma_start3A_51 : memref<128xi32, #tpu.memory_space<vmem>>) semaphore(%arg10 : memref<!tpu.dma_semaphore, #tpu.memory_space<semaphore_mem>>) {add = true}
      %mul3A_54 = arith.constant 8 : i32
      %mul3A_55 = arith.muli %add3A_26, %mul3A_54 : i32
      %add3A_56 = arith.constant 2 : i32
      %add3A_57 = arith.addi %mul3A_55, %add3A_56 : i32
      %dma_start3A_58 = arith.constant 0 : i32
      %dma_start3A_59 = tpu.memref_slice %arg5[%add3A_57, %dma_start3A_58] : memref<80x128xi32, #tpu.memory_space<vmem>> -> memref<1x128xi32, #tpu.memory_space<vmem>>
      %dma_start3A_60 = tpu.memref_squeeze %dma_start3A_59 : memref<1x128xi32, #tpu.memory_space<vmem>> -> memref<128xi32, #tpu.memory_space<vmem>>
      %dma_start3A_61 = arith.constant 0 : i32
      %dma_start3A_62 = tpu.memref_slice %arg9[%dma_start3A_61] : memref<22528xf32, #tpu.memory_space<vmem_shared>> -> memref<22528xf32, #tpu.memory_space<vmem_shared>>
      tpu.enqueue_indirect_dma source(%arg7 : memref<128xf32, #tpu.memory_space<vmem>>) target(%dma_start3A_62 : memref<22528xf32, #tpu.memory_space<vmem_shared>>) offsets(%dma_start3A_60 : memref<128xi32, #tpu.memory_space<vmem>>) semaphore(%arg10 : memref<!tpu.dma_semaphore, #tpu.memory_space<semaphore_mem>>) {add = true}
      %dma_start3A_63 = arith.constant 0 : i32
      %dma_start3A_64 = tpu.memref_slice %arg6[%add3A_57, %dma_start3A_63] : memref<80x128xi32, #tpu.memory_space<vmem>> -> memref<1x128xi32, #tpu.memory_space<vmem>>
      %dma_start3A_65 = tpu.memref_squeeze %dma_start3A_64 : memref<1x128xi32, #tpu.memory_space<vmem>> -> memref<128xi32, #tpu.memory_space<vmem>>
      %dma_start3A_66 = arith.constant 0 : i32
      %dma_start3A_67 = tpu.memref_slice %arg9[%dma_start3A_66] : memref<22528xf32, #tpu.memory_space<vmem_shared>> -> memref<22528xf32, #tpu.memory_space<vmem_shared>>
      tpu.enqueue_indirect_dma source(%arg7 : memref<128xf32, #tpu.memory_space<vmem>>) target(%dma_start3A_67 : memref<22528xf32, #tpu.memory_space<vmem_shared>>) offsets(%dma_start3A_65 : memref<128xi32, #tpu.memory_space<vmem>>) semaphore(%arg10 : memref<!tpu.dma_semaphore, #tpu.memory_space<semaphore_mem>>) {add = true}
      %mul3A_68 = arith.constant 8 : i32
      %mul3A_69 = arith.muli %add3A_26, %mul3A_68 : i32
      %add3A_70 = arith.constant 3 : i32
      %add3A_71 = arith.addi %mul3A_69, %add3A_70 : i32
      %dma_start3A_72 = arith.constant 0 : i32
      %dma_start3A_73 = tpu.memref_slice %arg5[%add3A_71, %dma_start3A_72] : memref<80x128xi32, #tpu.memory_space<vmem>> -> memref<1x128xi32, #tpu.memory_space<vmem>>
      %dma_start3A_74 = tpu.memref_squeeze %dma_start3A_73 : memref<1x128xi32, #tpu.memory_space<vmem>> -> memref<128xi32, #tpu.memory_space<vmem>>
      %dma_start3A_75 = arith.constant 0 : i32
      %dma_start3A_76 = tpu.memref_slice %arg9[%dma_start3A_75] : memref<22528xf32, #tpu.memory_space<vmem_shared>> -> memref<22528xf32, #tpu.memory_space<vmem_shared>>
      tpu.enqueue_indirect_dma source(%arg7 : memref<128xf32, #tpu.memory_space<vmem>>) target(%dma_start3A_76 : memref<22528xf32, #tpu.memory_space<vmem_shared>>) offsets(%dma_start3A_74 : memref<128xi32, #tpu.memory_space<vmem>>) semaphore(%arg10 : memref<!tpu.dma_semaphore, #tpu.memory_space<semaphore_mem>>) {add = true}
      %dma_start3A_77 = arith.constant 0 : i32
      %dma_start3A_78 = tpu.memref_slice %arg6[%add3A_71, %dma_start3A_77] : memref<80x128xi32, #tpu.memory_space<vmem>> -> memref<1x128xi32, #tpu.memory_space<vmem>>
      %dma_start3A_79 = tpu.memref_squeeze %dma_start3A_78 : memref<1x128xi32, #tpu.memory_space<vmem>> -> memref<128xi32, #tpu.memory_space<vmem>>
      %dma_start3A_80 = arith.constant 0 : i32
      %dma_start3A_81 = tpu.memref_slice %arg9[%dma_start3A_80] : memref<22528xf32, #tpu.memory_space<vmem_shared>> -> memref<22528xf32, #tpu.memory_space<vmem_shared>>
      tpu.enqueue_indirect_dma source(%arg7 : memref<128xf32, #tpu.memory_space<vmem>>) target(%dma_start3A_81 : memref<22528xf32, #tpu.memory_space<vmem_shared>>) offsets(%dma_start3A_79 : memref<128xi32, #tpu.memory_space<vmem>>) semaphore(%arg10 : memref<!tpu.dma_semaphore, #tpu.memory_space<semaphore_mem>>) {add = true}
      %mul3A_82 = arith.constant 8 : i32
      %mul3A_83 = arith.muli %add3A_26, %mul3A_82 : i32
      %add3A_84 = arith.constant 4 : i32
      %add3A_85 = arith.addi %mul3A_83, %add3A_84 : i32
      %dma_start3A_86 = arith.constant 0 : i32
      %dma_start3A_87 = tpu.memref_slice %arg5[%add3A_85, %dma_start3A_86] : memref<80x128xi32, #tpu.memory_space<vmem>> -> memref<1x128xi32, #tpu.memory_space<vmem>>
      %dma_start3A_88 = tpu.memref_squeeze %dma_start3A_87 : memref<1x128xi32, #tpu.memory_space<vmem>> -> memref<128xi32, #tpu.memory_space<vmem>>
      %dma_start3A_89 = arith.constant 0 : i32
      %dma_start3A_90 = tpu.memref_slice %arg9[%dma_start3A_89] : memref<22528xf32, #tpu.memory_space<vmem_shared>> -> memref<22528xf32, #tpu.memory_space<vmem_shared>>
      tpu.enqueue_indirect_dma source(%arg7 : memref<128xf32, #tpu.memory_space<vmem>>) target(%dma_start3A_90 : memref<22528xf32, #tpu.memory_space<vmem_shared>>) offsets(%dma_start3A_88 : memref<128xi32, #tpu.memory_space<vmem>>) semaphore(%arg10 : memref<!tpu.dma_semaphore, #tpu.memory_space<semaphore_mem>>) {add = true}
      %dma_start3A_91 = arith.constant 0 : i32
      %dma_start3A_92 = tpu.memref_slice %arg6[%add3A_85, %dma_start3A_91] : memref<80x128xi32, #tpu.memory_space<vmem>> -> memref<1x128xi32, #tpu.memory_space<vmem>>
      %dma_start3A_93 = tpu.memref_squeeze %dma_start3A_92 : memref<1x128xi32, #tpu.memory_space<vmem>> -> memref<128xi32, #tpu.memory_space<vmem>>
      %dma_start3A_94 = arith.constant 0 : i32
      %dma_start3A_95 = tpu.memref_slice %arg9[%dma_start3A_94] : memref<22528xf32, #tpu.memory_space<vmem_shared>> -> memref<22528xf32, #tpu.memory_space<vmem_shared>>
      tpu.enqueue_indirect_dma source(%arg7 : memref<128xf32, #tpu.memory_space<vmem>>) target(%dma_start3A_95 : memref<22528xf32, #tpu.memory_space<vmem_shared>>) offsets(%dma_start3A_93 : memref<128xi32, #tpu.memory_space<vmem>>) semaphore(%arg10 : memref<!tpu.dma_semaphore, #tpu.memory_space<semaphore_mem>>) {add = true}
      %mul3A_96 = arith.constant 8 : i32
      %mul3A_97 = arith.muli %add3A_26, %mul3A_96 : i32
      %add3A_98 = arith.constant 5 : i32
      %add3A_99 = arith.addi %mul3A_97, %add3A_98 : i32
      %dma_start3A_100 = arith.constant 0 : i32
      %dma_start3A_101 = tpu.memref_slice %arg5[%add3A_99, %dma_start3A_100] : memref<80x128xi32, #tpu.memory_space<vmem>> -> memref<1x128xi32, #tpu.memory_space<vmem>>
      %dma_start3A_102 = tpu.memref_squeeze %dma_start3A_101 : memref<1x128xi32, #tpu.memory_space<vmem>> -> memref<128xi32, #tpu.memory_space<vmem>>
      %dma_start3A_103 = arith.constant 0 : i32
      %dma_start3A_104 = tpu.memref_slice %arg9[%dma_start3A_103] : memref<22528xf32, #tpu.memory_space<vmem_shared>> -> memref<22528xf32, #tpu.memory_space<vmem_shared>>
      tpu.enqueue_indirect_dma source(%arg7 : memref<128xf32, #tpu.memory_space<vmem>>) target(%dma_start3A_104 : memref<22528xf32, #tpu.memory_space<vmem_shared>>) offsets(%dma_start3A_102 : memref<128xi32, #tpu.memory_space<vmem>>) semaphore(%arg10 : memref<!tpu.dma_semaphore, #tpu.memory_space<semaphore_mem>>) {add = true}
      %dma_start3A_105 = arith.constant 0 : i32
      %dma_start3A_106 = tpu.memref_slice %arg6[%add3A_99, %dma_start3A_105] : memref<80x128xi32, #tpu.memory_space<vmem>> -> memref<1x128xi32, #tpu.memory_space<vmem>>
      %dma_start3A_107 = tpu.memref_squeeze %dma_start3A_106 : memref<1x128xi32, #tpu.memory_space<vmem>> -> memref<128xi32, #tpu.memory_space<vmem>>
      %dma_start3A_108 = arith.constant 0 : i32
      %dma_start3A_109 = tpu.memref_slice %arg9[%dma_start3A_108] : memref<22528xf32, #tpu.memory_space<vmem_shared>> -> memref<22528xf32, #tpu.memory_space<vmem_shared>>
      tpu.enqueue_indirect_dma source(%arg7 : memref<128xf32, #tpu.memory_space<vmem>>) target(%dma_start3A_109 : memref<22528xf32, #tpu.memory_space<vmem_shared>>) offsets(%dma_start3A_107 : memref<128xi32, #tpu.memory_space<vmem>>) semaphore(%arg10 : memref<!tpu.dma_semaphore, #tpu.memory_space<semaphore_mem>>) {add = true}
      %mul3A_110 = arith.constant 8 : i32
      %mul3A_111 = arith.muli %add3A_26, %mul3A_110 : i32
      %add3A_112 = arith.constant 6 : i32
      %add3A_113 = arith.addi %mul3A_111, %add3A_112 : i32
      %dma_start3A_114 = arith.constant 0 : i32
      %dma_start3A_115 = tpu.memref_slice %arg5[%add3A_113, %dma_start3A_114] : memref<80x128xi32, #tpu.memory_space<vmem>> -> memref<1x128xi32, #tpu.memory_space<vmem>>
      %dma_start3A_116 = tpu.memref_squeeze %dma_start3A_115 : memref<1x128xi32, #tpu.memory_space<vmem>> -> memref<128xi32, #tpu.memory_space<vmem>>
      %dma_start3A_117 = arith.constant 0 : i32
      %dma_start3A_118 = tpu.memref_slice %arg9[%dma_start3A_117] : memref<22528xf32, #tpu.memory_space<vmem_shared>> -> memref<22528xf32, #tpu.memory_space<vmem_shared>>
      tpu.enqueue_indirect_dma source(%arg7 : memref<128xf32, #tpu.memory_space<vmem>>) target(%dma_start3A_118 : memref<22528xf32, #tpu.memory_space<vmem_shared>>) offsets(%dma_start3A_116 : memref<128xi32, #tpu.memory_space<vmem>>) semaphore(%arg10 : memref<!tpu.dma_semaphore, #tpu.memory_space<semaphore_mem>>) {add = true}
      %dma_start3A_119 = arith.constant 0 : i32
      %dma_start3A_120 = tpu.memref_slice %arg6[%add3A_113, %dma_start3A_119] : memref<80x128xi32, #tpu.memory_space<vmem>> -> memref<1x128xi32, #tpu.memory_space<vmem>>
      %dma_start3A_121 = tpu.memref_squeeze %dma_start3A_120 : memref<1x128xi32, #tpu.memory_space<vmem>> -> memref<128xi32, #tpu.memory_space<vmem>>
      %dma_start3A_122 = arith.constant 0 : i32
      %dma_start3A_123 = tpu.memref_slice %arg9[%dma_start3A_122] : memref<22528xf32, #tpu.memory_space<vmem_shared>> -> memref<22528xf32, #tpu.memory_space<vmem_shared>>
      tpu.enqueue_indirect_dma source(%arg7 : memref<128xf32, #tpu.memory_space<vmem>>) target(%dma_start3A_123 : memref<22528xf32, #tpu.memory_space<vmem_shared>>) offsets(%dma_start3A_121 : memref<128xi32, #tpu.memory_space<vmem>>) semaphore(%arg10 : memref<!tpu.dma_semaphore, #tpu.memory_space<semaphore_mem>>) {add = true}
      %mul3A_124 = arith.constant 8 : i32
      %mul3A_125 = arith.muli %add3A_26, %mul3A_124 : i32
      %add3A_126 = arith.constant 7 : i32
      %add3A_127 = arith.addi %mul3A_125, %add3A_126 : i32
      %dma_start3A_128 = arith.constant 0 : i32
      %dma_start3A_129 = tpu.memref_slice %arg5[%add3A_127, %dma_start3A_128] : memref<80x128xi32, #tpu.memory_space<vmem>> -> memref<1x128xi32, #tpu.memory_space<vmem>>
      %dma_start3A_130 = tpu.memref_squeeze %dma_start3A_129 : memref<1x128xi32, #tpu.memory_space<vmem>> -> memref<128xi32, #tpu.memory_space<vmem>>
      %dma_start3A_131 = arith.constant 0 : i32
      %dma_start3A_132 = tpu.memref_slice %arg9[%dma_start3A_131] : memref<22528xf32, #tpu.memory_space<vmem_shared>> -> memref<22528xf32, #tpu.memory_space<vmem_shared>>
      tpu.enqueue_indirect_dma source(%arg7 : memref<128xf32, #tpu.memory_space<vmem>>) target(%dma_start3A_132 : memref<22528xf32, #tpu.memory_space<vmem_shared>>) offsets(%dma_start3A_130 : memref<128xi32, #tpu.memory_space<vmem>>) semaphore(%arg10 : memref<!tpu.dma_semaphore, #tpu.memory_space<semaphore_mem>>) {add = true}
      %dma_start3A_133 = arith.constant 0 : i32
      %dma_start3A_134 = tpu.memref_slice %arg6[%add3A_127, %dma_start3A_133] : memref<80x128xi32, #tpu.memory_space<vmem>> -> memref<1x128xi32, #tpu.memory_space<vmem>>
      %dma_start3A_135 = tpu.memref_squeeze %dma_start3A_134 : memref<1x128xi32, #tpu.memory_space<vmem>> -> memref<128xi32, #tpu.memory_space<vmem>>
      %dma_start3A_136 = arith.constant 0 : i32
      %dma_start3A_137 = tpu.memref_slice %arg9[%dma_start3A_136] : memref<22528xf32, #tpu.memory_space<vmem_shared>> -> memref<22528xf32, #tpu.memory_space<vmem_shared>>
      tpu.enqueue_indirect_dma source(%arg7 : memref<128xf32, #tpu.memory_space<vmem>>) target(%dma_start3A_137 : memref<22528xf32, #tpu.memory_space<vmem_shared>>) offsets(%dma_start3A_135 : memref<128xi32, #tpu.memory_space<vmem>>) semaphore(%arg10 : memref<!tpu.dma_semaphore, #tpu.memory_space<semaphore_mem>>) {add = true}
      %mul3A_138 = arith.constant 8 : i32
      %mul3A_139 = arith.muli %add3A_26, %mul3A_138 : i32
      %add3A_140 = arith.constant 0 : i32
      %add3A_141 = arith.addi %mul3A_139, %add3A_140 : i32
      %dma_wait3A = arith.constant 0 : i32
      %dma_wait3A_142 = tpu.memref_slice %arg5[%add3A_141, %dma_wait3A] : memref<80x128xi32, #tpu.memory_space<vmem>> -> memref<1x128xi32, #tpu.memory_space<vmem>>
      %dma_wait3A_143 = tpu.memref_squeeze %dma_wait3A_142 : memref<1x128xi32, #tpu.memory_space<vmem>> -> memref<128xi32, #tpu.memory_space<vmem>>
      %dma_wait3A_144 = arith.constant 0 : i32
      %dma_wait3A_145 = tpu.memref_slice %arg9[%dma_wait3A_144] : memref<22528xf32, #tpu.memory_space<vmem_shared>> -> memref<22528xf32, #tpu.memory_space<vmem_shared>>
      tpu.wait_indirect_dma semaphore(%arg10 : memref<!tpu.dma_semaphore, #tpu.memory_space<semaphore_mem>>) src(%arg7 : memref<128xf32, #tpu.memory_space<vmem>>) dst(%dma_wait3A_145 : memref<22528xf32, #tpu.memory_space<vmem_shared>>)
      %dma_wait3A_146 = arith.constant 0 : i32
      %dma_wait3A_147 = tpu.memref_slice %arg6[%add3A_141, %dma_wait3A_146] : memref<80x128xi32, #tpu.memory_space<vmem>> -> memref<1x128xi32, #tpu.memory_space<vmem>>
      %dma_wait3A_148 = tpu.memref_squeeze %dma_wait3A_147 : memref<1x128xi32, #tpu.memory_space<vmem>> -> memref<128xi32, #tpu.memory_space<vmem>>
      %dma_wait3A_149 = arith.constant 0 : i32
      %dma_wait3A_150 = tpu.memref_slice %arg9[%dma_wait3A_149] : memref<22528xf32, #tpu.memory_space<vmem_shared>> -> memref<22528xf32, #tpu.memory_space<vmem_shared>>
      tpu.wait_indirect_dma semaphore(%arg10 : memref<!tpu.dma_semaphore, #tpu.memory_space<semaphore_mem>>) src(%arg7 : memref<128xf32, #tpu.memory_space<vmem>>) dst(%dma_wait3A_150 : memref<22528xf32, #tpu.memory_space<vmem_shared>>)
      %mul3A_151 = arith.constant 8 : i32
      %mul3A_152 = arith.muli %add3A_26, %mul3A_151 : i32
      %add3A_153 = arith.constant 1 : i32
      %add3A_154 = arith.addi %mul3A_152, %add3A_153 : i32
      %dma_wait3A_155 = arith.constant 0 : i32
      %dma_wait3A_156 = tpu.memref_slice %arg5[%add3A_154, %dma_wait3A_155] : memref<80x128xi32, #tpu.memory_space<vmem>> -> memref<1x128xi32, #tpu.memory_space<vmem>>
      %dma_wait3A_157 = tpu.memref_squeeze %dma_wait3A_156 : memref<1x128xi32, #tpu.memory_space<vmem>> -> memref<128xi32, #tpu.memory_space<vmem>>
      %dma_wait3A_158 = arith.constant 0 : i32
      %dma_wait3A_159 = tpu.memref_slice %arg9[%dma_wait3A_158] : memref<22528xf32, #tpu.memory_space<vmem_shared>> -> memref<22528xf32, #tpu.memory_space<vmem_shared>>
      tpu.wait_indirect_dma semaphore(%arg10 : memref<!tpu.dma_semaphore, #tpu.memory_space<semaphore_mem>>) src(%arg7 : memref<128xf32, #tpu.memory_space<vmem>>) dst(%dma_wait3A_159 : memref<22528xf32, #tpu.memory_space<vmem_shared>>)
      %dma_wait3A_160 = arith.constant 0 : i32
      %dma_wait3A_161 = tpu.memref_slice %arg6[%add3A_154, %dma_wait3A_160] : memref<80x128xi32, #tpu.memory_space<vmem>> -> memref<1x128xi32, #tpu.memory_space<vmem>>
      %dma_wait3A_162 = tpu.memref_squeeze %dma_wait3A_161 : memref<1x128xi32, #tpu.memory_space<vmem>> -> memref<128xi32, #tpu.memory_space<vmem>>
      %dma_wait3A_163 = arith.constant 0 : i32
      %dma_wait3A_164 = tpu.memref_slice %arg9[%dma_wait3A_163] : memref<22528xf32, #tpu.memory_space<vmem_shared>> -> memref<22528xf32, #tpu.memory_space<vmem_shared>>
      tpu.wait_indirect_dma semaphore(%arg10 : memref<!tpu.dma_semaphore, #tpu.memory_space<semaphore_mem>>) src(%arg7 : memref<128xf32, #tpu.memory_space<vmem>>) dst(%dma_wait3A_164 : memref<22528xf32, #tpu.memory_space<vmem_shared>>)
      %mul3A_165 = arith.constant 8 : i32
      %mul3A_166 = arith.muli %add3A_26, %mul3A_165 : i32
      %add3A_167 = arith.constant 2 : i32
      %add3A_168 = arith.addi %mul3A_166, %add3A_167 : i32
      %dma_wait3A_169 = arith.constant 0 : i32
      %dma_wait3A_170 = tpu.memref_slice %arg5[%add3A_168, %dma_wait3A_169] : memref<80x128xi32, #tpu.memory_space<vmem>> -> memref<1x128xi32, #tpu.memory_space<vmem>>
      %dma_wait3A_171 = tpu.memref_squeeze %dma_wait3A_170 : memref<1x128xi32, #tpu.memory_space<vmem>> -> memref<128xi32, #tpu.memory_space<vmem>>
      %dma_wait3A_172 = arith.constant 0 : i32
      %dma_wait3A_173 = tpu.memref_slice %arg9[%dma_wait3A_172] : memref<22528xf32, #tpu.memory_space<vmem_shared>> -> memref<22528xf32, #tpu.memory_space<vmem_shared>>
      tpu.wait_indirect_dma semaphore(%arg10 : memref<!tpu.dma_semaphore, #tpu.memory_space<semaphore_mem>>) src(%arg7 : memref<128xf32, #tpu.memory_space<vmem>>) dst(%dma_wait3A_173 : memref<22528xf32, #tpu.memory_space<vmem_shared>>)
      %dma_wait3A_174 = arith.constant 0 : i32
      %dma_wait3A_175 = tpu.memref_slice %arg6[%add3A_168, %dma_wait3A_174] : memref<80x128xi32, #tpu.memory_space<vmem>> -> memref<1x128xi32, #tpu.memory_space<vmem>>
      %dma_wait3A_176 = tpu.memref_squeeze %dma_wait3A_175 : memref<1x128xi32, #tpu.memory_space<vmem>> -> memref<128xi32, #tpu.memory_space<vmem>>
      %dma_wait3A_177 = arith.constant 0 : i32
      %dma_wait3A_178 = tpu.memref_slice %arg9[%dma_wait3A_177] : memref<22528xf32, #tpu.memory_space<vmem_shared>> -> memref<22528xf32, #tpu.memory_space<vmem_shared>>
      tpu.wait_indirect_dma semaphore(%arg10 : memref<!tpu.dma_semaphore, #tpu.memory_space<semaphore_mem>>) src(%arg7 : memref<128xf32, #tpu.memory_space<vmem>>) dst(%dma_wait3A_178 : memref<22528xf32, #tpu.memory_space<vmem_shared>>)
      %mul3A_179 = arith.constant 8 : i32
      %mul3A_180 = arith.muli %add3A_26, %mul3A_179 : i32
      %add3A_181 = arith.constant 3 : i32
      %add3A_182 = arith.addi %mul3A_180, %add3A_181 : i32
      %dma_wait3A_183 = arith.constant 0 : i32
      %dma_wait3A_184 = tpu.memref_slice %arg5[%add3A_182, %dma_wait3A_183] : memref<80x128xi32, #tpu.memory_space<vmem>> -> memref<1x128xi32, #tpu.memory_space<vmem>>
      %dma_wait3A_185 = tpu.memref_squeeze %dma_wait3A_184 : memref<1x128xi32, #tpu.memory_space<vmem>> -> memref<128xi32, #tpu.memory_space<vmem>>
      %dma_wait3A_186 = arith.constant 0 : i32
      %dma_wait3A_187 = tpu.memref_slice %arg9[%dma_wait3A_186] : memref<22528xf32, #tpu.memory_space<vmem_shared>> -> memref<22528xf32, #tpu.memory_space<vmem_shared>>
      tpu.wait_indirect_dma semaphore(%arg10 : memref<!tpu.dma_semaphore, #tpu.memory_space<semaphore_mem>>) src(%arg7 : memref<128xf32, #tpu.memory_space<vmem>>) dst(%dma_wait3A_187 : memref<22528xf32, #tpu.memory_space<vmem_shared>>)
      %dma_wait3A_188 = arith.constant 0 : i32
      %dma_wait3A_189 = tpu.memref_slice %arg6[%add3A_182, %dma_wait3A_188] : memref<80x128xi32, #tpu.memory_space<vmem>> -> memref<1x128xi32, #tpu.memory_space<vmem>>
      %dma_wait3A_190 = tpu.memref_squeeze %dma_wait3A_189 : memref<1x128xi32, #tpu.memory_space<vmem>> -> memref<128xi32, #tpu.memory_space<vmem>>
      %dma_wait3A_191 = arith.constant 0 : i32
      %dma_wait3A_192 = tpu.memref_slice %arg9[%dma_wait3A_191] : memref<22528xf32, #tpu.memory_space<vmem_shared>> -> memref<22528xf32, #tpu.memory_space<vmem_shared>>
      tpu.wait_indirect_dma semaphore(%arg10 : memref<!tpu.dma_semaphore, #tpu.memory_space<semaphore_mem>>) src(%arg7 : memref<128xf32, #tpu.memory_space<vmem>>) dst(%dma_wait3A_192 : memref<22528xf32, #tpu.memory_space<vmem_shared>>)
      %mul3A_193 = arith.constant 8 : i32
      %mul3A_194 = arith.muli %add3A_26, %mul3A_193 : i32
      %add3A_195 = arith.constant 4 : i32
      %add3A_196 = arith.addi %mul3A_194, %add3A_195 : i32
      %dma_wait3A_197 = arith.constant 0 : i32
      %dma_wait3A_198 = tpu.memref_slice %arg5[%add3A_196, %dma_wait3A_197] : memref<80x128xi32, #tpu.memory_space<vmem>> -> memref<1x128xi32, #tpu.memory_space<vmem>>
      %dma_wait3A_199 = tpu.memref_squeeze %dma_wait3A_198 : memref<1x128xi32, #tpu.memory_space<vmem>> -> memref<128xi32, #tpu.memory_space<vmem>>
      %dma_wait3A_200 = arith.constant 0 : i32
      %dma_wait3A_201 = tpu.memref_slice %arg9[%dma_wait3A_200] : memref<22528xf32, #tpu.memory_space<vmem_shared>> -> memref<22528xf32, #tpu.memory_space<vmem_shared>>
      tpu.wait_indirect_dma semaphore(%arg10 : memref<!tpu.dma_semaphore, #tpu.memory_space<semaphore_mem>>) src(%arg7 : memref<128xf32, #tpu.memory_space<vmem>>) dst(%dma_wait3A_201 : memref<22528xf32, #tpu.memory_space<vmem_shared>>)
      %dma_wait3A_202 = arith.constant 0 : i32
      %dma_wait3A_203 = tpu.memref_slice %arg6[%add3A_196, %dma_wait3A_202] : memref<80x128xi32, #tpu.memory_space<vmem>> -> memref<1x128xi32, #tpu.memory_space<vmem>>
      %dma_wait3A_204 = tpu.memref_squeeze %dma_wait3A_203 : memref<1x128xi32, #tpu.memory_space<vmem>> -> memref<128xi32, #tpu.memory_space<vmem>>
      %dma_wait3A_205 = arith.constant 0 : i32
      %dma_wait3A_206 = tpu.memref_slice %arg9[%dma_wait3A_205] : memref<22528xf32, #tpu.memory_space<vmem_shared>> -> memref<22528xf32, #tpu.memory_space<vmem_shared>>
      tpu.wait_indirect_dma semaphore(%arg10 : memref<!tpu.dma_semaphore, #tpu.memory_space<semaphore_mem>>) src(%arg7 : memref<128xf32, #tpu.memory_space<vmem>>) dst(%dma_wait3A_206 : memref<22528xf32, #tpu.memory_space<vmem_shared>>)
      %mul3A_207 = arith.constant 8 : i32
      %mul3A_208 = arith.muli %add3A_26, %mul3A_207 : i32
      %add3A_209 = arith.constant 5 : i32
      %add3A_210 = arith.addi %mul3A_208, %add3A_209 : i32
      %dma_wait3A_211 = arith.constant 0 : i32
      %dma_wait3A_212 = tpu.memref_slice %arg5[%add3A_210, %dma_wait3A_211] : memref<80x128xi32, #tpu.memory_space<vmem>> -> memref<1x128xi32, #tpu.memory_space<vmem>>
      %dma_wait3A_213 = tpu.memref_squeeze %dma_wait3A_212 : memref<1x128xi32, #tpu.memory_space<vmem>> -> memref<128xi32, #tpu.memory_space<vmem>>
      %dma_wait3A_214 = arith.constant 0 : i32
      %dma_wait3A_215 = tpu.memref_slice %arg9[%dma_wait3A_214] : memref<22528xf32, #tpu.memory_space<vmem_shared>> -> memref<22528xf32, #tpu.memory_space<vmem_shared>>
      tpu.wait_indirect_dma semaphore(%arg10 : memref<!tpu.dma_semaphore, #tpu.memory_space<semaphore_mem>>) src(%arg7 : memref<128xf32, #tpu.memory_space<vmem>>) dst(%dma_wait3A_215 : memref<22528xf32, #tpu.memory_space<vmem_shared>>)
      %dma_wait3A_216 = arith.constant 0 : i32
      %dma_wait3A_217 = tpu.memref_slice %arg6[%add3A_210, %dma_wait3A_216] : memref<80x128xi32, #tpu.memory_space<vmem>> -> memref<1x128xi32, #tpu.memory_space<vmem>>
      %dma_wait3A_218 = tpu.memref_squeeze %dma_wait3A_217 : memref<1x128xi32, #tpu.memory_space<vmem>> -> memref<128xi32, #tpu.memory_space<vmem>>
      %dma_wait3A_219 = arith.constant 0 : i32
      %dma_wait3A_220 = tpu.memref_slice %arg9[%dma_wait3A_219] : memref<22528xf32, #tpu.memory_space<vmem_shared>> -> memref<22528xf32, #tpu.memory_space<vmem_shared>>
      tpu.wait_indirect_dma semaphore(%arg10 : memref<!tpu.dma_semaphore, #tpu.memory_space<semaphore_mem>>) src(%arg7 : memref<128xf32, #tpu.memory_space<vmem>>) dst(%dma_wait3A_220 : memref<22528xf32, #tpu.memory_space<vmem_shared>>)
      %mul3A_221 = arith.constant 8 : i32
      %mul3A_222 = arith.muli %add3A_26, %mul3A_221 : i32
      %add3A_223 = arith.constant 6 : i32
      %add3A_224 = arith.addi %mul3A_222, %add3A_223 : i32
      %dma_wait3A_225 = arith.constant 0 : i32
      %dma_wait3A_226 = tpu.memref_slice %arg5[%add3A_224, %dma_wait3A_225] : memref<80x128xi32, #tpu.memory_space<vmem>> -> memref<1x128xi32, #tpu.memory_space<vmem>>
      %dma_wait3A_227 = tpu.memref_squeeze %dma_wait3A_226 : memref<1x128xi32, #tpu.memory_space<vmem>> -> memref<128xi32, #tpu.memory_space<vmem>>
      %dma_wait3A_228 = arith.constant 0 : i32
      %dma_wait3A_229 = tpu.memref_slice %arg9[%dma_wait3A_228] : memref<22528xf32, #tpu.memory_space<vmem_shared>> -> memref<22528xf32, #tpu.memory_space<vmem_shared>>
      tpu.wait_indirect_dma semaphore(%arg10 : memref<!tpu.dma_semaphore, #tpu.memory_space<semaphore_mem>>) src(%arg7 : memref<128xf32, #tpu.memory_space<vmem>>) dst(%dma_wait3A_229 : memref<22528xf32, #tpu.memory_space<vmem_shared>>)
      %dma_wait3A_230 = arith.constant 0 : i32
      %dma_wait3A_231 = tpu.memref_slice %arg6[%add3A_224, %dma_wait3A_230] : memref<80x128xi32, #tpu.memory_space<vmem>> -> memref<1x128xi32, #tpu.memory_space<vmem>>
      %dma_wait3A_232 = tpu.memref_squeeze %dma_wait3A_231 : memref<1x128xi32, #tpu.memory_space<vmem>> -> memref<128xi32, #tpu.memory_space<vmem>>
      %dma_wait3A_233 = arith.constant 0 : i32
      %dma_wait3A_234 = tpu.memref_slice %arg9[%dma_wait3A_233] : memref<22528xf32, #tpu.memory_space<vmem_shared>> -> memref<22528xf32, #tpu.memory_space<vmem_shared>>
      tpu.wait_indirect_dma semaphore(%arg10 : memref<!tpu.dma_semaphore, #tpu.memory_space<semaphore_mem>>) src(%arg7 : memref<128xf32, #tpu.memory_space<vmem>>) dst(%dma_wait3A_234 : memref<22528xf32, #tpu.memory_space<vmem_shared>>)
      %mul3A_235 = arith.constant 8 : i32
      %mul3A_236 = arith.muli %add3A_26, %mul3A_235 : i32
      %add3A_237 = arith.constant 7 : i32
      %add3A_238 = arith.addi %mul3A_236, %add3A_237 : i32
      %dma_wait3A_239 = arith.constant 0 : i32
      %dma_wait3A_240 = tpu.memref_slice %arg5[%add3A_238, %dma_wait3A_239] : memref<80x128xi32, #tpu.memory_space<vmem>> -> memref<1x128xi32, #tpu.memory_space<vmem>>
      %dma_wait3A_241 = tpu.memref_squeeze %dma_wait3A_240 : memref<1x128xi32, #tpu.memory_space<vmem>> -> memref<128xi32, #tpu.memory_space<vmem>>
      %dma_wait3A_242 = arith.constant 0 : i32
      %dma_wait3A_243 = tpu.memref_slice %arg9[%dma_wait3A_242] : memref<22528xf32, #tpu.memory_space<vmem_shared>> -> memref<22528xf32, #tpu.memory_space<vmem_shared>>
      tpu.wait_indirect_dma semaphore(%arg10 : memref<!tpu.dma_semaphore, #tpu.memory_space<semaphore_mem>>) src(%arg7 : memref<128xf32, #tpu.memory_space<vmem>>) dst(%dma_wait3A_243 : memref<22528xf32, #tpu.memory_space<vmem_shared>>)
      %dma_wait3A_244 = arith.constant 0 : i32
      %dma_wait3A_245 = tpu.memref_slice %arg6[%add3A_238, %dma_wait3A_244] : memref<80x128xi32, #tpu.memory_space<vmem>> -> memref<1x128xi32, #tpu.memory_space<vmem>>
      %dma_wait3A_246 = tpu.memref_squeeze %dma_wait3A_245 : memref<1x128xi32, #tpu.memory_space<vmem>> -> memref<128xi32, #tpu.memory_space<vmem>>
      %dma_wait3A_247 = arith.constant 0 : i32
      %dma_wait3A_248 = tpu.memref_slice %arg9[%dma_wait3A_247] : memref<22528xf32, #tpu.memory_space<vmem_shared>> -> memref<22528xf32, #tpu.memory_space<vmem_shared>>
      tpu.wait_indirect_dma semaphore(%arg10 : memref<!tpu.dma_semaphore, #tpu.memory_space<semaphore_mem>>) src(%arg7 : memref<128xf32, #tpu.memory_space<vmem>>) dst(%dma_wait3A_248 : memref<22528xf32, #tpu.memory_space<vmem_shared>>)
    }
    %scan3A_16 = arith.constant 10 : i32
    %barrier3A_17 = arith.constant 0 : index
    tpu.barrier barrier_id(%barrier3A_17)
    %mul3A_18 = arith.constant 1408 : i32
    %mul3A_19 = arith.muli %arg1, %mul3A_18 : i32
    "tpu.region"() ({
      %run_scoped3A = tpu.sem_alloc : memref<!tpu.dma_semaphore, #tpu.memory_space<semaphore_mem>>
      %dma_start3A = tpu.memref_slice %arg9[%mul3A_19] : memref<22528xf32, #tpu.memory_space<vmem_shared>> -> memref<1408xf32, #tpu.memory_space<vmem_shared>>
      %dma_start3A_22 = tpu.memref_slice %arg9[%mul3A_19] : memref<22528xf32, #tpu.memory_space<vmem_shared>> -> memref<1408xf32, #tpu.memory_space<vmem_shared>>
      tpu.enqueue_dma source(%dma_start3A_22 : memref<1408xf32, #tpu.memory_space<vmem_shared>>) target(%arg8 : memref<1408xf32, #tpu.memory_space<vmem>>) target_semaphore(%run_scoped3A : memref<!tpu.dma_semaphore, #tpu.memory_space<semaphore_mem>>)
      %dma_wait3A = tpu.memref_slice %arg9[%mul3A_19] : memref<22528xf32, #tpu.memory_space<vmem_shared>> -> memref<1408xf32, #tpu.memory_space<vmem_shared>>
      %dma_wait3A_23 = tpu.memref_slice %arg9[%mul3A_19] : memref<22528xf32, #tpu.memory_space<vmem_shared>> -> memref<1408xf32, #tpu.memory_space<vmem_shared>>
      tpu.wait_dma2 semaphore(%run_scoped3A : memref<!tpu.dma_semaphore, #tpu.memory_space<semaphore_mem>>) src(%dma_wait3A_23 : memref<1408xf32, #tpu.memory_space<vmem_shared>>) dst(%arg8 : memref<1408xf32, #tpu.memory_space<vmem>>)
      tpu.yield
    }) : () -> ()
    %mul3A_20 = arith.constant 1408 : i32
    %mul3A_21 = arith.muli %arg1, %mul3A_20 : i32
    "tpu.region"() ({
      %run_scoped3A = tpu.sem_alloc : memref<!tpu.dma_semaphore, #tpu.memory_space<semaphore_mem>>
      %dma_start3A = tpu.memref_slice %arg4[%arg0, %mul3A_21] : memref<2x22528xf32, #tpu.memory_space<hbm>> -> memref<1x1408xf32, #tpu.memory_space<hbm>>
      %dma_start3A_22 = tpu.memref_squeeze %dma_start3A : memref<1x1408xf32, #tpu.memory_space<hbm>> -> memref<1408xf32, #tpu.memory_space<hbm>>
      %dma_start3A_23 = tpu.memref_slice %arg4[%arg0, %mul3A_21] : memref<2x22528xf32, #tpu.memory_space<hbm>> -> memref<1x1408xf32, #tpu.memory_space<hbm>>
      %dma_start3A_24 = tpu.memref_squeeze %dma_start3A_23 : memref<1x1408xf32, #tpu.memory_space<hbm>> -> memref<1408xf32, #tpu.memory_space<hbm>>
      tpu.enqueue_dma source(%arg8 : memref<1408xf32, #tpu.memory_space<vmem>>) target(%dma_start3A_24 : memref<1408xf32, #tpu.memory_space<hbm>>) target_semaphore(%run_scoped3A : memref<!tpu.dma_semaphore, #tpu.memory_space<semaphore_mem>>)
      %dma_wait3A = tpu.memref_slice %arg4[%arg0, %mul3A_21] : memref<2x22528xf32, #tpu.memory_space<hbm>> -> memref<1x1408xf32, #tpu.memory_space<hbm>>
      %dma_wait3A_25 = tpu.memref_squeeze %dma_wait3A : memref<1x1408xf32, #tpu.memory_space<hbm>> -> memref<1408xf32, #tpu.memory_space<hbm>>
      %dma_wait3A_26 = tpu.memref_slice %arg4[%arg0, %mul3A_21] : memref<2x22528xf32, #tpu.memory_space<hbm>> -> memref<1x1408xf32, #tpu.memory_space<hbm>>
      %dma_wait3A_27 = tpu.memref_squeeze %dma_wait3A_26 : memref<1x1408xf32, #tpu.memory_space<hbm>> -> memref<1408xf32, #tpu.memory_space<hbm>>
      tpu.wait_dma2 semaphore(%run_scoped3A : memref<!tpu.dma_semaphore, #tpu.memory_space<semaphore_mem>>) src(%arg8 : memref<1408xf32, #tpu.memory_space<vmem>>) dst(%dma_wait3A_27 : memref<1408xf32, #tpu.memory_space<hbm>>)
      tpu.yield
    }) : () -> ()
    return
  }
}

#map = affine_map<(d0, d1) -> (0, 0)>
#map1 = affine_map<(d0, d1) -> (0, 0, 0)>
#map2 = affine_map<(d0, d1) -> (0, 0, 0, 0)>
module attributes {stable_mosaic.version = 14 : i64} {
  func.func @_agg_kernel(%arg0: i32, %arg1: i32, %arg2: memref<10000x128xf32, #tpu.memory_space<hbm>>, %arg3: memref<16x160x128xi32, #tpu.memory_space<hbm>>, %arg4: memref<2x16x160x128xi32, #tpu.memory_space<hbm>>, %arg5: memref<2x5120x128xf32, #tpu.memory_space<hbm>>, %arg6: memref<160x128xi32, #tpu.memory_space<vmem>>, %arg7: memref<160x128xi32, #tpu.memory_space<vmem>>, %arg8: memref<128x128xf32, #tpu.memory_space<vmem>>, %arg9: memref<128x128xf32, #tpu.memory_space<vmem>>, %arg10: memref<64x128xf32, #tpu.memory_space<vmem>>, %arg11: memref<5120x128xf32, #tpu.memory_space<vmem_shared>>, %arg12: memref<!tpu.dma_semaphore, #tpu.memory_space<semaphore_mem>>, %arg13: memref<!tpu.dma_semaphore, #tpu.memory_space<semaphore_mem>>) attributes {dimension_semantics = [#tpu.dimension_semantics<core_parallel>, #tpu.dimension_semantics<subcore_parallel>], iteration_bounds = array<i64: 2, 16>, scalar_prefetch = 0 : i64, scratch_operands = 8 : i64, tpu.core_type = #tpu.core_type<sc_vector_subcore>, window_params = [{transform_indices = #map}, {transform_indices = #map1}, {transform_indices = #map2}, {transform_indices = #map1}]} {
    "tpu.region"() ({
      %run_scoped3A = tpu.sem_alloc : memref<!tpu.dma_semaphore, #tpu.memory_space<semaphore_mem>>
      %dma_start3A_32 = arith.constant 0 : i32
      %dma_start3A_33 = arith.constant 0 : i32
      %dma_start3A_34 = tpu.memref_slice %arg3[%arg1, %dma_start3A_32, %dma_start3A_33] : memref<16x160x128xi32, #tpu.memory_space<hbm>> -> memref<1x160x128xi32, #tpu.memory_space<hbm>>
      %dma_start3A_35 = tpu.memref_squeeze %dma_start3A_34 : memref<1x160x128xi32, #tpu.memory_space<hbm>> -> memref<160x128xi32, #tpu.memory_space<hbm>>
      %dma_start3A_36 = arith.constant 0 : i32
      %dma_start3A_37 = arith.constant 0 : i32
      %dma_start3A_38 = tpu.memref_slice %arg3[%arg1, %dma_start3A_36, %dma_start3A_37] : memref<16x160x128xi32, #tpu.memory_space<hbm>> -> memref<1x160x128xi32, #tpu.memory_space<hbm>>
      %dma_start3A_39 = tpu.memref_squeeze %dma_start3A_38 : memref<1x160x128xi32, #tpu.memory_space<hbm>> -> memref<160x128xi32, #tpu.memory_space<hbm>>
      tpu.enqueue_dma source(%dma_start3A_39 : memref<160x128xi32, #tpu.memory_space<hbm>>) target(%arg6 : memref<160x128xi32, #tpu.memory_space<vmem>>) target_semaphore(%run_scoped3A : memref<!tpu.dma_semaphore, #tpu.memory_space<semaphore_mem>>)
      %dma_wait3A_40 = arith.constant 0 : i32
      %dma_wait3A_41 = arith.constant 0 : i32
      %dma_wait3A_42 = tpu.memref_slice %arg3[%arg1, %dma_wait3A_40, %dma_wait3A_41] : memref<16x160x128xi32, #tpu.memory_space<hbm>> -> memref<1x160x128xi32, #tpu.memory_space<hbm>>
      %dma_wait3A_43 = tpu.memref_squeeze %dma_wait3A_42 : memref<1x160x128xi32, #tpu.memory_space<hbm>> -> memref<160x128xi32, #tpu.memory_space<hbm>>
      %dma_wait3A_44 = arith.constant 0 : i32
      %dma_wait3A_45 = arith.constant 0 : i32
      %dma_wait3A_46 = tpu.memref_slice %arg3[%arg1, %dma_wait3A_44, %dma_wait3A_45] : memref<16x160x128xi32, #tpu.memory_space<hbm>> -> memref<1x160x128xi32, #tpu.memory_space<hbm>>
      %dma_wait3A_47 = tpu.memref_squeeze %dma_wait3A_46 : memref<1x160x128xi32, #tpu.memory_space<hbm>> -> memref<160x128xi32, #tpu.memory_space<hbm>>
      tpu.wait_dma2 semaphore(%run_scoped3A : memref<!tpu.dma_semaphore, #tpu.memory_space<semaphore_mem>>) src(%dma_wait3A_47 : memref<160x128xi32, #tpu.memory_space<hbm>>) dst(%arg6 : memref<160x128xi32, #tpu.memory_space<vmem>>)
      tpu.yield
    }) : () -> ()
    "tpu.region"() ({
      %run_scoped3A = tpu.sem_alloc : memref<!tpu.dma_semaphore, #tpu.memory_space<semaphore_mem>>
      %dma_start3A_32 = arith.constant 0 : i32
      %dma_start3A_33 = arith.constant 0 : i32
      %dma_start3A_34 = tpu.memref_slice %arg4[%arg0, %arg1, %dma_start3A_32, %dma_start3A_33] : memref<2x16x160x128xi32, #tpu.memory_space<hbm>> -> memref<1x1x160x128xi32, #tpu.memory_space<hbm>>
      %dma_start3A_35 = tpu.memref_squeeze %dma_start3A_34 : memref<1x1x160x128xi32, #tpu.memory_space<hbm>> -> memref<160x128xi32, #tpu.memory_space<hbm>>
      %dma_start3A_36 = arith.constant 0 : i32
      %dma_start3A_37 = arith.constant 0 : i32
      %dma_start3A_38 = tpu.memref_slice %arg4[%arg0, %arg1, %dma_start3A_36, %dma_start3A_37] : memref<2x16x160x128xi32, #tpu.memory_space<hbm>> -> memref<1x1x160x128xi32, #tpu.memory_space<hbm>>
      %dma_start3A_39 = tpu.memref_squeeze %dma_start3A_38 : memref<1x1x160x128xi32, #tpu.memory_space<hbm>> -> memref<160x128xi32, #tpu.memory_space<hbm>>
      tpu.enqueue_dma source(%dma_start3A_39 : memref<160x128xi32, #tpu.memory_space<hbm>>) target(%arg7 : memref<160x128xi32, #tpu.memory_space<vmem>>) target_semaphore(%run_scoped3A : memref<!tpu.dma_semaphore, #tpu.memory_space<semaphore_mem>>)
      %dma_wait3A_40 = arith.constant 0 : i32
      %dma_wait3A_41 = arith.constant 0 : i32
      %dma_wait3A_42 = tpu.memref_slice %arg4[%arg0, %arg1, %dma_wait3A_40, %dma_wait3A_41] : memref<2x16x160x128xi32, #tpu.memory_space<hbm>> -> memref<1x1x160x128xi32, #tpu.memory_space<hbm>>
      %dma_wait3A_43 = tpu.memref_squeeze %dma_wait3A_42 : memref<1x1x160x128xi32, #tpu.memory_space<hbm>> -> memref<160x128xi32, #tpu.memory_space<hbm>>
      %dma_wait3A_44 = arith.constant 0 : i32
      %dma_wait3A_45 = arith.constant 0 : i32
      %dma_wait3A_46 = tpu.memref_slice %arg4[%arg0, %arg1, %dma_wait3A_44, %dma_wait3A_45] : memref<2x16x160x128xi32, #tpu.memory_space<hbm>> -> memref<1x1x160x128xi32, #tpu.memory_space<hbm>>
      %dma_wait3A_47 = tpu.memref_squeeze %dma_wait3A_46 : memref<1x1x160x128xi32, #tpu.memory_space<hbm>> -> memref<160x128xi32, #tpu.memory_space<hbm>>
      tpu.wait_dma2 semaphore(%run_scoped3A : memref<!tpu.dma_semaphore, #tpu.memory_space<semaphore_mem>>) src(%dma_wait3A_47 : memref<160x128xi32, #tpu.memory_space<hbm>>) dst(%arg7 : memref<160x128xi32, #tpu.memory_space<vmem>>)
      tpu.yield
    }) : () -> ()
    %scan3A = arith.constant 0 : i32
    %scan3A_0 = arith.constant 64 : i32
    %scan3A_1 = arith.addi %scan3A, %scan3A_0 : i32
    %scan3A_2 = arith.constant 1 : i32
    scf.for %scan3A_32 = %scan3A to %scan3A_1 step %scan3A_2  : i32 {
      %mul3A = arith.constant 1 : i32
      %mul3A_33 = arith.muli %scan3A_32, %mul3A : i32
      %add3A = arith.constant 0 : i32
      %add3A_34 = arith.addi %add3A, %mul3A_33 : i32
      %scan3A_35 = arith.constant 0 : i32
      %scan3A_36 = arith.constant 8 : i32
      %scan3A_37 = arith.addi %scan3A_35, %scan3A_36 : i32
      %scan3A_38 = arith.constant 1 : i32
      scf.for %scan3A_40 = %scan3A_35 to %scan3A_37 step %scan3A_38  : i32 {
        %mul3A_41 = arith.constant 1 : i32
        %mul3A_42 = arith.muli %scan3A_40, %mul3A_41 : i32
        %add3A_43 = arith.constant 0 : i32
        %add3A_44 = arith.addi %add3A_43, %mul3A_42 : i32
        %broadcast_in_dim3A = arith.constant 0.000000e+00 : f32
        %broadcast_in_dim3A_45 = vector.broadcast %broadcast_in_dim3A : f32 to vector<16xf32>
        %mul3A_46 = arith.constant 16 : i32
        %mul3A_47 = arith.muli %add3A_44, %mul3A_46 : i32
        %swap3A = arith.index_cast %add3A_34 : i32 to index
        %swap3A_48 = arith.index_cast %mul3A_47 : i32 to index
        %swap3A_49 = tpu.vector_load %arg10[%swap3A, %swap3A_48] {strides = array<i32>} : memref<64x128xf32, #tpu.memory_space<vmem>>, vector<1x16xf32>,
        %swap3A_50 = vector.shape_cast %swap3A_49 : vector<1x16xf32> to vector<16xf32>
        %swap3A_51 = vector.shape_cast %broadcast_in_dim3A_45 : vector<16xf32> to vector<1x16xf32>
        tpu.vector_store %arg10[%swap3A, %swap3A_48], %swap3A_51 {strides = array<i32>} : memref<64x128xf32, #tpu.memory_space<vmem>>, vector<1x16xf32>,
      }
      %scan3A_39 = arith.constant 8 : i32
    }
    %scan3A_3 = arith.constant 64 : i32
    %scan3A_4 = arith.constant 0 : i32
    %scan3A_5 = arith.constant 5 : i32
    %scan3A_6 = arith.addi %scan3A_4, %scan3A_5 : i32
    %scan3A_7 = arith.constant 1 : i32
    scf.for %scan3A_32 = %scan3A_4 to %scan3A_6 step %scan3A_7  : i32 {
      %mul3A = arith.constant 1 : i32
      %mul3A_33 = arith.muli %scan3A_32, %mul3A : i32
      %add3A = arith.constant 0 : i32
      %add3A_34 = arith.addi %add3A, %mul3A_33 : i32
      %mul3A_35 = arith.constant 320 : i32
      %mul3A_36 = arith.muli %arg1, %mul3A_35 : i32
      %mul3A_37 = arith.constant 64 : i32
      %mul3A_38 = arith.muli %add3A_34, %mul3A_37 : i32
      %add3A_39 = arith.addi %mul3A_36, %mul3A_38 : i32
      "tpu.region"() ({
        %run_scoped3A = tpu.sem_alloc : memref<!tpu.dma_semaphore, #tpu.memory_space<semaphore_mem>>
        %dma_start3A_40 = arith.constant 0 : i32
        %dma_start3A_41 = tpu.memref_slice %arg11[%add3A_39, %dma_start3A_40] : memref<5120x128xf32, #tpu.memory_space<vmem_shared>> -> memref<64x128xf32, #tpu.memory_space<vmem_shared>>
        %dma_start3A_42 = arith.constant 0 : i32
        %dma_start3A_43 = tpu.memref_slice %arg11[%add3A_39, %dma_start3A_42] : memref<5120x128xf32, #tpu.memory_space<vmem_shared>> -> memref<64x128xf32, #tpu.memory_space<vmem_shared>>
        tpu.enqueue_dma source(%arg10 : memref<64x128xf32, #tpu.memory_space<vmem>>) target(%dma_start3A_43 : memref<64x128xf32, #tpu.memory_space<vmem_shared>>) target_semaphore(%run_scoped3A : memref<!tpu.dma_semaphore, #tpu.memory_space<semaphore_mem>>)
        %dma_wait3A_44 = arith.constant 0 : i32
        %dma_wait3A_45 = tpu.memref_slice %arg11[%add3A_39, %dma_wait3A_44] : memref<5120x128xf32, #tpu.memory_space<vmem_shared>> -> memref<64x128xf32, #tpu.memory_space<vmem_shared>>
        %dma_wait3A_46 = arith.constant 0 : i32
        %dma_wait3A_47 = tpu.memref_slice %arg11[%add3A_39, %dma_wait3A_46] : memref<5120x128xf32, #tpu.memory_space<vmem_shared>> -> memref<64x128xf32, #tpu.memory_space<vmem_shared>>
        tpu.wait_dma2 semaphore(%run_scoped3A : memref<!tpu.dma_semaphore, #tpu.memory_space<semaphore_mem>>) src(%arg10 : memref<64x128xf32, #tpu.memory_space<vmem>>) dst(%dma_wait3A_47 : memref<64x128xf32, #tpu.memory_space<vmem_shared>>)
        tpu.yield
      }) : () -> ()
    }
    %scan3A_8 = arith.constant 5 : i32
    %barrier3A = arith.constant 0 : index
    tpu.barrier barrier_id(%barrier3A)
    %dma_start3A = arith.constant 0 : i32
    %dma_start3A_9 = arith.constant 0 : i32
    %dma_start3A_10 = tpu.memref_slice %arg6[%dma_start3A, %dma_start3A_9] : memref<160x128xi32, #tpu.memory_space<vmem>> -> memref<1x128xi32, #tpu.memory_space<vmem>>
    %dma_start3A_11 = tpu.memref_squeeze %dma_start3A_10 : memref<1x128xi32, #tpu.memory_space<vmem>> -> memref<128xi32, #tpu.memory_space<vmem>>
    %dma_start3A_12 = arith.constant 0 : i32
    %dma_start3A_13 = arith.constant 0 : i32
    %dma_start3A_14 = tpu.memref_slice %arg2[%dma_start3A_12, %dma_start3A_13] : memref<10000x128xf32, #tpu.memory_space<hbm>> -> memref<10000x128xf32, #tpu.memory_space<hbm>>
    tpu.enqueue_indirect_dma source(%dma_start3A_14 : memref<10000x128xf32, #tpu.memory_space<hbm>>) target(%arg8 : memref<128x128xf32, #tpu.memory_space<vmem>>) offsets(%dma_start3A_11 : memref<128xi32, #tpu.memory_space<vmem>>) semaphore(%arg12 : memref<!tpu.dma_semaphore, #tpu.memory_space<semaphore_mem>>)
    %scan3A_15 = arith.constant 0 : i32
    %scan3A_16 = arith.constant 80 : i32
    %scan3A_17 = arith.addi %scan3A_15, %scan3A_16 : i32
    %scan3A_18 = arith.constant 1 : i32
    scf.for %scan3A_32 = %scan3A_15 to %scan3A_17 step %scan3A_18  : i32 {
      %mul3A = arith.constant 1 : i32
      %mul3A_33 = arith.muli %scan3A_32, %mul3A : i32
      %add3A = arith.constant 0 : i32
      %add3A_34 = arith.addi %add3A, %mul3A_33 : i32
      %mul3A_35 = arith.constant 2 : i32
      %mul3A_36 = arith.muli %add3A_34, %mul3A_35 : i32
      %add3A_37 = arith.constant 1 : i32
      %add3A_38 = arith.addi %mul3A_36, %add3A_37 : i32
      %add3A_39 = arith.constant 2 : i32
      %add3A_40 = arith.addi %mul3A_36, %add3A_39 : i32
      %rem3A = arith.constant 160 : i32
      %rem3A_41 = arith.remsi %add3A_40, %rem3A : i32
      %dma_start3A_42 = arith.constant 0 : i32
      %dma_start3A_43 = tpu.memref_slice %arg6[%add3A_38, %dma_start3A_42] : memref<160x128xi32, #tpu.memory_space<vmem>> -> memref<1x128xi32, #tpu.memory_space<vmem>>
      %dma_start3A_44 = tpu.memref_squeeze %dma_start3A_43 : memref<1x128xi32, #tpu.memory_space<vmem>> -> memref<128xi32, #tpu.memory_space<vmem>>
      %dma_start3A_45 = arith.constant 0 : i32
      %dma_start3A_46 = arith.constant 0 : i32
      %dma_start3A_47 = tpu.memref_slice %arg2[%dma_start3A_45, %dma_start3A_46] : memref<10000x128xf32, #tpu.memory_space<hbm>> -> memref<10000x128xf32, #tpu.memory_space<hbm>>
      tpu.enqueue_indirect_dma source(%dma_start3A_47 : memref<10000x128xf32, #tpu.memory_space<hbm>>) target(%arg9 : memref<128x128xf32, #tpu.memory_space<vmem>>) offsets(%dma_start3A_44 : memref<128xi32, #tpu.memory_space<vmem>>) semaphore(%arg13 : memref<!tpu.dma_semaphore, #tpu.memory_space<semaphore_mem>>)
      %dma_wait3A_48 = arith.constant 0 : i32
      %dma_wait3A_49 = tpu.memref_slice %arg6[%mul3A_36, %dma_wait3A_48] : memref<160x128xi32, #tpu.memory_space<vmem>> -> memref<1x128xi32, #tpu.memory_space<vmem>>
      %dma_wait3A_50 = tpu.memref_squeeze %dma_wait3A_49 : memref<1x128xi32, #tpu.memory_space<vmem>> -> memref<128xi32, #tpu.memory_space<vmem>>
      %dma_wait3A_51 = arith.constant 0 : i32
      %dma_wait3A_52 = arith.constant 0 : i32
      %dma_wait3A_53 = tpu.memref_slice %arg2[%dma_wait3A_51, %dma_wait3A_52] : memref<10000x128xf32, #tpu.memory_space<hbm>> -> memref<10000x128xf32, #tpu.memory_space<hbm>>
      tpu.wait_indirect_dma semaphore(%arg12 : memref<!tpu.dma_semaphore, #tpu.memory_space<semaphore_mem>>) src(%dma_wait3A_53 : memref<10000x128xf32, #tpu.memory_space<hbm>>) dst(%arg8 : memref<128x128xf32, #tpu.memory_space<vmem>>)
      "tpu.region"() ({
        %run_scoped3A = tpu.sem_alloc : memref<!tpu.dma_semaphore, #tpu.memory_space<semaphore_mem>>
        %dma_start3A_66 = arith.constant 0 : i32
        %dma_start3A_67 = tpu.memref_slice %arg7[%mul3A_36, %dma_start3A_66] : memref<160x128xi32, #tpu.memory_space<vmem>> -> memref<1x128xi32, #tpu.memory_space<vmem>>
        %dma_start3A_68 = tpu.memref_squeeze %dma_start3A_67 : memref<1x128xi32, #tpu.memory_space<vmem>> -> memref<128xi32, #tpu.memory_space<vmem>>
        %dma_start3A_69 = arith.constant 0 : i32
        %dma_start3A_70 = arith.constant 0 : i32
        %dma_start3A_71 = tpu.memref_slice %arg11[%dma_start3A_69, %dma_start3A_70] : memref<5120x128xf32, #tpu.memory_space<vmem_shared>> -> memref<5120x128xf32, #tpu.memory_space<vmem_shared>>
        tpu.enqueue_indirect_dma source(%arg8 : memref<128x128xf32, #tpu.memory_space<vmem>>) target(%dma_start3A_71 : memref<5120x128xf32, #tpu.memory_space<vmem_shared>>) offsets(%dma_start3A_68 : memref<128xi32, #tpu.memory_space<vmem>>) semaphore(%run_scoped3A : memref<!tpu.dma_semaphore, #tpu.memory_space<semaphore_mem>>) {add = true}
        %dma_wait3A_72 = arith.constant 0 : i32
        %dma_wait3A_73 = tpu.memref_slice %arg7[%mul3A_36, %dma_wait3A_72] : memref<160x128xi32, #tpu.memory_space<vmem>> -> memref<1x128xi32, #tpu.memory_space<vmem>>
        %dma_wait3A_74 = tpu.memref_squeeze %dma_wait3A_73 : memref<1x128xi32, #tpu.memory_space<vmem>> -> memref<128xi32, #tpu.memory_space<vmem>>
        %dma_wait3A_75 = arith.constant 0 : i32
        %dma_wait3A_76 = arith.constant 0 : i32
        %dma_wait3A_77 = tpu.memref_slice %arg11[%dma_wait3A_75, %dma_wait3A_76] : memref<5120x128xf32, #tpu.memory_space<vmem_shared>> -> memref<5120x128xf32, #tpu.memory_space<vmem_shared>>
        tpu.wait_indirect_dma semaphore(%run_scoped3A : memref<!tpu.dma_semaphore, #tpu.memory_space<semaphore_mem>>) src(%arg8 : memref<128x128xf32, #tpu.memory_space<vmem>>) dst(%dma_wait3A_77 : memref<5120x128xf32, #tpu.memory_space<vmem_shared>>)
        tpu.yield
      }) : () -> ()
      %dma_start3A_54 = arith.constant 0 : i32
      %dma_start3A_55 = tpu.memref_slice %arg6[%rem3A_41, %dma_start3A_54] : memref<160x128xi32, #tpu.memory_space<vmem>> -> memref<1x128xi32, #tpu.memory_space<vmem>>
      %dma_start3A_56 = tpu.memref_squeeze %dma_start3A_55 : memref<1x128xi32, #tpu.memory_space<vmem>> -> memref<128xi32, #tpu.memory_space<vmem>>
      %dma_start3A_57 = arith.constant 0 : i32
      %dma_start3A_58 = arith.constant 0 : i32
      %dma_start3A_59 = tpu.memref_slice %arg2[%dma_start3A_57, %dma_start3A_58] : memref<10000x128xf32, #tpu.memory_space<hbm>> -> memref<10000x128xf32, #tpu.memory_space<hbm>>
      tpu.enqueue_indirect_dma source(%dma_start3A_59 : memref<10000x128xf32, #tpu.memory_space<hbm>>) target(%arg8 : memref<128x128xf32, #tpu.memory_space<vmem>>) offsets(%dma_start3A_56 : memref<128xi32, #tpu.memory_space<vmem>>) semaphore(%arg12 : memref<!tpu.dma_semaphore, #tpu.memory_space<semaphore_mem>>)
      %dma_wait3A_60 = arith.constant 0 : i32
      %dma_wait3A_61 = tpu.memref_slice %arg6[%add3A_38, %dma_wait3A_60] : memref<160x128xi32, #tpu.memory_space<vmem>> -> memref<1x128xi32, #tpu.memory_space<vmem>>
      %dma_wait3A_62 = tpu.memref_squeeze %dma_wait3A_61 : memref<1x128xi32, #tpu.memory_space<vmem>> -> memref<128xi32, #tpu.memory_space<vmem>>
      %dma_wait3A_63 = arith.constant 0 : i32
      %dma_wait3A_64 = arith.constant 0 : i32
      %dma_wait3A_65 = tpu.memref_slice %arg2[%dma_wait3A_63, %dma_wait3A_64] : memref<10000x128xf32, #tpu.memory_space<hbm>> -> memref<10000x128xf32, #tpu.memory_space<hbm>>
      tpu.wait_indirect_dma semaphore(%arg13 : memref<!tpu.dma_semaphore, #tpu.memory_space<semaphore_mem>>) src(%dma_wait3A_65 : memref<10000x128xf32, #tpu.memory_space<hbm>>) dst(%arg9 : memref<128x128xf32, #tpu.memory_space<vmem>>)
      "tpu.region"() ({
        %run_scoped3A = tpu.sem_alloc : memref<!tpu.dma_semaphore, #tpu.memory_space<semaphore_mem>>
        %dma_start3A_66 = arith.constant 0 : i32
        %dma_start3A_67 = tpu.memref_slice %arg7[%add3A_38, %dma_start3A_66] : memref<160x128xi32, #tpu.memory_space<vmem>> -> memref<1x128xi32, #tpu.memory_space<vmem>>
        %dma_start3A_68 = tpu.memref_squeeze %dma_start3A_67 : memref<1x128xi32, #tpu.memory_space<vmem>> -> memref<128xi32, #tpu.memory_space<vmem>>
        %dma_start3A_69 = arith.constant 0 : i32
        %dma_start3A_70 = arith.constant 0 : i32
        %dma_start3A_71 = tpu.memref_slice %arg11[%dma_start3A_69, %dma_start3A_70] : memref<5120x128xf32, #tpu.memory_space<vmem_shared>> -> memref<5120x128xf32, #tpu.memory_space<vmem_shared>>
        tpu.enqueue_indirect_dma source(%arg9 : memref<128x128xf32, #tpu.memory_space<vmem>>) target(%dma_start3A_71 : memref<5120x128xf32, #tpu.memory_space<vmem_shared>>) offsets(%dma_start3A_68 : memref<128xi32, #tpu.memory_space<vmem>>) semaphore(%run_scoped3A : memref<!tpu.dma_semaphore, #tpu.memory_space<semaphore_mem>>) {add = true}
        %dma_wait3A_72 = arith.constant 0 : i32
        %dma_wait3A_73 = tpu.memref_slice %arg7[%add3A_38, %dma_wait3A_72] : memref<160x128xi32, #tpu.memory_space<vmem>> -> memref<1x128xi32, #tpu.memory_space<vmem>>
        %dma_wait3A_74 = tpu.memref_squeeze %dma_wait3A_73 : memref<1x128xi32, #tpu.memory_space<vmem>> -> memref<128xi32, #tpu.memory_space<vmem>>
        %dma_wait3A_75 = arith.constant 0 : i32
        %dma_wait3A_76 = arith.constant 0 : i32
        %dma_wait3A_77 = tpu.memref_slice %arg11[%dma_wait3A_75, %dma_wait3A_76] : memref<5120x128xf32, #tpu.memory_space<vmem_shared>> -> memref<5120x128xf32, #tpu.memory_space<vmem_shared>>
        tpu.wait_indirect_dma semaphore(%run_scoped3A : memref<!tpu.dma_semaphore, #tpu.memory_space<semaphore_mem>>) src(%arg9 : memref<128x128xf32, #tpu.memory_space<vmem>>) dst(%dma_wait3A_77 : memref<5120x128xf32, #tpu.memory_space<vmem_shared>>)
        tpu.yield
      }) : () -> ()
    }
    %scan3A_19 = arith.constant 80 : i32
    %dma_wait3A = arith.constant 0 : i32
    %dma_wait3A_20 = arith.constant 0 : i32
    %dma_wait3A_21 = tpu.memref_slice %arg6[%dma_wait3A, %dma_wait3A_20] : memref<160x128xi32, #tpu.memory_space<vmem>> -> memref<1x128xi32, #tpu.memory_space<vmem>>
    %dma_wait3A_22 = tpu.memref_squeeze %dma_wait3A_21 : memref<1x128xi32, #tpu.memory_space<vmem>> -> memref<128xi32, #tpu.memory_space<vmem>>
    %dma_wait3A_23 = arith.constant 0 : i32
    %dma_wait3A_24 = arith.constant 0 : i32
    %dma_wait3A_25 = tpu.memref_slice %arg2[%dma_wait3A_23, %dma_wait3A_24] : memref<10000x128xf32, #tpu.memory_space<hbm>> -> memref<10000x128xf32, #tpu.memory_space<hbm>>
    tpu.wait_indirect_dma semaphore(%arg12 : memref<!tpu.dma_semaphore, #tpu.memory_space<semaphore_mem>>) src(%dma_wait3A_25 : memref<10000x128xf32, #tpu.memory_space<hbm>>) dst(%arg8 : memref<128x128xf32, #tpu.memory_space<vmem>>)
    %barrier3A_26 = arith.constant 0 : index
    tpu.barrier barrier_id(%barrier3A_26)
    %scan3A_27 = arith.constant 0 : i32
    %scan3A_28 = arith.constant 5 : i32
    %scan3A_29 = arith.addi %scan3A_27, %scan3A_28 : i32
    %scan3A_30 = arith.constant 1 : i32
    scf.for %scan3A_32 = %scan3A_27 to %scan3A_29 step %scan3A_30  : i32 {
      %mul3A = arith.constant 1 : i32
      %mul3A_33 = arith.muli %scan3A_32, %mul3A : i32
      %add3A = arith.constant 0 : i32
      %add3A_34 = arith.addi %add3A, %mul3A_33 : i32
      %mul3A_35 = arith.constant 320 : i32
      %mul3A_36 = arith.muli %arg1, %mul3A_35 : i32
      %mul3A_37 = arith.constant 64 : i32
      %mul3A_38 = arith.muli %add3A_34, %mul3A_37 : i32
      %add3A_39 = arith.addi %mul3A_36, %mul3A_38 : i32
      "tpu.region"() ({
        %run_scoped3A = tpu.sem_alloc : memref<!tpu.dma_semaphore, #tpu.memory_space<semaphore_mem>>
        %dma_start3A_45 = arith.constant 0 : i32
        %dma_start3A_46 = tpu.memref_slice %arg11[%add3A_39, %dma_start3A_45] : memref<5120x128xf32, #tpu.memory_space<vmem_shared>> -> memref<64x128xf32, #tpu.memory_space<vmem_shared>>
        %dma_start3A_47 = arith.constant 0 : i32
        %dma_start3A_48 = tpu.memref_slice %arg11[%add3A_39, %dma_start3A_47] : memref<5120x128xf32, #tpu.memory_space<vmem_shared>> -> memref<64x128xf32, #tpu.memory_space<vmem_shared>>
        tpu.enqueue_dma source(%dma_start3A_48 : memref<64x128xf32, #tpu.memory_space<vmem_shared>>) target(%arg10 : memref<64x128xf32, #tpu.memory_space<vmem>>) target_semaphore(%run_scoped3A : memref<!tpu.dma_semaphore, #tpu.memory_space<semaphore_mem>>)
        %dma_wait3A_49 = arith.constant 0 : i32
        %dma_wait3A_50 = tpu.memref_slice %arg11[%add3A_39, %dma_wait3A_49] : memref<5120x128xf32, #tpu.memory_space<vmem_shared>> -> memref<64x128xf32, #tpu.memory_space<vmem_shared>>
        %dma_wait3A_51 = arith.constant 0 : i32
        %dma_wait3A_52 = tpu.memref_slice %arg11[%add3A_39, %dma_wait3A_51] : memref<5120x128xf32, #tpu.memory_space<vmem_shared>> -> memref<64x128xf32, #tpu.memory_space<vmem_shared>>
        tpu.wait_dma2 semaphore(%run_scoped3A : memref<!tpu.dma_semaphore, #tpu.memory_space<semaphore_mem>>) src(%dma_wait3A_52 : memref<64x128xf32, #tpu.memory_space<vmem_shared>>) dst(%arg10 : memref<64x128xf32, #tpu.memory_space<vmem>>)
        tpu.yield
      }) : () -> ()
      %mul3A_40 = arith.constant 320 : i32
      %mul3A_41 = arith.muli %arg1, %mul3A_40 : i32
      %mul3A_42 = arith.constant 64 : i32
      %mul3A_43 = arith.muli %add3A_34, %mul3A_42 : i32
      %add3A_44 = arith.addi %mul3A_41, %mul3A_43 : i32
      "tpu.region"() ({
        %run_scoped3A = tpu.sem_alloc : memref<!tpu.dma_semaphore, #tpu.memory_space<semaphore_mem>>
        %dma_start3A_45 = arith.constant 0 : i32
        %dma_start3A_46 = tpu.memref_slice %arg5[%arg0, %add3A_44, %dma_start3A_45] : memref<2x5120x128xf32, #tpu.memory_space<hbm>> -> memref<1x64x128xf32, #tpu.memory_space<hbm>>
        %dma_start3A_47 = tpu.memref_squeeze %dma_start3A_46 : memref<1x64x128xf32, #tpu.memory_space<hbm>> -> memref<64x128xf32, #tpu.memory_space<hbm>>
        %dma_start3A_48 = arith.constant 0 : i32
        %dma_start3A_49 = tpu.memref_slice %arg5[%arg0, %add3A_44, %dma_start3A_48] : memref<2x5120x128xf32, #tpu.memory_space<hbm>> -> memref<1x64x128xf32, #tpu.memory_space<hbm>>
        %dma_start3A_50 = tpu.memref_squeeze %dma_start3A_49 : memref<1x64x128xf32, #tpu.memory_space<hbm>> -> memref<64x128xf32, #tpu.memory_space<hbm>>
        tpu.enqueue_dma source(%arg10 : memref<64x128xf32, #tpu.memory_space<vmem>>) target(%dma_start3A_50 : memref<64x128xf32, #tpu.memory_space<hbm>>) target_semaphore(%run_scoped3A : memref<!tpu.dma_semaphore, #tpu.memory_space<semaphore_mem>>)
        %dma_wait3A_51 = arith.constant 0 : i32
        %dma_wait3A_52 = tpu.memref_slice %arg5[%arg0, %add3A_44, %dma_wait3A_51] : memref<2x5120x128xf32, #tpu.memory_space<hbm>> -> memref<1x64x128xf32, #tpu.memory_space<hbm>>
        %dma_wait3A_53 = tpu.memref_squeeze %dma_wait3A_52 : memref<1x64x128xf32, #tpu.memory_space<hbm>> -> memref<64x128xf32, #tpu.memory_space<hbm>>
        %dma_wait3A_54 = arith.constant 0 : i32
        %dma_wait3A_55 = tpu.memref_slice %arg5[%arg0, %add3A_44, %dma_wait3A_54] : memref<2x5120x128xf32, #tpu.memory_space<hbm>> -> memref<1x64x128xf32, #tpu.memory_space<hbm>>
        %dma_wait3A_56 = tpu.memref_squeeze %dma_wait3A_55 : memref<1x64x128xf32, #tpu.memory_space<hbm>> -> memref<64x128xf32, #tpu.memory_space<hbm>>
        tpu.wait_dma2 semaphore(%run_scoped3A : memref<!tpu.dma_semaphore, #tpu.memory_space<semaphore_mem>>) src(%arg10 : memref<64x128xf32, #tpu.memory_space<vmem>>) dst(%dma_wait3A_56 : memref<64x128xf32, #tpu.memory_space<hbm>>)
        tpu.yield
      }) : () -> ()
    }
    %scan3A_31 = arith.constant 5 : i32
    return
  }
}

module attributes {stable_mosaic.version = 14 : i64} {
  func.func @_prep_body(%arg0: i32, %arg1: memref<2x1000x1xf32, #tpu.memory_space<vmem>>, %arg2: memref<2x1000x1xf32, #tpu.memory_space<vmem>>, %arg3: memref<1000x128xf32, #tpu.memory_space<vmem>>, %arg4: memref<1000x128xf32, #tpu.memory_space<vmem>>, %arg5: memref<1000x1xf32, #tpu.memory_space<vmem>>, %arg6: memref<1000x1xf32, #tpu.memory_space<vmem>>) attributes {dimension_semantics = [#tpu.dimension_semantics<arbitrary>], iteration_bounds = array<i64: 10>, scalar_prefetch = 0 : i64, scratch_operands = 0 : i64, tpu.core_type = #tpu.core_type<tc>, window_params = [{transform_indices = @transform_0, window_bounds = array<i64: 2, 1000, 1>}, {transform_indices = @transform_1, window_bounds = array<i64: 2, 1000, 1>}, {transform_indices = @transform_2, window_bounds = array<i64: 1000, 128>}, {transform_indices = @transform_3, window_bounds = array<i64: 1000, 128>}, {transform_indices = @transform_4, window_bounds = array<i64: 1000, 1>}, {transform_indices = @transform_5, window_bounds = array<i64: 1000, 1>}]} {
    %get3A = arith.constant 0 : index
    %get3A_0 = arith.constant 0 : index
    %get3A_1 = arith.constant 0 : index
    %get3A_2 = vector.load %arg1[%get3A, %get3A_0, %get3A_1] : memref<2x1000x1xf32, #tpu.memory_space<vmem>>, vector<1x1000x1xf32>
    %get3A_3 = vector.shape_cast %get3A_2 : vector<1x1000x1xf32> to vector<1000x1xf32>
    %get3A_4 = arith.constant 1 : index
    %get3A_5 = arith.constant 0 : index
    %get3A_6 = arith.constant 0 : index
    %get3A_7 = vector.load %arg1[%get3A_4, %get3A_5, %get3A_6] : memref<2x1000x1xf32, #tpu.memory_space<vmem>>, vector<1x1000x1xf32>
    %get3A_8 = vector.shape_cast %get3A_7 : vector<1x1000x1xf32> to vector<1000x1xf32>
    %add3A = arith.addf %get3A_3, %get3A_8 : vector<1000x1xf32>
    %get3A_9 = arith.constant 0 : index
    %get3A_10 = arith.constant 0 : index
    %get3A_11 = arith.constant 0 : index
    %get3A_12 = vector.load %arg2[%get3A_9, %get3A_10, %get3A_11] : memref<2x1000x1xf32, #tpu.memory_space<vmem>>, vector<1x1000x1xf32>
    %get3A_13 = vector.shape_cast %get3A_12 : vector<1x1000x1xf32> to vector<1000x1xf32>
    %get3A_14 = arith.constant 1 : index
    %get3A_15 = arith.constant 0 : index
    %get3A_16 = arith.constant 0 : index
    %get3A_17 = vector.load %arg2[%get3A_14, %get3A_15, %get3A_16] : memref<2x1000x1xf32, #tpu.memory_space<vmem>>, vector<1x1000x1xf32>
    %get3A_18 = vector.shape_cast %get3A_17 : vector<1x1000x1xf32> to vector<1000x1xf32>
    %add3A_19 = arith.addf %get3A_13, %get3A_18 : vector<1000x1xf32>
    %max3A = arith.constant 1.000000e+00 : f32
    %max3A_20 = vector.broadcast %max3A : f32 to vector<1000x1xf32>
    %max3A_21 = arith.maximumf %add3A, %max3A_20 : vector<1000x1xf32>
    %rsqrt3A = math.rsqrt %max3A_21 : vector<1000x1xf32>
    %max3A_22 = arith.constant 1.000000e+00 : f32
    %max3A_23 = vector.broadcast %max3A_22 : f32 to vector<1000x1xf32>
    %max3A_24 = arith.maximumf %add3A_19, %max3A_23 : vector<1000x1xf32>
    %rsqrt3A_25 = math.rsqrt %max3A_24 : vector<1000x1xf32>
    %swap3A = arith.constant 0 : index
    %swap3A_26 = arith.constant 0 : index
    %swap3A_27 = vector.load %arg5[%swap3A, %swap3A_26] : memref<1000x1xf32, #tpu.memory_space<vmem>>, vector<1000x1xf32>
    tpu.vector_store %arg5[%swap3A, %swap3A_26], %rsqrt3A {strides = array<i32>} : memref<1000x1xf32, #tpu.memory_space<vmem>>, vector<1000x1xf32>,
    %swap3A_28 = arith.constant 0 : index
    %swap3A_29 = arith.constant 0 : index
    %swap3A_30 = vector.load %arg6[%swap3A_28, %swap3A_29] : memref<1000x1xf32, #tpu.memory_space<vmem>>, vector<1000x1xf32>
    tpu.vector_store %arg6[%swap3A_28, %swap3A_29], %rsqrt3A_25 {strides = array<i32>} : memref<1000x1xf32, #tpu.memory_space<vmem>>, vector<1000x1xf32>,
    %get3A_31 = arith.constant 0 : index
    %get3A_32 = arith.constant 0 : index
    %get3A_33 = vector.load %arg3[%get3A_31, %get3A_32] : memref<1000x128xf32, #tpu.memory_space<vmem>>, vector<1000x128xf32>
    %mul3A = vector.broadcast %rsqrt3A : vector<1000x1xf32> to vector<1000x128xf32>
    %mul3A_34 = arith.mulf %get3A_33, %mul3A : vector<1000x128xf32>
    %swap3A_35 = arith.constant 0 : index
    %swap3A_36 = arith.constant 0 : index
    %swap3A_37 = vector.load %arg4[%swap3A_35, %swap3A_36] : memref<1000x128xf32, #tpu.memory_space<vmem>>, vector<1000x128xf32>
    tpu.vector_store %arg4[%swap3A_35, %swap3A_36], %mul3A_34 {strides = array<i32>} : memref<1000x128xf32, #tpu.memory_space<vmem>>, vector<1000x128xf32>,
    return
  }
  func.func @transform_0(%arg0: i32) -> (i32, i32, i32) {
    %c0_i32 = arith.constant 0 : i32
    %c0_i32_0 = arith.constant 0 : i32
    %c0_i32_1 = arith.constant 0 : i32
    return %c0_i32, %arg0, %c0_i32_0 : i32, i32, i32
  }
  func.func @transform_1(%arg0: i32) -> (i32, i32, i32) {
    %c0_i32 = arith.constant 0 : i32
    %c0_i32_0 = arith.constant 0 : i32
    %c0_i32_1 = arith.constant 0 : i32
    return %c0_i32, %arg0, %c0_i32_0 : i32, i32, i32
  }
  func.func @transform_2(%arg0: i32) -> (i32, i32) {
    %c0_i32 = arith.constant 0 : i32
    %c0_i32_0 = arith.constant 0 : i32
    return %arg0, %c0_i32 : i32, i32
  }
  func.func @transform_3(%arg0: i32) -> (i32, i32) {
    %c0_i32 = arith.constant 0 : i32
    %c0_i32_0 = arith.constant 0 : i32
    return %arg0, %c0_i32 : i32, i32
  }
  func.func @transform_4(%arg0: i32) -> (i32, i32) {
    %c0_i32 = arith.constant 0 : i32
    %c0_i32_0 = arith.constant 0 : i32
    return %arg0, %c0_i32 : i32, i32
  }
  func.func @transform_5(%arg0: i32) -> (i32, i32) {
    %c0_i32 = arith.constant 0 : i32
    %c0_i32_0 = arith.constant 0 : i32
    return %arg0, %c0_i32 : i32, i32
  }
}

module attributes {stable_mosaic.version = 14 : i64} {
  func.func @_l1_body(%arg0: i32, %arg1: memref<1x1000x128xf32, #tpu.memory_space<vmem>>, %arg2: memref<1000x1xf32, #tpu.memory_space<vmem>>, %arg3: memref<128x128xf32, #tpu.memory_space<vmem>>, %arg4: memref<1x128xf32, #tpu.memory_space<vmem>>, %arg5: memref<1000x128xf32, #tpu.memory_space<vmem>>, %arg6: memref<1000x1xf32, #tpu.memory_space<vmem>>, %arg7: memref<1000x128xf32, #tpu.memory_space<vmem>>) attributes {dimension_semantics = [#tpu.dimension_semantics<arbitrary>], iteration_bounds = array<i64: 10>, scalar_prefetch = 0 : i64, scratch_operands = 0 : i64, tpu.core_type = #tpu.core_type<tc>, window_params = [{transform_indices = @transform_0, window_bounds = array<i64: 1, 1000, 128>}, {transform_indices = @transform_1, window_bounds = array<i64: 1000, 1>}, {pipeline_mode = #tpu.pipeline_mode<synchronous>, transform_indices = @transform_2, window_bounds = array<i64: 128, 128>}, {pipeline_mode = #tpu.pipeline_mode<synchronous>, transform_indices = @transform_3, window_bounds = array<i64: 1, 128>}, {transform_indices = @transform_4, window_bounds = array<i64: 1000, 128>}, {transform_indices = @transform_5, window_bounds = array<i64: 1000, 1>}, {transform_indices = @transform_6, window_bounds = array<i64: 1000, 128>}]} {
    %get3A = arith.constant 0 : index
    %get3A_0 = arith.constant 0 : index
    %get3A_1 = arith.constant 0 : index
    %get3A_2 = vector.load %arg1[%get3A, %get3A_0, %get3A_1] : memref<1x1000x128xf32, #tpu.memory_space<vmem>>, vector<1x1000x128xf32>
    %get3A_3 = vector.shape_cast %get3A_2 : vector<1x1000x128xf32> to vector<1000x128xf32>
    %get3A_4 = arith.constant 0 : index
    %get3A_5 = arith.constant 0 : index
    %get3A_6 = vector.load %arg2[%get3A_4, %get3A_5] : memref<1000x1xf32, #tpu.memory_space<vmem>>, vector<1000x1xf32>
    %mul3A = vector.broadcast %get3A_6 : vector<1000x1xf32> to vector<1000x128xf32>
    %mul3A_7 = arith.mulf %get3A_3, %mul3A : vector<1000x128xf32>
    %get3A_8 = arith.constant 0 : index
    %get3A_9 = arith.constant 0 : index
    %get3A_10 = vector.load %arg3[%get3A_8, %get3A_9] : memref<128x128xf32, #tpu.memory_space<vmem>>, vector<128x128xf32>
    %dot_general3A = arith.constant dense<0.000000e+00> : vector<1000x128xf32>
    %dot_general3A_11 = tpu.matmul %mul3A_7, %get3A_10, %dot_general3A {dimension_numbers = #tpu.dot_dimension_numbers<[1], [0], [0], [1], [0, 0, 1, 1], [], []>, transpose_lhs_hint = false} : vector<1000x128xf32>, vector<128x128xf32>, vector<1000x128xf32> -> vector<1000x128xf32>
    %get3A_12 = arith.constant 0 : index
    %get3A_13 = arith.constant 0 : index
    %get3A_14 = vector.load %arg4[%get3A_12, %get3A_13] : memref<1x128xf32, #tpu.memory_space<vmem>>, vector<1x128xf32>
    %add3A = vector.broadcast %get3A_14 : vector<1x128xf32> to vector<1000x128xf32>
    %add3A_15 = arith.addf %dot_general3A_11, %add3A : vector<1000x128xf32>
    %max3A = arith.constant 0.000000e+00 : f32
    %max3A_16 = vector.broadcast %max3A : f32 to vector<1000x128xf32>
    %max3A_17 = arith.maximumf %add3A_15, %max3A_16 : vector<1000x128xf32>
    %get3A_18 = arith.constant 0 : index
    %get3A_19 = arith.constant 0 : index
    %get3A_20 = vector.load %arg5[%get3A_18, %get3A_19] : memref<1000x128xf32, #tpu.memory_space<vmem>>, vector<1000x128xf32>
    %add3A_21 = arith.addf %max3A_17, %get3A_20 : vector<1000x128xf32>
    %get3A_22 = arith.constant 0 : index
    %get3A_23 = arith.constant 0 : index
    %get3A_24 = vector.load %arg6[%get3A_22, %get3A_23] : memref<1000x1xf32, #tpu.memory_space<vmem>>, vector<1000x1xf32>
    %mul3A_25 = vector.broadcast %get3A_24 : vector<1000x1xf32> to vector<1000x128xf32>
    %mul3A_26 = arith.mulf %add3A_21, %mul3A_25 : vector<1000x128xf32>
    %swap3A = arith.constant 0 : index
    %swap3A_27 = arith.constant 0 : index
    %swap3A_28 = vector.load %arg7[%swap3A, %swap3A_27] : memref<1000x128xf32, #tpu.memory_space<vmem>>, vector<1000x128xf32>
    tpu.vector_store %arg7[%swap3A, %swap3A_27], %mul3A_26 {strides = array<i32>} : memref<1000x128xf32, #tpu.memory_space<vmem>>, vector<1000x128xf32>,
    return
  }
  func.func @transform_0(%arg0: i32) -> (i32, i32, i32) {
    %jit3A = arith.constant 5 : i32
    %div3A = arith.divsi %arg0, %jit3A : i32
    %sign3A = arith.constant 0 : i32
    %sign3A_0 = arith.cmpi sgt, %arg0, %sign3A : i32
    %sign3A_1 = arith.extui %sign3A_0 : i1 to i32
    %sign3A_2 = arith.constant 0 : i32
    %sign3A_3 = arith.cmpi slt, %arg0, %sign3A_2 : i32
    %sign3A_4 = arith.extui %sign3A_3 : i1 to i32
    %sign3A_5 = arith.subi %sign3A_1, %sign3A_4 : i32
    %sign3A_6 = arith.constant 0 : i32
    %sign3A_7 = arith.cmpi sgt, %jit3A, %sign3A_6 : i32
    %sign3A_8 = arith.extui %sign3A_7 : i1 to i32
    %sign3A_9 = arith.constant 0 : i32
    %sign3A_10 = arith.cmpi slt, %jit3A, %sign3A_9 : i32
    %sign3A_11 = arith.extui %sign3A_10 : i1 to i32
    %sign3A_12 = arith.subi %sign3A_8, %sign3A_11 : i32
    %ne3A = arith.cmpi ne, %sign3A_5, %sign3A_12 : i32
    %rem3A = arith.remsi %arg0, %jit3A : i32
    %ne3A_13 = arith.constant 0 : i32
    %ne3A_14 = arith.cmpi ne, %rem3A, %ne3A_13 : i32
    %and3A = arith.andi %ne3A, %ne3A_14 : i1
    %sub3A = arith.constant 1 : i32
    %sub3A_15 = arith.subi %div3A, %sub3A : i32
    %select_n3A = arith.select %and3A, %sub3A_15, %div3A : i32
    %jit3A_16 = arith.constant 5 : i32
    %eq3A = arith.constant 0 : i32
    %eq3A_17 = arith.cmpi eq, %jit3A_16, %eq3A : i32
    %jit3A_18 = arith.constant 1 : i32
    %select_n3A_19 = arith.select %eq3A_17, %jit3A_18, %jit3A_16 : i32
    %rem3A_20 = arith.remsi %arg0, %select_n3A_19 : i32
    %ne3A_21 = arith.constant 0 : i32
    %ne3A_22 = arith.cmpi ne, %rem3A_20, %ne3A_21 : i32
    %lt3A = arith.constant 0 : i32
    %lt3A_23 = arith.cmpi slt, %rem3A_20, %lt3A : i32
    %lt3A_24 = arith.constant 0 : i32
    %lt3A_25 = arith.cmpi slt, %select_n3A_19, %lt3A_24 : i32
    %ne3A_26 = arith.xori %lt3A_23, %lt3A_25 : i1
    %and3A_27 = arith.andi %ne3A_26, %ne3A_22 : i1
    %add3A = arith.addi %rem3A_20, %select_n3A_19 : i32
    %select_n3A_28 = arith.select %and3A_27, %add3A, %rem3A_20 : i32
    %c0_i32 = arith.constant 0 : i32
    %c0_i32_29 = arith.constant 0 : i32
    return %select_n3A, %select_n3A_28, %c0_i32 : i32, i32, i32
  }
  func.func @transform_1(%arg0: i32) -> (i32, i32) {
    %c0_i32 = arith.constant 0 : i32
    %c0_i32_0 = arith.constant 0 : i32
    return %arg0, %c0_i32 : i32, i32
  }
  func.func @transform_2(%arg0: i32) -> (i32, i32) {
    %c0_i32 = arith.constant 0 : i32
    %c0_i32_0 = arith.constant 0 : i32
    %c0_i32_1 = arith.constant 0 : i32
    return %c0_i32, %c0_i32_0 : i32, i32
  }
  func.func @transform_3(%arg0: i32) -> (i32, i32) {
    %c0_i32 = arith.constant 0 : i32
    %c0_i32_0 = arith.constant 0 : i32
    %c0_i32_1 = arith.constant 0 : i32
    return %c0_i32, %c0_i32_0 : i32, i32
  }
  func.func @transform_4(%arg0: i32) -> (i32, i32) {
    %c0_i32 = arith.constant 0 : i32
    %c0_i32_0 = arith.constant 0 : i32
    return %arg0, %c0_i32 : i32, i32
  }
  func.func @transform_5(%arg0: i32) -> (i32, i32) {
    %c0_i32 = arith.constant 0 : i32
    %c0_i32_0 = arith.constant 0 : i32
    return %arg0, %c0_i32 : i32, i32
  }
  func.func @transform_6(%arg0: i32) -> (i32, i32) {
    %c0_i32 = arith.constant 0 : i32
    %c0_i32_0 = arith.constant 0 : i32
    return %arg0, %c0_i32 : i32, i32
  }
}

module attributes {stable_mosaic.version = 14 : i64} {
  func.func @_l2_body(%arg0: i32, %arg1: memref<1x1000x128xf32, #tpu.memory_space<vmem>>, %arg2: memref<1000x1xf32, #tpu.memory_space<vmem>>, %arg3: memref<128x128xf32, #tpu.memory_space<vmem>>, %arg4: memref<1x128xf32, #tpu.memory_space<vmem>>, %arg5: memref<1000x128xf32, #tpu.memory_space<vmem>>, %arg6: memref<1000x128xf32, #tpu.memory_space<vmem>>) attributes {dimension_semantics = [#tpu.dimension_semantics<arbitrary>], iteration_bounds = array<i64: 10>, scalar_prefetch = 0 : i64, scratch_operands = 0 : i64, tpu.core_type = #tpu.core_type<tc>, window_params = [{transform_indices = @transform_0, window_bounds = array<i64: 1, 1000, 128>}, {transform_indices = @transform_1, window_bounds = array<i64: 1000, 1>}, {pipeline_mode = #tpu.pipeline_mode<synchronous>, transform_indices = @transform_2, window_bounds = array<i64: 128, 128>}, {pipeline_mode = #tpu.pipeline_mode<synchronous>, transform_indices = @transform_3, window_bounds = array<i64: 1, 128>}, {transform_indices = @transform_4, window_bounds = array<i64: 1000, 128>}, {transform_indices = @transform_5, window_bounds = array<i64: 1000, 128>}]} {
    %get3A = arith.constant 0 : index
    %get3A_0 = arith.constant 0 : index
    %get3A_1 = arith.constant 0 : index
    %get3A_2 = vector.load %arg1[%get3A, %get3A_0, %get3A_1] : memref<1x1000x128xf32, #tpu.memory_space<vmem>>, vector<1x1000x128xf32>
    %get3A_3 = vector.shape_cast %get3A_2 : vector<1x1000x128xf32> to vector<1000x128xf32>
    %get3A_4 = arith.constant 0 : index
    %get3A_5 = arith.constant 0 : index
    %get3A_6 = vector.load %arg2[%get3A_4, %get3A_5] : memref<1000x1xf32, #tpu.memory_space<vmem>>, vector<1000x1xf32>
    %mul3A = vector.broadcast %get3A_6 : vector<1000x1xf32> to vector<1000x128xf32>
    %mul3A_7 = arith.mulf %get3A_3, %mul3A : vector<1000x128xf32>
    %get3A_8 = arith.constant 0 : index
    %get3A_9 = arith.constant 0 : index
    %get3A_10 = vector.load %arg3[%get3A_8, %get3A_9] : memref<128x128xf32, #tpu.memory_space<vmem>>, vector<128x128xf32>
    %dot_general3A = arith.constant dense<0.000000e+00> : vector<1000x128xf32>
    %dot_general3A_11 = tpu.matmul %mul3A_7, %get3A_10, %dot_general3A {dimension_numbers = #tpu.dot_dimension_numbers<[1], [0], [0], [1], [0, 0, 1, 1], [], []>, transpose_lhs_hint = false} : vector<1000x128xf32>, vector<128x128xf32>, vector<1000x128xf32> -> vector<1000x128xf32>
    %get3A_12 = arith.constant 0 : index
    %get3A_13 = arith.constant 0 : index
    %get3A_14 = vector.load %arg4[%get3A_12, %get3A_13] : memref<1x128xf32, #tpu.memory_space<vmem>>, vector<1x128xf32>
    %add3A = vector.broadcast %get3A_14 : vector<1x128xf32> to vector<1000x128xf32>
    %add3A_15 = arith.addf %dot_general3A_11, %add3A : vector<1000x128xf32>
    %max3A = arith.constant 0.000000e+00 : f32
    %max3A_16 = vector.broadcast %max3A : f32 to vector<1000x128xf32>
    %max3A_17 = arith.maximumf %add3A_15, %max3A_16 : vector<1000x128xf32>
    %get3A_18 = arith.constant 0 : index
    %get3A_19 = arith.constant 0 : index
    %get3A_20 = vector.load %arg5[%get3A_18, %get3A_19] : memref<1000x128xf32, #tpu.memory_space<vmem>>, vector<1000x128xf32>
    %mul3A_21 = arith.constant 2.000000e+00 : f32
    %mul3A_22 = vector.broadcast %mul3A_21 : f32 to vector<1000x128xf32>
    %mul3A_23 = arith.mulf %mul3A_22, %get3A_20 : vector<1000x128xf32>
    %add3A_24 = arith.addf %max3A_17, %mul3A_23 : vector<1000x128xf32>
    %swap3A = arith.constant 0 : index
    %swap3A_25 = arith.constant 0 : index
    %swap3A_26 = vector.load %arg6[%swap3A, %swap3A_25] : memref<1000x128xf32, #tpu.memory_space<vmem>>, vector<1000x128xf32>
    tpu.vector_store %arg6[%swap3A, %swap3A_25], %add3A_24 {strides = array<i32>} : memref<1000x128xf32, #tpu.memory_space<vmem>>, vector<1000x128xf32>,
    return
  }
  func.func @transform_0(%arg0: i32) -> (i32, i32, i32) {
    %jit3A = arith.constant 5 : i32
    %div3A = arith.divsi %arg0, %jit3A : i32
    %sign3A = arith.constant 0 : i32
    %sign3A_0 = arith.cmpi sgt, %arg0, %sign3A : i32
    %sign3A_1 = arith.extui %sign3A_0 : i1 to i32
    %sign3A_2 = arith.constant 0 : i32
    %sign3A_3 = arith.cmpi slt, %arg0, %sign3A_2 : i32
    %sign3A_4 = arith.extui %sign3A_3 : i1 to i32
    %sign3A_5 = arith.subi %sign3A_1, %sign3A_4 : i32
    %sign3A_6 = arith.constant 0 : i32
    %sign3A_7 = arith.cmpi sgt, %jit3A, %sign3A_6 : i32
    %sign3A_8 = arith.extui %sign3A_7 : i1 to i32
    %sign3A_9 = arith.constant 0 : i32
    %sign3A_10 = arith.cmpi slt, %jit3A, %sign3A_9 : i32
    %sign3A_11 = arith.extui %sign3A_10 : i1 to i32
    %sign3A_12 = arith.subi %sign3A_8, %sign3A_11 : i32
    %ne3A = arith.cmpi ne, %sign3A_5, %sign3A_12 : i32
    %rem3A = arith.remsi %arg0, %jit3A : i32
    %ne3A_13 = arith.constant 0 : i32
    %ne3A_14 = arith.cmpi ne, %rem3A, %ne3A_13 : i32
    %and3A = arith.andi %ne3A, %ne3A_14 : i1
    %sub3A = arith.constant 1 : i32
    %sub3A_15 = arith.subi %div3A, %sub3A : i32
    %select_n3A = arith.select %and3A, %sub3A_15, %div3A : i32
    %jit3A_16 = arith.constant 5 : i32
    %eq3A = arith.constant 0 : i32
    %eq3A_17 = arith.cmpi eq, %jit3A_16, %eq3A : i32
    %jit3A_18 = arith.constant 1 : i32
    %select_n3A_19 = arith.select %eq3A_17, %jit3A_18, %jit3A_16 : i32
    %rem3A_20 = arith.remsi %arg0, %select_n3A_19 : i32
    %ne3A_21 = arith.constant 0 : i32
    %ne3A_22 = arith.cmpi ne, %rem3A_20, %ne3A_21 : i32
    %lt3A = arith.constant 0 : i32
    %lt3A_23 = arith.cmpi slt, %rem3A_20, %lt3A : i32
    %lt3A_24 = arith.constant 0 : i32
    %lt3A_25 = arith.cmpi slt, %select_n3A_19, %lt3A_24 : i32
    %ne3A_26 = arith.xori %lt3A_23, %lt3A_25 : i1
    %and3A_27 = arith.andi %ne3A_26, %ne3A_22 : i1
    %add3A = arith.addi %rem3A_20, %select_n3A_19 : i32
    %select_n3A_28 = arith.select %and3A_27, %add3A, %rem3A_20 : i32
    %c0_i32 = arith.constant 0 : i32
    %c0_i32_29 = arith.constant 0 : i32
    return %select_n3A, %select_n3A_28, %c0_i32 : i32, i32, i32
  }
  func.func @transform_1(%arg0: i32) -> (i32, i32) {
    %c0_i32 = arith.constant 0 : i32
    %c0_i32_0 = arith.constant 0 : i32
    return %arg0, %c0_i32 : i32, i32
  }
  func.func @transform_2(%arg0: i32) -> (i32, i32) {
    %c0_i32 = arith.constant 0 : i32
    %c0_i32_0 = arith.constant 0 : i32
    %c0_i32_1 = arith.constant 0 : i32
    return %c0_i32, %c0_i32_0 : i32, i32
  }
  func.func @transform_3(%arg0: i32) -> (i32, i32) {
    %c0_i32 = arith.constant 0 : i32
    %c0_i32_0 = arith.constant 0 : i32
    %c0_i32_1 = arith.constant 0 : i32
    return %c0_i32, %c0_i32_0 : i32, i32
  }
  func.func @transform_4(%arg0: i32) -> (i32, i32) {
    %c0_i32 = arith.constant 0 : i32
    %c0_i32_0 = arith.constant 0 : i32
    return %arg0, %c0_i32 : i32, i32
  }
  func.func @transform_5(%arg0: i32) -> (i32, i32) {
    %c0_i32 = arith.constant 0 : i32
    %c0_i32_0 = arith.constant 0 : i32
    return %arg0, %c0_i32 : i32, i32
  }
}

</mosaic_0001>

<sc_bundles>
// kernel: kernel.11.cloned.1.call-start
scs
__scs_entry_jumppad:
0x0: {  	(pc) =	sbr.rel $0x88, $3  }
0x1: {  	(tag) =	ssettag $0x0;
	lr =	simm.s32 $0x1  }
0x2: {  	[smem:$0x3F9B] =	sst lr;
	_ =	strace $0xD0000000  }
0x3: {  	_ = 	snop  }
0x4: {  	_ = 	snop  }
0x5: {  	_ = 	snop  }
0x6: {  	_ = 	snop  }
0x7: {  	_ = 	snop  }
__scs_overlays_trampoline_lowered:
0x8: {  	[smem:$0x3FAA] =	sst s0  }
0x9: {  	[smem:$0x3FAB] =	sst s1  }
0xa: {  	[smem:$0x3FAC] =	sst s2  }
0xb: {  	[smem:$0x3FAD] =	sst s3  }
0xc: {  	[smem:$0x3FAE] =	sst s4  }
0xd: {  	[smem:$0x3FAF] =	sst s5  }
0xe: {  	[smem:$0x3FB0] =	sst s6  }
0xf: {  	[smem:$0x3FB1] =	sst s7  }
0x10: {  	[smem:$0x3FB2] =	sst s8  }
0x11: {  	[smem:$0x3FB3] =	sst s9;
	s0 =	simm.s32 @!p0 $0x0  }
0x12: {  	s1 =	sld [smem:$0x3F99];
	s0 =	simm.s32 @p0 $0x1  }
0x13: {  	[smem:$0x3FB4] =	sst s0;
	s0 =	simm.s32 @!p1 $0x0  }
0x14: {  	s2 =	sld [smem:$0x3F98];
	s0 =	simm.s32 @p1 $0x1  }
0x15: {  	[smem:$0x3FB5] =	sst s0;
	s0 =	simm.s32 @!p2 $0x0  }
0x16: {  	s3 =	sld [smem:$0x3FDB];
	s0 =	simm.s32 @p2 $0x1  }
0x17: {  	s4 =	simm.s32 $0x1BF5;
	[smem:$0x3FB7] =	sst s0  }
0x18: {  	s0 =	sld [smem:$0x3F9A];
	_ =	swait.ge [sflag:s4], $0x0  }
0x19: {  	s7 =	sld [smem:$0x3F9B]  }
0x1a: {  	s8 =	sadd.s32 $0xFFFFE003, lr  }
0x1b: {  	s9 =	sadd.s32 $0xFFFFFEF7, lr;
	s5 =	simm.s32 $0xFFFFFFFF;
	p2 =	slt.u32 s8, $0xFFFFF086  }
0x1c: {  	p1 =	slt.u32 s9, $0xF7A;
	s5 =	simm.s32 @!p2 $0x0  }
0x1d: {  	s5 =	simm.s32 @p1 $0x1;
	p0 =	seq.s32 s7, s2  }
0x1e: {  	s7 =	smul.u32 @!p0 $0xF7A, s2;
	p2 =	seq.s32 @!p0 s5, $0x0  }
0x1f: {  	s9 =	smul.u32 $0xF7A, s1;
	s8 =	simm.s32 @!p0 $0x1BF5;
	p2 =	por !p2, p0  }
0x20: {  	[sflag:s8] =	ssyncset.s32 @!p0 $0xFFFFF086;
	s6 =	sadd.s32 @!p0 s3, s7;
	s7 =	simm.s32 @!p0 $0x108  }
0x21: {  	s3 =	sadd.s32 s3, s9;
	s6 =	sadd.s32 @!p0 $0x88, s6;
	s7 =	simm.s32 @p2 $0x1082  }
0x22: {  	[simem:s7], [sflag:s8] =	dma.local @!p0 [hbm:s6], $0xF7A  }
0x23: {  	s9 =	sor.u32 $0xD0000000, s2;
	s6 =	simm.s32 $0x108;
	_ =	swait.ge @!p0 [sflag:s8], $0x0  }
0x24: {  	s3 =	sadd.s32 $0x88, s3;
	s6 =	simm.s32 @!p1 $0x1082;
	[sflag:s4] =	ssyncset.s32 $0xFFFFF086  }
0x25: {  	[simem:s6], [sflag:s4] =	dma.local [hbm:s3], $0xF7A  }
0x26: {  	[smem:$0x3F9B] =	sst s1;
	(tag) =	ssettag s2;
	_ =	strace s9  }
0x27: {  	s1 =	sld [smem:$0x3FAB]  }
0x28: {  	s2 =	sld [smem:$0x3FAC]  }
0x29: {  	s4 =	sld [smem:$0x3FAE]  }
0x2a: {  	p0 =	seq.s32 s5, $0x0;
	s5 =	sld [smem:$0x3FAF]  }
0x2b: {  	s6 =	sld [smem:$0x3FB0]  }
0x2c: {  	s7 =	sld [smem:$0x3FB1]  }
0x2d: {  	s3 =	simm.s32 $0x108;
	s8 =	sld [smem:$0x3FB2]  }
0x2e: {  	s3 =	simm.s32 @!p0 $0x1082;
	s9 =	sld [smem:$0x3FB3]  }
0x2f: {  	lr =	sadd.s32 s0, s3;
	s0 =	sld [smem:$0x3FAA]  }
0x30: {  	s3 =	sld [smem:$0x3FAD]  }
0x31: {  	[smem:$0x3FB6] =	sst s10  }
0x32: {  	s10 =	sld [smem:$0x3FB4];
	_ =	sdelay $0x3  }
0x33: {  	p0 =	seq.s32 s10, $0x1;
	s10 =	sld [smem:$0x3FB6];
	_ =	sdelay $0x3  }
0x34: {  	[smem:$0x3FB6] =	sst s10  }
0x35: {  	s10 =	sld [smem:$0x3FB5];
	_ =	sdelay $0x3  }
0x36: {  	p1 =	seq.s32 s10, $0x1;
	s10 =	sld [smem:$0x3FB6];
	_ =	sdelay $0x3  }
0x37: {  	[smem:$0x3FB6] =	sst s10  }
0x38: {  	s10 =	sld [smem:$0x3FB7]  }
0x39: {  	_ = 	snop;
	(pc) =	sbr.ind lr, $3  }
0x3a: {  	_ = 	snop  }
0x3b: {  	_ = 	snop  }
0x3c: {  	p2 =	seq.s32 s10, $0x1;
	s10 =	sld [smem:$0x3FB6]  }
0x3d: {  	_ =	shalt  }
0x3e: {  	_ =	shalt  }
0x3f: {  	_ =	shalt  }
0x40: {  	_ =	shalt  }
0x41: {  	_ =	shalt  }
0x42: {  	_ =	shalt  }
0x43: {  	_ =	shalt  }
0x44: {  	_ =	shalt  }
0x45: {  	_ =	shalt  }
0x46: {  	_ =	shalt  }
0x47: {  	_ =	shalt  }
0x48: {  	_ =	shalt  }
0x49: {  	_ =	shalt  }
0x4a: {  	_ =	shalt  }
0x4b: {  	_ =	shalt  }
0x4c: {  	_ =	shalt  }
0x4d: {  	_ =	shalt  }
0x4e: {  	_ =	shalt  }
0x4f: {  	_ =	shalt  }
0x50: {  	_ =	shalt  }
0x51: {  	_ =	shalt  }
0x52: {  	_ =	shalt  }
0x53: {  	_ =	shalt  }
0x54: {  	_ =	shalt  }
0x55: {  	_ =	shalt  }
0x56: {  	_ =	shalt  }
0x57: {  	_ =	shalt  }
0x58: {  	_ =	shalt  }
0x59: {  	_ =	shalt  }
0x5a: {  	_ =	shalt  }
0x5b: {  	_ =	shalt  }
0x5c: {  	_ =	shalt  }
0x5d: {  	_ =	shalt  }
0x5e: {  	_ =	shalt  }
0x5f: {  	_ =	shalt  }
0x60: {  	_ =	shalt  }
0x61: {  	_ =	shalt  }
0x62: {  	_ =	shalt  }
0x63: {  	_ =	shalt  }
0x64: {  	_ =	shalt  }
0x65: {  	_ =	shalt  }
0x66: {  	_ =	shalt  }
0x67: {  	_ =	shalt  }
0x68: {  	_ =	shalt  }
0x69: {  	_ =	shalt  }
0x6a: {  	_ =	shalt  }
0x6b: {  	_ =	shalt  }
0x6c: {  	_ =	shalt  }
0x6d: {  	_ =	shalt  }
0x6e: {  	_ =	shalt  }
0x6f: {  	_ =	shalt  }
0x70: {  	_ =	shalt  }
0x71: {  	_ =	shalt  }
0x72: {  	_ =	shalt  }
0x73: {  	_ =	shalt  }
0x74: {  	_ =	shalt  }
0x75: {  	_ =	shalt  }
0x76: {  	_ =	shalt  }
0x77: {  	_ =	shalt  }
0x78: {  	_ =	shalt  }
0x79: {  	_ =	shalt  }
0x7a: {  	_ =	shalt  }
0x7b: {  	_ =	shalt  }
0x7c: {  	_ =	shalt  }
0x7d: {  	_ =	shalt  }
0x7e: {  	_ =	shalt  }
0x7f: {  	_ =	shalt  }
0x80: {  	_ =	shalt  }
0x81: {  	_ =	shalt  }
0x82: {  	_ =	shalt  }
0x83: {  	_ =	shalt  }
0x84: {  	_ =	shalt  }
0x85: {  	_ =	shalt  }
0x86: {  	_ =	shalt  }
0x87: {  	_ =	shalt  }
.Lfunc_end0:
.L_simem_size_0:
called_computation.1_lowered:
.L_overlay_start_0:
0x88: {  	s2 =	sld [smem:$0x3FD9]  }
0x89: {  	s3 =	sld [smem:$0x3FFE];
	_ =	sdelay $0x1  }
0x8a: {  	s1 =	srdreg.scid  }
0x8b: {  	s0 =	sand.u32 $0x1, s1  }
0x8c: {  	s17 =	sshll.u32 s0, $0xA;
	s2 =	sadd.s32 s3, s2  }
0x8d: {  	s2 =	sadd.s32 s2, s17  }
0x8e: {  	[smem:$0x3FC2] =	sst s2  }
0x8f: {  	_ = 	snop  }
0x90: {  	s2 =	sld [smem:$0x3FD0];
	(tm) =	ssettm $0x1  }
0x91: {  	s18 =	sld [smem:$0x3FFB];
	_ =	sdelay $0x3  }
0x92: {  	_ =	strace s18  }
0x93: {  	s3 =	sld [smem:$0x3FFC];
	_ =	sdelay $0x3  }
0x94: {  	_ =	strace s3  }
0x95: {  	s3 =	sld [smem:$0x3FFD];
	_ =	sdelay $0x3  }
0x96: {  	_ =	strace s3  }
0x97: {  	_ =	strace $0x8FFFFFFF  }
0x98: {  	s19 =	sld [smem:$0x3FDB];
	_ =	sdelay $0x1  }
0x99: {  	s4 =	simm.s32 $_scs_section_size  }
0x9a: {  	s5 =	simm.s32 $_size__tile_overlayer_lowered;
	s6 =	simm.s32 $_tile_overlayer_lowered  }
0x9b: {  	s22 =	simm.s32 $0x1BFF;
	s21 =	sshll.u32 s6, $0x1;
	s3 =	sadd.s32 s4, s19  }
0x9c: {  	s7 =	simm.s32 $0x0;
	s20 =	sshll.u32 s5, $0x1;
	s5 =	sadd.s32 s21, s3  }
0x9d: {  	[timem:s7], [sflag:s22] =	dma.local [hbm:s5], s20  }
0x9e: {  	_ =	swait.ge [sflag:s22], s20  }
0x9f: {  	s4 =	ssub.s32 $0x0, s20;
	[sflag:s22] =	ssyncset.done $0x0  }
0xa0: {  	[sflag:s22] =	ssyncadd.s32 s4;
	_ =	sdelay $0x1  }
0xa1: {  	s23 =	simm.s32 $0x1B8B  }
0xa2: {  	_ =	swait.ge [sflag:s23], $0x1  }
0xa3: {  	[sflag:s23] =	ssyncset.done $0x0  }
0xa4: {  	s25 =	simm.s32 $0x1B8E;
	s24 =	sld [smem:$0x3FFE];
	[sflag:s23] =	ssyncadd.s32 $0xFFFFFFFF  }
0xa5: {  	s26 =	simm.s32 $execute0_lowered;
	[smem:$0x3FD2] =	sst s25  }
0xa6: {  	s5 =	sshll.u32 s26, $0x1;
	_ =	strace $0x80000049;
	[dreg:$0x1] =	wrdreg $0xFFFFFFFF  }
0xa7: {  	s28 =	simm.s32 $_size_execute0_lowered;
	s3 =	sadd.s32 s3, s5;
	[dreg:$0x0] =	wrdreg $0x0  }
0xa8: {  	s5 =	sshll.u32 s28, $0x1;
	[dreg:$0x2] =	wrdreg s3  }
0xa9: {  	[dreg:$0x3] =	wrdreg s5  }
0xaa: {  	[dreg:$0x4] =	wrdreg $0xC0  }
0xab: {  	_ =	task [dreg:s7], $0x5FFFF  }
0xac: {  	[dreg:$0x1] =	wrdreg $0xFFFFFFFF  }
0xad: {  	[dreg:$0x0] =	wrdreg $0x60  }
0xae: {  	[dreg:$0x2] =	wrdreg s2  }
0xaf: {  	[dreg:$0x3] =	wrdreg s24  }
0xb0: {  	[dreg:$0x4] =	wrdreg $0x140000  }
0xb1: {  	[dreg:$0x5] =	wrdreg $0x9  }
0xb2: {  	_ =	task.clear_ibuf [dreg:s7], $0x6FFFF;
	_ =	strace $0x90000049  }
0xb3: {  	s29 =	simm.s32 $0x9;
	_ =	strace $0x8000004B  }
0xb4: {  	_ =	swait.ge [sflag:s29], $0x1  }
0xb5: {  	[sflag:s29] =	ssyncadd.s32 $0xFFFFFFFF  }
0xb6: {  	_ =	strace $0x9000004B  }
0xb7: {  	_ =	sfence  }
0xb8: {  	s30 =	sld [smem:$0x0];
	_ =	sdelay $0x2  }
0xb9: {  	s31 =	sshll.u32 s1, $0xD;
	s1 =	sshrl.u32 s1, $0x2  }
0xba: {  	s3 =	sand.u32 $0x4000, s31;
	s1 =	sadd.s32 s1, s30  }
0xbb: {  	s0 =	sor.u32 s3, s0;
	s1 =	sshll.u32 s1, $0x11  }
0xbc: {  	s0 =	sor.u32 s1, s0  }
0xbd: {  	s0 =	sadd.s32 $0x8F2B, s0  }
0xbe: {  	[sflag:s0] =	ssyncadd.remote.s32 $0x1  }
0xbf: {  	_ =	sfence.sel $0xFFFF  }
0xc0: {  	[dreg:$0x0] =	wrdreg $0xFFFFFFFF;
	(pc) =	sbr.abs _section_cstart, $3  }
0xc1: {  	[dreg:$0x1] =	wrdreg $0xFFFFFFFF  }
0xc2: {  	_ =	task.clear_ibuf [dreg:s7], $0x2FFFF;
	_ =	strace $0x9FFFFFFF  }
0xc3: {  	(tm) =	ssettm $0x7FFFFFFF  }
tec
execute0_lowered:
.L_overlay_start_1:
0x0: {  	(tag) =	ssettag $0x1  }
0x1: {  	s1 =	rddreg [dreg:$0x0]  }
0x2: {  	s0 =	rddreg [dreg:$0x1];
	s11 =	stileid.u32  }
0x3: {  	s2 =	srdreg.scid;
	s3 =	rddreg [dreg:$0x2]  }
0x4: {  	s4 =	simm.s32 $0x0;
	s28 =	simm.s32 $0xE000;
	s5 =	smul.u32 $0x5000, s11  }
0x5: {  	s29 =	simm.s32 $0x1;
	s30 =	simm.s32 $0x2;
	s9 =	smul.u32 $0x28000, s11  }
0x6: {  	s2 =	sand.u32 $0x1, s2;
	[smem:$0x7FF] =	sst s4;
	s17 =	smul.u32 $0xA000, s11  }
0x7: {  	s6 =	smul.u32 $0x50000, s2;
	_ =	strace $0x8000004A;
	s22 =	ssub.s32 $0x2, s2  }
0x8: {  	s2 =	smul.u32 $0xA0000, s2;
	s7 =	sshrl.u32 s5, $0x3;
	s23 =	sshrl.u32 s22, $0x1  }
0x9: {  	s25 =	sshrl.u32 s9, $0x2;
	s14 =	sadd.s32 $0x2000, s17;
	s18 =	sadd.s32 $0x4000, s17  }
0xa: {  	s19 =	sadd.s32 $0x6000, s17;
	s20 =	sadd.s32 $0x8000, s17;
	s5 =	sadd.s32 s5, s6  }
0xb: {  	s21 =	sadd.s32 s7, s0;
	s10 =	ssub.s32 s22, s23;
	s7 =	sadd.s32 s25, s3  }
0xc: {  	s12 =	sadd.s32 s2, s17;
	s15 =	sadd.s32 s2, s14;
	s14 =	sadd.s32 s14, s3  }
0xd: {  	s16 =	sadd.s32 s18, s3;
	s18 =	sadd.s32 s2, s18;
	s22 =	simm.s32 $0x3  }
0xe: {  	s25 =	simm.s32 $0x80;
	s23 =	simm.s32 $0x0;
	s5 =	sshrl.u32 s5, $0x3  }
0xf: {  	s24 =	sadd.s32 $0xD200, s21;
	s9 =	sadd.s32 $0x2000, s7;
	s11 =	sadd.s32 $0x6000, s7  }
0x10: {  	s13 =	sshrl.u32 s12, $0x3;
	s12 =	sadd.s32 $0x8000, s7;
	s15 =	sshrl.u32 s15, $0x3  }
0x11: {  	s18 =	sshrl.u32 s18, $0x3;
	s21 =	sadd.s32 s2, s19;
	s2 =	sadd.s32 s2, s20  }
0x12: {  	s20 =	sadd.s32 s20, s3;
	s8 =	sadd.s32 s5, s0;
	s0 =	sadd.s32 $0x2B200, s0  }
0x13: {  	[dreg:$0x4] =	wrdreg s24;
	s31 =	sshrl.u32 s21, $0x3;
	s2 =	sshrl.u32 s2, $0x3  }
0x14: {  	s24 =	simm.s32 $0x12000;
	s26 =	sadd.s32 $0x17200, s8;
	s8 =	smax.u32 s10, $0x1  }
0x15: {  	s10 =	sadd.s32 $0x4000, s7;
	s13 =	sadd.s32 s0, s13;
	s15 =	sadd.s32 s0, s15  }
0x16: {  	s17 =	sadd.s32 s0, s18;
	s18 =	sadd.s32 s19, s3;
	s19 =	sadd.s32 s0, s31  }
0x17: {  	v0 =	vimm.f32 $0.0e+00;
	s21 =	sadd.s32 s0, s2;
	[dreg:$0x5] =	wrdreg s26;
	s26 =	simm.s32 $0xA000  }
.LBB2_1:
0x18: {  	s0 =	rddreg [dreg:$0x4]  }
0x19: {  	[tilespmem:s4], [sflag:$0x3] =	stream.linear.gather [hbm4b:s0+s4], $0x5000, $0x38;
	[tilespmem:$0x1E000] =	vst v63  }
0x1a: {  	_ =	swait.ge [sflag:s22], $0x5000  }
0x1b: {  	[sflag:s22] =	ssyncset.done $0x0  }
0x1c: {  	s2 =	simm.s32 $0x5000;
	s6 =	rddreg [dreg:$0x5];
	[sflag:s22] =	ssyncadd.s32 $0xFFFFB000  }
0x1d: {  	[tilespmem:s2], [sflag:$0x3] =	stream.linear.gather [hbm4b:s6+s4], $0x5000, $0x38;
	[tilespmem:$0x1E000] =	vst v63  }
0x1e: {  	_ =	swait.ge [sflag:s22], $0x5000  }
0x1f: {  	[sflag:s22] =	ssyncset.done $0x0  }
0x20: {  	s31 =	simm.s32 $0x0;
	s2 =	simm.s32 $0x200;
	[sflag:s22] =	ssyncadd.s32 $0xFFFFB000  }
.LBB2_2:
0x21: {  	p0 =	sne.s32 s2, $0x7E00;
	[tilespmem:s31+$0x12070] =	vst v0  }
0x22: {  	[tilespmem:s31+$0x12000] =	vst v0  }
0x23: {  	[tilespmem:s31+$0x12010] =	vst v0  }
.Ltmp0:
0x24: {  	[tilespmem:s31+$0x12020] =	vst v0;
	(pc) =	sbr.rel @p0 .LBB2_2-.Ltmp0, $4  }
0x25: {  	[tilespmem:s31+$0x12030] =	vst v0  }
0x26: {  	[tilespmem:s31+$0x12040] =	vst v0  }
0x27: {  	[tilespmem:s31+$0x12050] =	vst v0  }
0x28: {  	[tilespmem:s31+$0x12060] =	vst v0;
	s31 =	sshra.s32 s2, $0x2;
	s2 =	sadd.s32 $0x200, s2  }
0x29: {  	[tilespmem:s31+$0x12070] =	vst v0  }
0x2a: {  	[tilespmem:s31+$0x12000] =	vst v0  }
0x2b: {  	[tilespmem:s31+$0x12010] =	vst v0  }
0x2c: {  	[tilespmem:s31+$0x12020] =	vst v0  }
0x2d: {  	[tilespmem:s31+$0x12030] =	vst v0  }
0x2e: {  	[tilespmem:s31+$0x12040] =	vst v0  }
0x2f: {  	[tilespmem:s31+$0x12050] =	vst v0  }
0x30: {  	[tilespmem:s31+$0x12060] =	vst v0  }
0x31: {  	[spmem:s7] =	stream.linear.scatter [tilespmem:s24], [sflag:$0x3], $0x2000, $0x38;
	[tilespmem:$0x1E000] =	vst v63  }
0x32: {  	_ =	swait.ge [sflag:s22], $0x2000  }
0x33: {  	[sflag:s22] =	ssyncset.done $0x0  }
0x34: {  	[sflag:s22] =	ssyncadd.s32 $0xFFFFE000  }
0x35: {  	[spmem:s9] =	stream.linear.scatter [tilespmem:s24], [sflag:$0x3], $0x2000, $0x38;
	[tilespmem:$0x1E000] =	vst v63  }
0x36: {  	_ =	swait.ge [sflag:s22], $0x2000  }
0x37: {  	[sflag:s22] =	ssyncset.done $0x0  }
0x38: {  	[sflag:s22] =	ssyncadd.s32 $0xFFFFE000  }
0x39: {  	[spmem:s10] =	stream.linear.scatter [tilespmem:s24], [sflag:$0x3], $0x2000, $0x38;
	[tilespmem:$0x1E000] =	vst v63  }
0x3a: {  	_ =	swait.ge [sflag:s22], $0x2000  }
0x3b: {  	[sflag:s22] =	ssyncset.done $0x0  }
0x3c: {  	[sflag:s22] =	ssyncadd.s32 $0xFFFFE000  }
0x3d: {  	[spmem:s11] =	stream.linear.scatter [tilespmem:s24], [sflag:$0x3], $0x2000, $0x38;
	[tilespmem:$0x1E000] =	vst v63  }
0x3e: {  	_ =	swait.ge [sflag:s22], $0x2000  }
0x3f: {  	[sflag:s22] =	ssyncset.done $0x0  }
0x40: {  	[sflag:s22] =	ssyncadd.s32 $0xFFFFE000  }
0x41: {  	[spmem:s12] =	stream.linear.scatter [tilespmem:s24], [sflag:$0x3], $0x2000, $0x38;
	[tilespmem:$0x1E000] =	vst v63  }
0x42: {  	_ =	swait.ge [sflag:s22], $0x2000  }
0x43: {  	[sflag:s22] =	ssyncset.done $0x0  }
0x44: {  	[sflag:s22] =	ssyncadd.s32 $0xFFFFE000  }
0x45: {  	s2 =	simm.s32 $0x0;
	[bflag:$0x0] =	sbarrier.arrive $0xFFFF  }
0x46: {  	[tilespmem:s26], [sflag:$0x1] =	stream.indirect.gather [hbm4b:s1+s25], $0x80, s2, s25, $0xb8;
	[tilespmem:$0x1E000] =	vst v63  }
0x47: {  	s6 =	simm.s32 $0x80  }
0x48: {  	[tilespmem:s28], [sflag:$0x2] =	stream.indirect.gather [hbm4b:s1+s25], $0x80, s6, s25, $0xb8;
	[tilespmem:$0x1E000] =	vst v63  }
0x49: {  	_ =	swait.ge [sflag:s29], $0x4000  }
0x4a: {  	[sflag:s29] =	ssyncset.done $0x0  }
0x4b: {  	s0 =	simm.s32 $0x5000;
	[sflag:s29] =	ssyncadd.s32 $0xFFFFC000  }
0x4c: {  	[spmem:s3] =	stream.indirect.scatter.add.f32 [tilespmem:s26], [sflag:$0x3], $0x80, s0, s25, $0xb8;
	[tilespmem:$0x1E000] =	vst v63  }
0x4d: {  	_ =	swait.ge [sflag:s22], $0x4000  }
0x4e: {  	[sflag:s22] =	ssyncset.done $0x0  }
0x4f: {  	s5 =	simm.s32 $0x100;
	[sflag:s22] =	ssyncadd.s32 $0xFFFFC000  }
0x50: {  	[tilespmem:s26], [sflag:$0x1] =	stream.indirect.gather [hbm4b:s1+s25], $0x80, s5, s25, $0xb8;
	[tilespmem:$0x1E000] =	vst v63  }
0x51: {  	_ =	swait.ge [sflag:s30], $0x4000  }
0x52: {  	[sflag:s30] =	ssyncset.done $0x0  }
0x53: {  	s6 =	simm.s32 $0x5080;
	[sflag:s30] =	ssyncadd.s32 $0xFFFFC000  }
0x54: {  	[spmem:s3] =	stream.indirect.scatter.add.f32 [tilespmem:s28], [sflag:$0x3], $0x80, s6, s25, $0xb8;
	[tilespmem:$0x1E000] =	vst v63  }
0x55: {  	_ =	swait.ge [sflag:s22], $0x4000  }
0x56: {  	s31 =	simm.s32 $0x100;
	s2 =	simm.s32 $0x800;
	[sflag:s22] =	ssyncset.done $0x0  }
.LBB2_4:
0x57: {  	s0 =	sadd.s32 $0x80, s31  }
0x58: {  	[sflag:s22] =	ssyncadd.s32 $0xFFFFC000;
	s5 =	smov.u32 s2;
	s6 =	sadd.s32 $0x400, s2  }
0x59: {  	[tilespmem:s28], [sflag:$0x2] =	stream.indirect.gather [hbm4b:s1+s25], $0x80, s0, s25, $0xb8;
	[tilespmem:$0x1E000] =	vst v63  }
0x5a: {  	p0 =	sne.s32 s2, $0x13800;
	_ =	swait.ge [sflag:s29], $0x4000  }
0x5b: {  	[sflag:s29] =	ssyncset.done $0x0  }
0x5c: {  	s0 =	sadd.s32 $0x5000, s31;
	[sflag:s29] =	ssyncadd.s32 $0xFFFFC000  }
0x5d: {  	[spmem:s3] =	stream.indirect.scatter.add.f32 [tilespmem:s26], [sflag:$0x3], $0x80, s0, s25, $0xb8;
	[tilespmem:$0x1E000] =	vst v63  }
0x5e: {  	_ =	swait.ge [sflag:s22], $0x4000  }
0x5f: {  	[sflag:s22] =	ssyncset.done $0x0  }
0x60: {  	s0 =	sadd.s32 $0x100, s31;
	[sflag:s22] =	ssyncadd.s32 $0xFFFFC000  }
0x61: {  	[tilespmem:s26], [sflag:$0x1] =	stream.indirect.gather [hbm4b:s1+s25], $0x80, s0, s25, $0xb8;
	[tilespmem:$0x1E000] =	vst v63  }
0x62: {  	_ =	swait.ge [sflag:s30], $0x4000  }
.Ltmp1:
0x63: {  	[sflag:s30] =	ssyncset.done $0x0;
	(pc) =	sbr.rel @p0 .LBB2_4-.Ltmp1, $4  }
0x64: {  	s0 =	sadd.s32 $0x5080, s31;
	[sflag:s30] =	ssyncadd.s32 $0xFFFFC000  }
0x65: {  	[spmem:s3] =	stream.indirect.scatter.add.f32 [tilespmem:s28], [sflag:$0x3], $0x80, s0, s25, $0xb8;
	[tilespmem:$0x1E000] =	vst v63  }
0x66: {  	_ =	swait.ge [sflag:s22], $0x4000  }
0x67: {  	s2 =	smov.u32 s6;
	s31 =	sshra.s32 s5, $0x2;
	[sflag:s22] =	ssyncset.done $0x0  }
0x68: {  	s0 =	sadd.s32 $0x80, s31;
	[sflag:s22] =	ssyncadd.s32 $0xFFFFC000  }
0x69: {  	[tilespmem:s28], [sflag:$0x2] =	stream.indirect.gather [hbm4b:s1+s25], $0x80, s0, s25, $0xb8;
	[tilespmem:$0x1E000] =	vst v63  }
0x6a: {  	_ =	swait.ge [sflag:s29], $0x4000  }
0x6b: {  	[sflag:s29] =	ssyncset.done $0x0  }
0x6c: {  	s5 =	sadd.s32 $0x5000, s31;
	[sflag:s29] =	ssyncadd.s32 $0xFFFFC000  }
0x6d: {  	[spmem:s3] =	stream.indirect.scatter.add.f32 [tilespmem:s26], [sflag:$0x3], $0x80, s5, s25, $0xb8;
	[tilespmem:$0x1E000] =	vst v63  }
0x6e: {  	_ =	swait.ge [sflag:s22], $0x4000  }
0x6f: {  	[sflag:s22] =	ssyncset.done $0x0  }
0x70: {  	s6 =	sadd.s32 $0x100, s31;
	[sflag:s22] =	ssyncadd.s32 $0xFFFFC000  }
0x71: {  	[tilespmem:s26], [sflag:$0x1] =	stream.indirect.gather [hbm4b:s1+s25], $0x80, s6, s25, $0xb8;
	[tilespmem:$0x1E000] =	vst v63  }
0x72: {  	_ =	swait.ge [sflag:s30], $0x4000  }
0x73: {  	[sflag:s30] =	ssyncset.done $0x0  }
0x74: {  	s2 =	sadd.s32 $0x5080, s31;
	[sflag:s30] =	ssyncadd.s32 $0xFFFFC000  }
0x75: {  	[spmem:s3] =	stream.indirect.scatter.add.f32 [tilespmem:s28], [sflag:$0x3], $0x80, s2, s25, $0xb8;
	[tilespmem:$0x1E000] =	vst v63  }
0x76: {  	_ =	swait.ge [sflag:s22], $0x4000  }
0x77: {  	[sflag:s22] =	ssyncset.done $0x0  }
0x78: {  	s5 =	simm.s32 $0x4F80;
	[sflag:s22] =	ssyncadd.s32 $0xFFFFC000  }
0x79: {  	[tilespmem:s28], [sflag:$0x2] =	stream.indirect.gather [hbm4b:s1+s25], $0x80, s5, s25, $0xb8;
	[tilespmem:$0x1E000] =	vst v63  }
0x7a: {  	_ =	swait.ge [sflag:s29], $0x4000  }
0x7b: {  	[sflag:s29] =	ssyncset.done $0x0  }
0x7c: {  	s6 =	simm.s32 $0x9F00;
	[sflag:s29] =	ssyncadd.s32 $0xFFFFC000  }
0x7d: {  	[spmem:s3] =	stream.indirect.scatter.add.f32 [tilespmem:s26], [sflag:$0x3], $0x80, s6, s25, $0xb8;
	[tilespmem:$0x1E000] =	vst v63  }
0x7e: {  	_ =	swait.ge [sflag:s22], $0x4000  }
0x7f: {  	[sflag:s22] =	ssyncset.done $0x0  }
0x80: {  	[sflag:s22] =	ssyncadd.s32 $0xFFFFC000  }
0x81: {  	[tilespmem:s26], [sflag:$0x1] =	stream.indirect.gather [hbm4b:s1+s25], $0x80, s4, s25, $0xb8;
	[tilespmem:$0x1E000] =	vst v63  }
0x82: {  	_ =	swait.ge [sflag:s30], $0x4000  }
0x83: {  	[sflag:s30] =	ssyncset.done $0x0  }
0x84: {  	s31 =	simm.s32 $0x9F80;
	[sflag:s30] =	ssyncadd.s32 $0xFFFFC000  }
0x85: {  	[spmem:s3] =	stream.indirect.scatter.add.f32 [tilespmem:s28], [sflag:$0x3], $0x80, s31, s25, $0xb8;
	[tilespmem:$0x1E000] =	vst v63  }
0x86: {  	_ =	swait.ge [sflag:s22], $0x4000  }
0x87: {  	[sflag:s22] =	ssyncset.done $0x0  }
0x88: {  	[sflag:s22] =	ssyncadd.s32 $0xFFFFC000  }
0x89: {  	_ =	swait.ge [sflag:s29], $0x4000  }
0x8a: {  	[sflag:s29] =	ssyncset.done $0x0  }
0x8b: {  	[sflag:s29] =	ssyncadd.s32 $0xFFFFC000  }
0x8c: {  	[bflag:$0x0] =	sbarrier.arrive $0xFFFF  }
0x8d: {  	[tilespmem:s24], [sflag:$0x3] =	stream.linear.gather [spmem:s7], $0x2000, $0x38;
	[tilespmem:$0x1E000] =	vst v63  }
0x8e: {  	_ =	swait.ge [sflag:s22], $0x2000  }
0x8f: {  	[sflag:s22] =	ssyncset.done $0x0  }
0x90: {  	[sflag:s22] =	ssyncadd.s32 $0xFFFFE000  }
0x91: {  	[hbm4b:s13+s4] =	stream.linear.scatter [tilespmem:s24], [sflag:$0x3], $0x2000, $0x38;
	[tilespmem:$0x1E000] =	vst v63  }
0x92: {  	_ =	swait.ge [sflag:s22], $0x2000  }
0x93: {  	[sflag:s22] =	ssyncset.done $0x0  }
0x94: {  	[sflag:s22] =	ssyncadd.s32 $0xFFFFE000  }
0x95: {  	[tilespmem:s24], [sflag:$0x3] =	stream.linear.gather [spmem:s14], $0x2000, $0x38;
	[tilespmem:$0x1E000] =	vst v63  }
0x96: {  	_ =	swait.ge [sflag:s22], $0x2000  }
0x97: {  	[sflag:s22] =	ssyncset.done $0x0  }
0x98: {  	[sflag:s22] =	ssyncadd.s32 $0xFFFFE000  }
0x99: {  	[hbm4b:s15+s4] =	stream.linear.scatter [tilespmem:s24], [sflag:$0x3], $0x2000, $0x38;
	[tilespmem:$0x1E000] =	vst v63  }
0x9a: {  	_ =	swait.ge [sflag:s22], $0x2000  }
0x9b: {  	[sflag:s22] =	ssyncset.done $0x0  }
0x9c: {  	[sflag:s22] =	ssyncadd.s32 $0xFFFFE000  }
0x9d: {  	[tilespmem:s24], [sflag:$0x3] =	stream.linear.gather [spmem:s16], $0x2000, $0x38;
	[tilespmem:$0x1E000] =	vst v63  }
0x9e: {  	_ =	swait.ge [sflag:s22], $0x2000  }
0x9f: {  	[sflag:s22] =	ssyncset.done $0x0  }
0xa0: {  	[sflag:s22] =	ssyncadd.s32 $0xFFFFE000  }
0xa1: {  	[hbm4b:s17+s4] =	stream.linear.scatter [tilespmem:s24], [sflag:$0x3], $0x2000, $0x38;
	[tilespmem:$0x1E000] =	vst v63  }
0xa2: {  	_ =	swait.ge [sflag:s22], $0x2000  }
0xa3: {  	[sflag:s22] =	ssyncset.done $0x0  }
0xa4: {  	[sflag:s22] =	ssyncadd.s32 $0xFFFFE000  }
0xa5: {  	[tilespmem:s24], [sflag:$0x3] =	stream.linear.gather [spmem:s18], $0x2000, $0x38;
	[tilespmem:$0x1E000] =	vst v63  }
0xa6: {  	_ =	swait.ge [sflag:s22], $0x2000  }
0xa7: {  	[sflag:s22] =	ssyncset.done $0x0  }
0xa8: {  	[sflag:s22] =	ssyncadd.s32 $0xFFFFE000  }
0xa9: {  	[hbm4b:s19+s4] =	stream.linear.scatter [tilespmem:s24], [sflag:$0x3], $0x2000, $0x38;
	[tilespmem:$0x1E000] =	vst v63  }
0xaa: {  	_ =	swait.ge [sflag:s22], $0x2000  }
0xab: {  	[sflag:s22] =	ssyncset.done $0x0  }
0xac: {  	[sflag:s22] =	ssyncadd.s32 $0xFFFFE000  }
0xad: {  	[tilespmem:s24], [sflag:$0x3] =	stream.linear.gather [spmem:s20], $0x2000, $0x38;
	[tilespmem:$0x1E000] =	vst v63  }
0xae: {  	s23 =	sadd.s32 $0x1, s23;
	_ =	swait.ge [sflag:s22], $0x2000  }
0xaf: {  	p0 =	sne.s32 s23, s8;
	[sflag:s22] =	ssyncset.done $0x0  }
.Ltmp2:
0xb0: {  	[sflag:s22] =	ssyncadd.s32 $0xFFFFE000;
	(pc) =	sbr.rel @p0 .LBB2_1-.Ltmp2, $4  }
0xb1: {  	[hbm4b:s21+s4] =	stream.linear.scatter [tilespmem:s24], [sflag:$0x3], $0x2000, $0x38;
	[tilespmem:$0x1E000] =	vst v63  }
0xb2: {  	_ =	swait.ge [sflag:s22], $0x2000  }
0xb3: {  	[sflag:s22] =	ssyncset.done $0x0  }
0xb4: {  	[sflag:s22] =	ssyncadd.s32 $0xFFFFE000  }
0xb5: {  	_ =	sfence.sel $0x180000  }
0xb6: {  	[bflag:$0x0] =	sbarrier.arrive $0xFFFF  }
0xb7: {  	_ =	strace $0x9000004A  }
0xb8: {  	s0 =	stileid.u32;
	[bflag:$0x2] =	sbarrier.arrive $0xFFFF  }
0xb9: {  	p0 =	sne.s32 s0, $0x0;
	s0 =	rddreg [dreg:$0x3]  }
0xba: {  	s0 =	sadd.s32 @!p0 $0x100000, s0  }
0xbb: {  	[sflag:s0] =	ssyncadd.tile.s32 @!p0 $0x1;
	_ =	shalt  }
.Lfunc_end2:
_tile_overlayer_lowered:
.L_overlay_start_2:
0xbc: {  	(tag) =	ssettag $0x2  }
0xbd: {  	s0 =	rddreg [dreg:$0x0];
	s2 =	stileid.u32  }
0xbe: {  	s1 =	rddreg [dreg:$0x1];
	p0 =	sne.s32 s2, $0x0  }
0xbf: {  	s3 =	rddreg [dreg:$0x2];
	[bflag:$0x3] =	sbarrier.arrive $0xFFFF;
	s2 =	simm.s32 @!p0 $0x1C03  }
0xc0: {  	[timem:s3], [sflag:s2] =	dma.local @!p0 [hbm:s0], s1  }
0xc1: {  	s0 =	simm.s32 @!p0 $0x3  }
0xc2: {  	_ =	swait.ge @!p0 [sflag:s0], s1  }
0xc3: {  	s1 =	ssub.s32 @!p0 $0x0, s1;
	[sflag:s0] =	ssyncset.done @!p0 $0x0  }
0xc4: {  	[sflag:s0] =	ssyncadd.s32 @!p0 s1  }
0xc5: {  	[bflag:$0x3] =	sbarrier.arrive $0xFFFF  }
0xc6: {  	_ =	shalt  }

// kernel: kernel.14.cloned.1.call-start
scs
__scs_entry_jumppad:
0x0: {  	(pc) =	sbr.rel $0x88, $3  }
0x1: {  	(tag) =	ssettag $0x0;
	lr =	simm.s32 $0x1  }
0x2: {  	[smem:$0x3F9B] =	sst lr;
	_ =	strace $0xD0000000  }
0x3: {  	_ = 	snop  }
0x4: {  	_ = 	snop  }
0x5: {  	_ = 	snop  }
0x6: {  	_ = 	snop  }
0x7: {  	_ = 	snop  }
__scs_overlays_trampoline_lowered:
0x8: {  	[smem:$0x3FAA] =	sst s0  }
0x9: {  	[smem:$0x3FAB] =	sst s1  }
0xa: {  	[smem:$0x3FAC] =	sst s2  }
0xb: {  	[smem:$0x3FAD] =	sst s3  }
0xc: {  	[smem:$0x3FAE] =	sst s4  }
0xd: {  	[smem:$0x3FAF] =	sst s5  }
0xe: {  	[smem:$0x3FB0] =	sst s6  }
0xf: {  	[smem:$0x3FB1] =	sst s7  }
0x10: {  	[smem:$0x3FB2] =	sst s8  }
0x11: {  	[smem:$0x3FB3] =	sst s9;
	s0 =	simm.s32 @!p0 $0x0  }
0x12: {  	s1 =	sld [smem:$0x3F99];
	s0 =	simm.s32 @p0 $0x1  }
0x13: {  	[smem:$0x3FB4] =	sst s0;
	s0 =	simm.s32 @!p1 $0x0  }
0x14: {  	s2 =	sld [smem:$0x3F98];
	s0 =	simm.s32 @p1 $0x1  }
0x15: {  	[smem:$0x3FB5] =	sst s0;
	s0 =	simm.s32 @!p2 $0x0  }
0x16: {  	s3 =	sld [smem:$0x3FDB];
	s0 =	simm.s32 @p2 $0x1  }
0x17: {  	s4 =	simm.s32 $0x1BF5;
	[smem:$0x3FB7] =	sst s0  }
0x18: {  	s0 =	sld [smem:$0x3F9A];
	_ =	swait.ge [sflag:s4], $0x0  }
0x19: {  	s7 =	sld [smem:$0x3F9B]  }
0x1a: {  	s8 =	sadd.s32 $0xFFFFE003, lr  }
0x1b: {  	s9 =	sadd.s32 $0xFFFFFEF7, lr;
	s5 =	simm.s32 $0xFFFFFFFF;
	p2 =	slt.u32 s8, $0xFFFFF086  }
0x1c: {  	p1 =	slt.u32 s9, $0xF7A;
	s5 =	simm.s32 @!p2 $0x0  }
0x1d: {  	s5 =	simm.s32 @p1 $0x1;
	p0 =	seq.s32 s7, s2  }
0x1e: {  	s7 =	smul.u32 @!p0 $0xF7A, s2;
	p2 =	seq.s32 @!p0 s5, $0x0  }
0x1f: {  	s9 =	smul.u32 $0xF7A, s1;
	s8 =	simm.s32 @!p0 $0x1BF5;
	p2 =	por !p2, p0  }
0x20: {  	[sflag:s8] =	ssyncset.s32 @!p0 $0xFFFFF086;
	s6 =	sadd.s32 @!p0 s3, s7;
	s7 =	simm.s32 @!p0 $0x108  }
0x21: {  	s3 =	sadd.s32 s3, s9;
	s6 =	sadd.s32 @!p0 $0x88, s6;
	s7 =	simm.s32 @p2 $0x1082  }
0x22: {  	[simem:s7], [sflag:s8] =	dma.local @!p0 [hbm:s6], $0xF7A  }
0x23: {  	s9 =	sor.u32 $0xD0000000, s2;
	s6 =	simm.s32 $0x108;
	_ =	swait.ge @!p0 [sflag:s8], $0x0  }
0x24: {  	s3 =	sadd.s32 $0x88, s3;
	s6 =	simm.s32 @!p1 $0x1082;
	[sflag:s4] =	ssyncset.s32 $0xFFFFF086  }
0x25: {  	[simem:s6], [sflag:s4] =	dma.local [hbm:s3], $0xF7A  }
0x26: {  	[smem:$0x3F9B] =	sst s1;
	(tag) =	ssettag s2;
	_ =	strace s9  }
0x27: {  	s1 =	sld [smem:$0x3FAB]  }
0x28: {  	s2 =	sld [smem:$0x3FAC]  }
0x29: {  	s4 =	sld [smem:$0x3FAE]  }
0x2a: {  	p0 =	seq.s32 s5, $0x0;
	s5 =	sld [smem:$0x3FAF]  }
0x2b: {  	s6 =	sld [smem:$0x3FB0]  }
0x2c: {  	s7 =	sld [smem:$0x3FB1]  }
0x2d: {  	s3 =	simm.s32 $0x108;
	s8 =	sld [smem:$0x3FB2]  }
0x2e: {  	s3 =	simm.s32 @!p0 $0x1082;
	s9 =	sld [smem:$0x3FB3]  }
0x2f: {  	lr =	sadd.s32 s0, s3;
	s0 =	sld [smem:$0x3FAA]  }
0x30: {  	s3 =	sld [smem:$0x3FAD]  }
0x31: {  	[smem:$0x3FB6] =	sst s10  }
0x32: {  	s10 =	sld [smem:$0x3FB4];
	_ =	sdelay $0x3  }
0x33: {  	p0 =	seq.s32 s10, $0x1;
	s10 =	sld [smem:$0x3FB6];
	_ =	sdelay $0x3  }
0x34: {  	[smem:$0x3FB6] =	sst s10  }
0x35: {  	s10 =	sld [smem:$0x3FB5];
	_ =	sdelay $0x3  }
0x36: {  	p1 =	seq.s32 s10, $0x1;
	s10 =	sld [smem:$0x3FB6];
	_ =	sdelay $0x3  }
0x37: {  	[smem:$0x3FB6] =	sst s10  }
0x38: {  	s10 =	sld [smem:$0x3FB7]  }
0x39: {  	_ = 	snop;
	(pc) =	sbr.ind lr, $3  }
0x3a: {  	_ = 	snop  }
0x3b: {  	_ = 	snop  }
0x3c: {  	p2 =	seq.s32 s10, $0x1;
	s10 =	sld [smem:$0x3FB6]  }
0x3d: {  	_ =	shalt  }
0x3e: {  	_ =	shalt  }
0x3f: {  	_ =	shalt  }
0x40: {  	_ =	shalt  }
0x41: {  	_ =	shalt  }
0x42: {  	_ =	shalt  }
0x43: {  	_ =	shalt  }
0x44: {  	_ =	shalt  }
0x45: {  	_ =	shalt  }
0x46: {  	_ =	shalt  }
0x47: {  	_ =	shalt  }
0x48: {  	_ =	shalt  }
0x49: {  	_ =	shalt  }
0x4a: {  	_ =	shalt  }
0x4b: {  	_ =	shalt  }
0x4c: {  	_ =	shalt  }
0x4d: {  	_ =	shalt  }
0x4e: {  	_ =	shalt  }
0x4f: {  	_ =	shalt  }
0x50: {  	_ =	shalt  }
0x51: {  	_ =	shalt  }
0x52: {  	_ =	shalt  }
0x53: {  	_ =	shalt  }
0x54: {  	_ =	shalt  }
0x55: {  	_ =	shalt  }
0x56: {  	_ =	shalt  }
0x57: {  	_ =	shalt  }
0x58: {  	_ =	shalt  }
0x59: {  	_ =	shalt  }
0x5a: {  	_ =	shalt  }
0x5b: {  	_ =	shalt  }
0x5c: {  	_ =	shalt  }
0x5d: {  	_ =	shalt  }
0x5e: {  	_ =	shalt  }
0x5f: {  	_ =	shalt  }
0x60: {  	_ =	shalt  }
0x61: {  	_ =	shalt  }
0x62: {  	_ =	shalt  }
0x63: {  	_ =	shalt  }
0x64: {  	_ =	shalt  }
0x65: {  	_ =	shalt  }
0x66: {  	_ =	shalt  }
0x67: {  	_ =	shalt  }
0x68: {  	_ =	shalt  }
0x69: {  	_ =	shalt  }
0x6a: {  	_ =	shalt  }
0x6b: {  	_ =	shalt  }
0x6c: {  	_ =	shalt  }
0x6d: {  	_ =	shalt  }
0x6e: {  	_ =	shalt  }
0x6f: {  	_ =	shalt  }
0x70: {  	_ =	shalt  }
0x71: {  	_ =	shalt  }
0x72: {  	_ =	shalt  }
0x73: {  	_ =	shalt  }
0x74: {  	_ =	shalt  }
0x75: {  	_ =	shalt  }
0x76: {  	_ =	shalt  }
0x77: {  	_ =	shalt  }
0x78: {  	_ =	shalt  }
0x79: {  	_ =	shalt  }
0x7a: {  	_ =	shalt  }
0x7b: {  	_ =	shalt  }
0x7c: {  	_ =	shalt  }
0x7d: {  	_ =	shalt  }
0x7e: {  	_ =	shalt  }
0x7f: {  	_ =	shalt  }
0x80: {  	_ =	shalt  }
0x81: {  	_ =	shalt  }
0x82: {  	_ =	shalt  }
0x83: {  	_ =	shalt  }
0x84: {  	_ =	shalt  }
0x85: {  	_ =	shalt  }
0x86: {  	_ =	shalt  }
0x87: {  	_ =	shalt  }
.Lfunc_end0:
.L_simem_size_0:
called_computation.2_lowered:
.L_overlay_start_0:
0x88: {  	s2 =	sld [smem:$0x3FD9]  }
0x89: {  	s3 =	sld [smem:$0x3FFE];
	_ =	sdelay $0x1  }
0x8a: {  	s1 =	srdreg.scid  }
0x8b: {  	s0 =	sand.u32 $0x1, s1  }
0x8c: {  	s17 =	sshll.u32 s0, $0xA;
	s2 =	sadd.s32 s3, s2  }
0x8d: {  	s2 =	sadd.s32 s2, s17  }
0x8e: {  	[smem:$0x3FC2] =	sst s2  }
0x8f: {  	_ = 	snop  }
0x90: {  	s2 =	sld [smem:$0x3FD0];
	(tm) =	ssettm $0x1  }
0x91: {  	s18 =	sld [smem:$0x3FFB];
	_ =	sdelay $0x3  }
0x92: {  	_ =	strace s18  }
0x93: {  	s3 =	sld [smem:$0x3FFC];
	_ =	sdelay $0x3  }
0x94: {  	_ =	strace s3  }
0x95: {  	s3 =	sld [smem:$0x3FFD];
	_ =	sdelay $0x3  }
0x96: {  	_ =	strace s3  }
0x97: {  	_ =	strace $0x8FFFFFFF  }
0x98: {  	s19 =	sld [smem:$0x3FDB];
	_ =	sdelay $0x1  }
0x99: {  	s4 =	simm.s32 $_scs_section_size  }
0x9a: {  	s5 =	simm.s32 $_size__tile_overlayer_lowered;
	s6 =	simm.s32 $_tile_overlayer_lowered  }
0x9b: {  	s22 =	simm.s32 $0x1BFF;
	s21 =	sshll.u32 s6, $0x1;
	s3 =	sadd.s32 s4, s19  }
0x9c: {  	s7 =	simm.s32 $0x0;
	s20 =	sshll.u32 s5, $0x1;
	s5 =	sadd.s32 s21, s3  }
0x9d: {  	[timem:s7], [sflag:s22] =	dma.local [hbm:s5], s20  }
0x9e: {  	_ =	swait.ge [sflag:s22], s20  }
0x9f: {  	s4 =	ssub.s32 $0x0, s20;
	[sflag:s22] =	ssyncset.done $0x0  }
0xa0: {  	[sflag:s22] =	ssyncadd.s32 s4;
	_ =	sdelay $0x1  }
0xa1: {  	s23 =	simm.s32 $0x1B8B  }
0xa2: {  	_ =	swait.ge [sflag:s23], $0x1  }
0xa3: {  	[sflag:s23] =	ssyncset.done $0x0  }
0xa4: {  	s25 =	simm.s32 $0x1B8E;
	s24 =	sld [smem:$0x3FFE];
	[sflag:s23] =	ssyncadd.s32 $0xFFFFFFFF  }
0xa5: {  	s26 =	simm.s32 $execute0_lowered;
	[smem:$0x3FD2] =	sst s25  }
0xa6: {  	s5 =	sshll.u32 s26, $0x1;
	_ =	strace $0x8000004C;
	[dreg:$0x1] =	wrdreg $0xFFFFFFFF  }
0xa7: {  	s28 =	simm.s32 $_size_execute0_lowered;
	s3 =	sadd.s32 s3, s5;
	[dreg:$0x0] =	wrdreg $0x0  }
0xa8: {  	s5 =	sshll.u32 s28, $0x1;
	[dreg:$0x2] =	wrdreg s3  }
0xa9: {  	[dreg:$0x3] =	wrdreg s5  }
0xaa: {  	[dreg:$0x4] =	wrdreg $0xC0  }
0xab: {  	_ =	task [dreg:s7], $0x5FFFF  }
0xac: {  	[dreg:$0x1] =	wrdreg $0xFFFFFFFF  }
0xad: {  	[dreg:$0x0] =	wrdreg $0x60  }
0xae: {  	[dreg:$0x2] =	wrdreg s2  }
0xaf: {  	[dreg:$0x3] =	wrdreg s24  }
0xb0: {  	[dreg:$0x4] =	wrdreg $0x140000  }
0xb1: {  	[dreg:$0x5] =	wrdreg $0x9  }
0xb2: {  	_ =	task.clear_ibuf [dreg:s7], $0x6FFFF;
	_ =	strace $0x9000004C  }
0xb3: {  	s29 =	simm.s32 $0x9;
	_ =	strace $0x8000004E  }
0xb4: {  	_ =	swait.ge [sflag:s29], $0x1  }
0xb5: {  	[sflag:s29] =	ssyncadd.s32 $0xFFFFFFFF  }
0xb6: {  	_ =	strace $0x9000004E  }
0xb7: {  	_ =	sfence  }
0xb8: {  	s30 =	sld [smem:$0x0];
	_ =	sdelay $0x2  }
0xb9: {  	s31 =	sshll.u32 s1, $0xD;
	s1 =	sshrl.u32 s1, $0x2  }
0xba: {  	s3 =	sand.u32 $0x4000, s31;
	s1 =	sadd.s32 s1, s30  }
0xbb: {  	s0 =	sor.u32 s3, s0;
	s1 =	sshll.u32 s1, $0x11  }
0xbc: {  	s0 =	sor.u32 s1, s0  }
0xbd: {  	s0 =	sadd.s32 $0x8F2B, s0  }
0xbe: {  	[sflag:s0] =	ssyncadd.remote.s32 $0x1  }
0xbf: {  	_ =	sfence.sel $0xFFFF  }
0xc0: {  	[dreg:$0x0] =	wrdreg $0xFFFFFFFF;
	(pc) =	sbr.abs _section_cstart, $3  }
0xc1: {  	[dreg:$0x1] =	wrdreg $0xFFFFFFFF  }
0xc2: {  	_ =	task.clear_ibuf [dreg:s7], $0x2FFFF;
	_ =	strace $0x9FFFFFFF  }
0xc3: {  	(tm) =	ssettm $0x7FFFFFFF  }
tec
execute0_lowered:
.L_overlay_start_1:
0x0: {  	(tag) =	ssettag $0x1  }
0x1: {  	s1 =	rddreg [dreg:$0x0]  }
0x2: {  	s0 =	rddreg [dreg:$0x1];
	s11 =	stileid.u32  }
0x3: {  	s2 =	srdreg.scid;
	s3 =	rddreg [dreg:$0x2]  }
0x4: {  	s4 =	simm.s32 $0x0;
	s28 =	simm.s32 $0xE000;
	s5 =	smul.u32 $0x5000, s11  }
0x5: {  	s29 =	simm.s32 $0x1;
	s30 =	simm.s32 $0x2;
	s9 =	smul.u32 $0x28000, s11  }
0x6: {  	s2 =	sand.u32 $0x1, s2;
	[smem:$0x7FF] =	sst s4;
	s17 =	smul.u32 $0xA000, s11  }
0x7: {  	s6 =	smul.u32 $0x50000, s2;
	_ =	strace $0x8000004D;
	s22 =	ssub.s32 $0x2, s2  }
0x8: {  	s2 =	smul.u32 $0xA0000, s2;
	s7 =	sshrl.u32 s5, $0x3;
	s23 =	sshrl.u32 s22, $0x1  }
0x9: {  	s25 =	sshrl.u32 s9, $0x2;
	s14 =	sadd.s32 $0x2000, s17;
	s18 =	sadd.s32 $0x4000, s17  }
0xa: {  	s19 =	sadd.s32 $0x6000, s17;
	s20 =	sadd.s32 $0x8000, s17;
	s5 =	sadd.s32 s5, s6  }
0xb: {  	s21 =	sadd.s32 s7, s0;
	s10 =	ssub.s32 s22, s23;
	s7 =	sadd.s32 s25, s3  }
0xc: {  	s12 =	sadd.s32 s2, s17;
	s15 =	sadd.s32 s2, s14;
	s14 =	sadd.s32 s14, s3  }
0xd: {  	s16 =	sadd.s32 s18, s3;
	s18 =	sadd.s32 s2, s18;
	s22 =	simm.s32 $0x3  }
0xe: {  	s25 =	simm.s32 $0x80;
	s23 =	simm.s32 $0x0;
	s5 =	sshrl.u32 s5, $0x3  }
0xf: {  	s24 =	sadd.s32 $0xD200, s21;
	s9 =	sadd.s32 $0x2000, s7;
	s11 =	sadd.s32 $0x6000, s7  }
0x10: {  	s13 =	sshrl.u32 s12, $0x3;
	s12 =	sadd.s32 $0x8000, s7;
	s15 =	sshrl.u32 s15, $0x3  }
0x11: {  	s18 =	sshrl.u32 s18, $0x3;
	s21 =	sadd.s32 s2, s19;
	s2 =	sadd.s32 s2, s20  }
0x12: {  	s20 =	sadd.s32 s20, s3;
	s8 =	sadd.s32 s5, s0;
	s0 =	sadd.s32 $0x2B200, s0  }
0x13: {  	[dreg:$0x4] =	wrdreg s24;
	s31 =	sshrl.u32 s21, $0x3;
	s2 =	sshrl.u32 s2, $0x3  }
0x14: {  	s24 =	simm.s32 $0x12000;
	s26 =	sadd.s32 $0x17200, s8;
	s8 =	smax.u32 s10, $0x1  }
0x15: {  	s10 =	sadd.s32 $0x4000, s7;
	s13 =	sadd.s32 s0, s13;
	s15 =	sadd.s32 s0, s15  }
0x16: {  	s17 =	sadd.s32 s0, s18;
	s18 =	sadd.s32 s19, s3;
	s19 =	sadd.s32 s0, s31  }
0x17: {  	v0 =	vimm.f32 $0.0e+00;
	s21 =	sadd.s32 s0, s2;
	[dreg:$0x5] =	wrdreg s26;
	s26 =	simm.s32 $0xA000  }
.LBB2_1:
0x18: {  	s0 =	rddreg [dreg:$0x4]  }
0x19: {  	[tilespmem:s4], [sflag:$0x3] =	stream.linear.gather [hbm4b:s0+s4], $0x5000, $0x38;
	[tilespmem:$0x1E000] =	vst v63  }
0x1a: {  	_ =	swait.ge [sflag:s22], $0x5000  }
0x1b: {  	[sflag:s22] =	ssyncset.done $0x0  }
0x1c: {  	s2 =	simm.s32 $0x5000;
	s6 =	rddreg [dreg:$0x5];
	[sflag:s22] =	ssyncadd.s32 $0xFFFFB000  }
0x1d: {  	[tilespmem:s2], [sflag:$0x3] =	stream.linear.gather [hbm4b:s6+s4], $0x5000, $0x38;
	[tilespmem:$0x1E000] =	vst v63  }
0x1e: {  	_ =	swait.ge [sflag:s22], $0x5000  }
0x1f: {  	[sflag:s22] =	ssyncset.done $0x0  }
0x20: {  	s31 =	simm.s32 $0x0;
	s2 =	simm.s32 $0x200;
	[sflag:s22] =	ssyncadd.s32 $0xFFFFB000  }
.LBB2_2:
0x21: {  	p0 =	sne.s32 s2, $0x7E00;
	[tilespmem:s31+$0x12070] =	vst v0  }
0x22: {  	[tilespmem:s31+$0x12000] =	vst v0  }
0x23: {  	[tilespmem:s31+$0x12010] =	vst v0  }
.Ltmp0:
0x24: {  	[tilespmem:s31+$0x12020] =	vst v0;
	(pc) =	sbr.rel @p0 .LBB2_2-.Ltmp0, $4  }
0x25: {  	[tilespmem:s31+$0x12030] =	vst v0  }
0x26: {  	[tilespmem:s31+$0x12040] =	vst v0  }
0x27: {  	[tilespmem:s31+$0x12050] =	vst v0  }
0x28: {  	[tilespmem:s31+$0x12060] =	vst v0;
	s31 =	sshra.s32 s2, $0x2;
	s2 =	sadd.s32 $0x200, s2  }
0x29: {  	[tilespmem:s31+$0x12070] =	vst v0  }
0x2a: {  	[tilespmem:s31+$0x12000] =	vst v0  }
0x2b: {  	[tilespmem:s31+$0x12010] =	vst v0  }
0x2c: {  	[tilespmem:s31+$0x12020] =	vst v0  }
0x2d: {  	[tilespmem:s31+$0x12030] =	vst v0  }
0x2e: {  	[tilespmem:s31+$0x12040] =	vst v0  }
0x2f: {  	[tilespmem:s31+$0x12050] =	vst v0  }
0x30: {  	[tilespmem:s31+$0x12060] =	vst v0  }
0x31: {  	[spmem:s7] =	stream.linear.scatter [tilespmem:s24], [sflag:$0x3], $0x2000, $0x38;
	[tilespmem:$0x1E000] =	vst v63  }
0x32: {  	_ =	swait.ge [sflag:s22], $0x2000  }
0x33: {  	[sflag:s22] =	ssyncset.done $0x0  }
0x34: {  	[sflag:s22] =	ssyncadd.s32 $0xFFFFE000  }
0x35: {  	[spmem:s9] =	stream.linear.scatter [tilespmem:s24], [sflag:$0x3], $0x2000, $0x38;
	[tilespmem:$0x1E000] =	vst v63  }
0x36: {  	_ =	swait.ge [sflag:s22], $0x2000  }
0x37: {  	[sflag:s22] =	ssyncset.done $0x0  }
0x38: {  	[sflag:s22] =	ssyncadd.s32 $0xFFFFE000  }
0x39: {  	[spmem:s10] =	stream.linear.scatter [tilespmem:s24], [sflag:$0x3], $0x2000, $0x38;
	[tilespmem:$0x1E000] =	vst v63  }
0x3a: {  	_ =	swait.ge [sflag:s22], $0x2000  }
0x3b: {  	[sflag:s22] =	ssyncset.done $0x0  }
0x3c: {  	[sflag:s22] =	ssyncadd.s32 $0xFFFFE000  }
0x3d: {  	[spmem:s11] =	stream.linear.scatter [tilespmem:s24], [sflag:$0x3], $0x2000, $0x38;
	[tilespmem:$0x1E000] =	vst v63  }
0x3e: {  	_ =	swait.ge [sflag:s22], $0x2000  }
0x3f: {  	[sflag:s22] =	ssyncset.done $0x0  }
0x40: {  	[sflag:s22] =	ssyncadd.s32 $0xFFFFE000  }
0x41: {  	[spmem:s12] =	stream.linear.scatter [tilespmem:s24], [sflag:$0x3], $0x2000, $0x38;
	[tilespmem:$0x1E000] =	vst v63  }
0x42: {  	_ =	swait.ge [sflag:s22], $0x2000  }
0x43: {  	[sflag:s22] =	ssyncset.done $0x0  }
0x44: {  	[sflag:s22] =	ssyncadd.s32 $0xFFFFE000  }
0x45: {  	s2 =	simm.s32 $0x0;
	[bflag:$0x0] =	sbarrier.arrive $0xFFFF  }
0x46: {  	[tilespmem:s26], [sflag:$0x1] =	stream.indirect.gather [hbm4b:s1+s25], $0x80, s2, s25, $0xb8;
	[tilespmem:$0x1E000] =	vst v63  }
0x47: {  	s6 =	simm.s32 $0x80  }
0x48: {  	[tilespmem:s28], [sflag:$0x2] =	stream.indirect.gather [hbm4b:s1+s25], $0x80, s6, s25, $0xb8;
	[tilespmem:$0x1E000] =	vst v63  }
0x49: {  	_ =	swait.ge [sflag:s29], $0x4000  }
0x4a: {  	[sflag:s29] =	ssyncset.done $0x0  }
0x4b: {  	s0 =	simm.s32 $0x5000;
	[sflag:s29] =	ssyncadd.s32 $0xFFFFC000  }
0x4c: {  	[spmem:s3] =	stream.indirect.scatter.add.f32 [tilespmem:s26], [sflag:$0x3], $0x80, s0, s25, $0xb8;
	[tilespmem:$0x1E000] =	vst v63  }
0x4d: {  	_ =	swait.ge [sflag:s22], $0x4000  }
0x4e: {  	[sflag:s22] =	ssyncset.done $0x0  }
0x4f: {  	s5 =	simm.s32 $0x100;
	[sflag:s22] =	ssyncadd.s32 $0xFFFFC000  }
0x50: {  	[tilespmem:s26], [sflag:$0x1] =	stream.indirect.gather [hbm4b:s1+s25], $0x80, s5, s25, $0xb8;
	[tilespmem:$0x1E000] =	vst v63  }
0x51: {  	_ =	swait.ge [sflag:s30], $0x4000  }
0x52: {  	[sflag:s30] =	ssyncset.done $0x0  }
0x53: {  	s6 =	simm.s32 $0x5080;
	[sflag:s30] =	ssyncadd.s32 $0xFFFFC000  }
0x54: {  	[spmem:s3] =	stream.indirect.scatter.add.f32 [tilespmem:s28], [sflag:$0x3], $0x80, s6, s25, $0xb8;
	[tilespmem:$0x1E000] =	vst v63  }
0x55: {  	_ =	swait.ge [sflag:s22], $0x4000  }
0x56: {  	s31 =	simm.s32 $0x100;
	s2 =	simm.s32 $0x800;
	[sflag:s22] =	ssyncset.done $0x0  }
.LBB2_4:
0x57: {  	s0 =	sadd.s32 $0x80, s31  }
0x58: {  	[sflag:s22] =	ssyncadd.s32 $0xFFFFC000;
	s5 =	smov.u32 s2;
	s6 =	sadd.s32 $0x400, s2  }
0x59: {  	[tilespmem:s28], [sflag:$0x2] =	stream.indirect.gather [hbm4b:s1+s25], $0x80, s0, s25, $0xb8;
	[tilespmem:$0x1E000] =	vst v63  }
0x5a: {  	p0 =	sne.s32 s2, $0x13800;
	_ =	swait.ge [sflag:s29], $0x4000  }
0x5b: {  	[sflag:s29] =	ssyncset.done $0x0  }
0x5c: {  	s0 =	sadd.s32 $0x5000, s31;
	[sflag:s29] =	ssyncadd.s32 $0xFFFFC000  }
0x5d: {  	[spmem:s3] =	stream.indirect.scatter.add.f32 [tilespmem:s26], [sflag:$0x3], $0x80, s0, s25, $0xb8;
	[tilespmem:$0x1E000] =	vst v63  }
0x5e: {  	_ =	swait.ge [sflag:s22], $0x4000  }
0x5f: {  	[sflag:s22] =	ssyncset.done $0x0  }
0x60: {  	s0 =	sadd.s32 $0x100, s31;
	[sflag:s22] =	ssyncadd.s32 $0xFFFFC000  }
0x61: {  	[tilespmem:s26], [sflag:$0x1] =	stream.indirect.gather [hbm4b:s1+s25], $0x80, s0, s25, $0xb8;
	[tilespmem:$0x1E000] =	vst v63  }
0x62: {  	_ =	swait.ge [sflag:s30], $0x4000  }
.Ltmp1:
0x63: {  	[sflag:s30] =	ssyncset.done $0x0;
	(pc) =	sbr.rel @p0 .LBB2_4-.Ltmp1, $4  }
0x64: {  	s0 =	sadd.s32 $0x5080, s31;
	[sflag:s30] =	ssyncadd.s32 $0xFFFFC000  }
0x65: {  	[spmem:s3] =	stream.indirect.scatter.add.f32 [tilespmem:s28], [sflag:$0x3], $0x80, s0, s25, $0xb8;
	[tilespmem:$0x1E000] =	vst v63  }
0x66: {  	_ =	swait.ge [sflag:s22], $0x4000  }
0x67: {  	s2 =	smov.u32 s6;
	s31 =	sshra.s32 s5, $0x2;
	[sflag:s22] =	ssyncset.done $0x0  }
0x68: {  	s0 =	sadd.s32 $0x80, s31;
	[sflag:s22] =	ssyncadd.s32 $0xFFFFC000  }
0x69: {  	[tilespmem:s28], [sflag:$0x2] =	stream.indirect.gather [hbm4b:s1+s25], $0x80, s0, s25, $0xb8;
	[tilespmem:$0x1E000] =	vst v63  }
0x6a: {  	_ =	swait.ge [sflag:s29], $0x4000  }
0x6b: {  	[sflag:s29] =	ssyncset.done $0x0  }
0x6c: {  	s5 =	sadd.s32 $0x5000, s31;
	[sflag:s29] =	ssyncadd.s32 $0xFFFFC000  }
0x6d: {  	[spmem:s3] =	stream.indirect.scatter.add.f32 [tilespmem:s26], [sflag:$0x3], $0x80, s5, s25, $0xb8;
	[tilespmem:$0x1E000] =	vst v63  }
0x6e: {  	_ =	swait.ge [sflag:s22], $0x4000  }
0x6f: {  	[sflag:s22] =	ssyncset.done $0x0  }
0x70: {  	s6 =	sadd.s32 $0x100, s31;
	[sflag:s22] =	ssyncadd.s32 $0xFFFFC000  }
0x71: {  	[tilespmem:s26], [sflag:$0x1] =	stream.indirect.gather [hbm4b:s1+s25], $0x80, s6, s25, $0xb8;
	[tilespmem:$0x1E000] =	vst v63  }
0x72: {  	_ =	swait.ge [sflag:s30], $0x4000  }
0x73: {  	[sflag:s30] =	ssyncset.done $0x0  }
0x74: {  	s2 =	sadd.s32 $0x5080, s31;
	[sflag:s30] =	ssyncadd.s32 $0xFFFFC000  }
0x75: {  	[spmem:s3] =	stream.indirect.scatter.add.f32 [tilespmem:s28], [sflag:$0x3], $0x80, s2, s25, $0xb8;
	[tilespmem:$0x1E000] =	vst v63  }
0x76: {  	_ =	swait.ge [sflag:s22], $0x4000  }
0x77: {  	[sflag:s22] =	ssyncset.done $0x0  }
0x78: {  	s5 =	simm.s32 $0x4F80;
	[sflag:s22] =	ssyncadd.s32 $0xFFFFC000  }
0x79: {  	[tilespmem:s28], [sflag:$0x2] =	stream.indirect.gather [hbm4b:s1+s25], $0x80, s5, s25, $0xb8;
	[tilespmem:$0x1E000] =	vst v63  }
0x7a: {  	_ =	swait.ge [sflag:s29], $0x4000  }
0x7b: {  	[sflag:s29] =	ssyncset.done $0x0  }
0x7c: {  	s6 =	simm.s32 $0x9F00;
	[sflag:s29] =	ssyncadd.s32 $0xFFFFC000  }
0x7d: {  	[spmem:s3] =	stream.indirect.scatter.add.f32 [tilespmem:s26], [sflag:$0x3], $0x80, s6, s25, $0xb8;
	[tilespmem:$0x1E000] =	vst v63  }
0x7e: {  	_ =	swait.ge [sflag:s22], $0x4000  }
0x7f: {  	[sflag:s22] =	ssyncset.done $0x0  }
0x80: {  	[sflag:s22] =	ssyncadd.s32 $0xFFFFC000  }
0x81: {  	[tilespmem:s26], [sflag:$0x1] =	stream.indirect.gather [hbm4b:s1+s25], $0x80, s4, s25, $0xb8;
	[tilespmem:$0x1E000] =	vst v63  }
0x82: {  	_ =	swait.ge [sflag:s30], $0x4000  }
0x83: {  	[sflag:s30] =	ssyncset.done $0x0  }
0x84: {  	s31 =	simm.s32 $0x9F80;
	[sflag:s30] =	ssyncadd.s32 $0xFFFFC000  }
0x85: {  	[spmem:s3] =	stream.indirect.scatter.add.f32 [tilespmem:s28], [sflag:$0x3], $0x80, s31, s25, $0xb8;
	[tilespmem:$0x1E000] =	vst v63  }
0x86: {  	_ =	swait.ge [sflag:s22], $0x4000  }
0x87: {  	[sflag:s22] =	ssyncset.done $0x0  }
0x88: {  	[sflag:s22] =	ssyncadd.s32 $0xFFFFC000  }
0x89: {  	_ =	swait.ge [sflag:s29], $0x4000  }
0x8a: {  	[sflag:s29] =	ssyncset.done $0x0  }
0x8b: {  	[sflag:s29] =	ssyncadd.s32 $0xFFFFC000  }
0x8c: {  	[bflag:$0x0] =	sbarrier.arrive $0xFFFF  }
0x8d: {  	[tilespmem:s24], [sflag:$0x3] =	stream.linear.gather [spmem:s7], $0x2000, $0x38;
	[tilespmem:$0x1E000] =	vst v63  }
0x8e: {  	_ =	swait.ge [sflag:s22], $0x2000  }
0x8f: {  	[sflag:s22] =	ssyncset.done $0x0  }
0x90: {  	[sflag:s22] =	ssyncadd.s32 $0xFFFFE000  }
0x91: {  	[hbm4b:s13+s4] =	stream.linear.scatter [tilespmem:s24], [sflag:$0x3], $0x2000, $0x38;
	[tilespmem:$0x1E000] =	vst v63  }
0x92: {  	_ =	swait.ge [sflag:s22], $0x2000  }
0x93: {  	[sflag:s22] =	ssyncset.done $0x0  }
0x94: {  	[sflag:s22] =	ssyncadd.s32 $0xFFFFE000  }
0x95: {  	[tilespmem:s24], [sflag:$0x3] =	stream.linear.gather [spmem:s14], $0x2000, $0x38;
	[tilespmem:$0x1E000] =	vst v63  }
0x96: {  	_ =	swait.ge [sflag:s22], $0x2000  }
0x97: {  	[sflag:s22] =	ssyncset.done $0x0  }
0x98: {  	[sflag:s22] =	ssyncadd.s32 $0xFFFFE000  }
0x99: {  	[hbm4b:s15+s4] =	stream.linear.scatter [tilespmem:s24], [sflag:$0x3], $0x2000, $0x38;
	[tilespmem:$0x1E000] =	vst v63  }
0x9a: {  	_ =	swait.ge [sflag:s22], $0x2000  }
0x9b: {  	[sflag:s22] =	ssyncset.done $0x0  }
0x9c: {  	[sflag:s22] =	ssyncadd.s32 $0xFFFFE000  }
0x9d: {  	[tilespmem:s24], [sflag:$0x3] =	stream.linear.gather [spmem:s16], $0x2000, $0x38;
	[tilespmem:$0x1E000] =	vst v63  }
0x9e: {  	_ =	swait.ge [sflag:s22], $0x2000  }
0x9f: {  	[sflag:s22] =	ssyncset.done $0x0  }
0xa0: {  	[sflag:s22] =	ssyncadd.s32 $0xFFFFE000  }
0xa1: {  	[hbm4b:s17+s4] =	stream.linear.scatter [tilespmem:s24], [sflag:$0x3], $0x2000, $0x38;
	[tilespmem:$0x1E000] =	vst v63  }
0xa2: {  	_ =	swait.ge [sflag:s22], $0x2000  }
0xa3: {  	[sflag:s22] =	ssyncset.done $0x0  }
0xa4: {  	[sflag:s22] =	ssyncadd.s32 $0xFFFFE000  }
0xa5: {  	[tilespmem:s24], [sflag:$0x3] =	stream.linear.gather [spmem:s18], $0x2000, $0x38;
	[tilespmem:$0x1E000] =	vst v63  }
0xa6: {  	_ =	swait.ge [sflag:s22], $0x2000  }
0xa7: {  	[sflag:s22] =	ssyncset.done $0x0  }
0xa8: {  	[sflag:s22] =	ssyncadd.s32 $0xFFFFE000  }
0xa9: {  	[hbm4b:s19+s4] =	stream.linear.scatter [tilespmem:s24], [sflag:$0x3], $0x2000, $0x38;
	[tilespmem:$0x1E000] =	vst v63  }
0xaa: {  	_ =	swait.ge [sflag:s22], $0x2000  }
0xab: {  	[sflag:s22] =	ssyncset.done $0x0  }
0xac: {  	[sflag:s22] =	ssyncadd.s32 $0xFFFFE000  }
0xad: {  	[tilespmem:s24], [sflag:$0x3] =	stream.linear.gather [spmem:s20], $0x2000, $0x38;
	[tilespmem:$0x1E000] =	vst v63  }
0xae: {  	s23 =	sadd.s32 $0x1, s23;
	_ =	swait.ge [sflag:s22], $0x2000  }
0xaf: {  	p0 =	sne.s32 s23, s8;
	[sflag:s22] =	ssyncset.done $0x0  }
.Ltmp2:
0xb0: {  	[sflag:s22] =	ssyncadd.s32 $0xFFFFE000;
	(pc) =	sbr.rel @p0 .LBB2_1-.Ltmp2, $4  }
0xb1: {  	[hbm4b:s21+s4] =	stream.linear.scatter [tilespmem:s24], [sflag:$0x3], $0x2000, $0x38;
	[tilespmem:$0x1E000] =	vst v63  }
0xb2: {  	_ =	swait.ge [sflag:s22], $0x2000  }
0xb3: {  	[sflag:s22] =	ssyncset.done $0x0  }
0xb4: {  	[sflag:s22] =	ssyncadd.s32 $0xFFFFE000  }
0xb5: {  	_ =	sfence.sel $0x180000  }
0xb6: {  	[bflag:$0x0] =	sbarrier.arrive $0xFFFF  }
0xb7: {  	_ =	strace $0x9000004D  }
0xb8: {  	s0 =	stileid.u32;
	[bflag:$0x2] =	sbarrier.arrive $0xFFFF  }
0xb9: {  	p0 =	sne.s32 s0, $0x0;
	s0 =	rddreg [dreg:$0x3]  }
0xba: {  	s0 =	sadd.s32 @!p0 $0x100000, s0  }
0xbb: {  	[sflag:s0] =	ssyncadd.tile.s32 @!p0 $0x1;
	_ =	shalt  }
.Lfunc_end2:
_tile_overlayer_lowered:
.L_overlay_start_2:
0xbc: {  	(tag) =	ssettag $0x2  }
0xbd: {  	s0 =	rddreg [dreg:$0x0];
	s2 =	stileid.u32  }
0xbe: {  	s1 =	rddreg [dreg:$0x1];
	p0 =	sne.s32 s2, $0x0  }
0xbf: {  	s3 =	rddreg [dreg:$0x2];
	[bflag:$0x3] =	sbarrier.arrive $0xFFFF;
	s2 =	simm.s32 @!p0 $0x1C03  }
0xc0: {  	[timem:s3], [sflag:s2] =	dma.local @!p0 [hbm:s0], s1  }
0xc1: {  	s0 =	simm.s32 @!p0 $0x3  }
0xc2: {  	_ =	swait.ge @!p0 [sflag:s0], s1  }
0xc3: {  	s1 =	ssub.s32 @!p0 $0x0, s1;
	[sflag:s0] =	ssyncset.done @!p0 $0x0  }
0xc4: {  	[sflag:s0] =	ssyncadd.s32 @!p0 s1  }
0xc5: {  	[bflag:$0x3] =	sbarrier.arrive $0xFFFF  }
0xc6: {  	_ =	shalt  }

// kernel: kernel.8.cloned.1.call-start
scs
__scs_entry_jumppad:
0x0: {  	(pc) =	sbr.rel $0x88, $3  }
0x1: {  	(tag) =	ssettag $0x0;
	lr =	simm.s32 $0x1  }
0x2: {  	[smem:$0x3F9B] =	sst lr;
	_ =	strace $0xD0000000  }
0x3: {  	_ = 	snop  }
0x4: {  	_ = 	snop  }
0x5: {  	_ = 	snop  }
0x6: {  	_ = 	snop  }
0x7: {  	_ = 	snop  }
__scs_overlays_trampoline_lowered:
0x8: {  	[smem:$0x3FAA] =	sst s0  }
0x9: {  	[smem:$0x3FAB] =	sst s1  }
0xa: {  	[smem:$0x3FAC] =	sst s2  }
0xb: {  	[smem:$0x3FAD] =	sst s3  }
0xc: {  	[smem:$0x3FAE] =	sst s4  }
0xd: {  	[smem:$0x3FAF] =	sst s5  }
0xe: {  	[smem:$0x3FB0] =	sst s6  }
0xf: {  	[smem:$0x3FB1] =	sst s7  }
0x10: {  	[smem:$0x3FB2] =	sst s8  }
0x11: {  	[smem:$0x3FB3] =	sst s9;
	s0 =	simm.s32 @!p0 $0x0  }
0x12: {  	s1 =	sld [smem:$0x3F99];
	s0 =	simm.s32 @p0 $0x1  }
0x13: {  	[smem:$0x3FB4] =	sst s0;
	s0 =	simm.s32 @!p1 $0x0  }
0x14: {  	s2 =	sld [smem:$0x3F98];
	s0 =	simm.s32 @p1 $0x1  }
0x15: {  	[smem:$0x3FB5] =	sst s0;
	s0 =	simm.s32 @!p2 $0x0  }
0x16: {  	s3 =	sld [smem:$0x3FDB];
	s0 =	simm.s32 @p2 $0x1  }
0x17: {  	s4 =	simm.s32 $0x1BF5;
	[smem:$0x3FB7] =	sst s0  }
0x18: {  	s0 =	sld [smem:$0x3F9A];
	_ =	swait.ge [sflag:s4], $0x0  }
0x19: {  	s7 =	sld [smem:$0x3F9B]  }
0x1a: {  	s8 =	sadd.s32 $0xFFFFE003, lr  }
0x1b: {  	s9 =	sadd.s32 $0xFFFFFEF7, lr;
	s5 =	simm.s32 $0xFFFFFFFF;
	p2 =	slt.u32 s8, $0xFFFFF086  }
0x1c: {  	p1 =	slt.u32 s9, $0xF7A;
	s5 =	simm.s32 @!p2 $0x0  }
0x1d: {  	s5 =	simm.s32 @p1 $0x1;
	p0 =	seq.s32 s7, s2  }
0x1e: {  	s7 =	smul.u32 @!p0 $0xF7A, s2;
	p2 =	seq.s32 @!p0 s5, $0x0  }
0x1f: {  	s9 =	smul.u32 $0xF7A, s1;
	s8 =	simm.s32 @!p0 $0x1BF5;
	p2 =	por !p2, p0  }
0x20: {  	[sflag:s8] =	ssyncset.s32 @!p0 $0xFFFFF086;
	s6 =	sadd.s32 @!p0 s3, s7;
	s7 =	simm.s32 @!p0 $0x108  }
0x21: {  	s3 =	sadd.s32 s3, s9;
	s6 =	sadd.s32 @!p0 $0x88, s6;
	s7 =	simm.s32 @p2 $0x1082  }
0x22: {  	[simem:s7], [sflag:s8] =	dma.local @!p0 [hbm:s6], $0xF7A  }
0x23: {  	s9 =	sor.u32 $0xD0000000, s2;
	s6 =	simm.s32 $0x108;
	_ =	swait.ge @!p0 [sflag:s8], $0x0  }
0x24: {  	s3 =	sadd.s32 $0x88, s3;
	s6 =	simm.s32 @!p1 $0x1082;
	[sflag:s4] =	ssyncset.s32 $0xFFFFF086  }
0x25: {  	[simem:s6], [sflag:s4] =	dma.local [hbm:s3], $0xF7A  }
0x26: {  	[smem:$0x3F9B] =	sst s1;
	(tag) =	ssettag s2;
	_ =	strace s9  }
0x27: {  	s1 =	sld [smem:$0x3FAB]  }
0x28: {  	s2 =	sld [smem:$0x3FAC]  }
0x29: {  	s4 =	sld [smem:$0x3FAE]  }
0x2a: {  	p0 =	seq.s32 s5, $0x0;
	s5 =	sld [smem:$0x3FAF]  }
0x2b: {  	s6 =	sld [smem:$0x3FB0]  }
0x2c: {  	s7 =	sld [smem:$0x3FB1]  }
0x2d: {  	s3 =	simm.s32 $0x108;
	s8 =	sld [smem:$0x3FB2]  }
0x2e: {  	s3 =	simm.s32 @!p0 $0x1082;
	s9 =	sld [smem:$0x3FB3]  }
0x2f: {  	lr =	sadd.s32 s0, s3;
	s0 =	sld [smem:$0x3FAA]  }
0x30: {  	s3 =	sld [smem:$0x3FAD]  }
0x31: {  	[smem:$0x3FB6] =	sst s10  }
0x32: {  	s10 =	sld [smem:$0x3FB4];
	_ =	sdelay $0x3  }
0x33: {  	p0 =	seq.s32 s10, $0x1;
	s10 =	sld [smem:$0x3FB6];
	_ =	sdelay $0x3  }
0x34: {  	[smem:$0x3FB6] =	sst s10  }
0x35: {  	s10 =	sld [smem:$0x3FB5];
	_ =	sdelay $0x3  }
0x36: {  	p1 =	seq.s32 s10, $0x1;
	s10 =	sld [smem:$0x3FB6];
	_ =	sdelay $0x3  }
0x37: {  	[smem:$0x3FB6] =	sst s10  }
0x38: {  	s10 =	sld [smem:$0x3FB7]  }
0x39: {  	_ = 	snop;
	(pc) =	sbr.ind lr, $3  }
0x3a: {  	_ = 	snop  }
0x3b: {  	_ = 	snop  }
0x3c: {  	p2 =	seq.s32 s10, $0x1;
	s10 =	sld [smem:$0x3FB6]  }
0x3d: {  	_ =	shalt  }
0x3e: {  	_ =	shalt  }
0x3f: {  	_ =	shalt  }
0x40: {  	_ =	shalt  }
0x41: {  	_ =	shalt  }
0x42: {  	_ =	shalt  }
0x43: {  	_ =	shalt  }
0x44: {  	_ =	shalt  }
0x45: {  	_ =	shalt  }
0x46: {  	_ =	shalt  }
0x47: {  	_ =	shalt  }
0x48: {  	_ =	shalt  }
0x49: {  	_ =	shalt  }
0x4a: {  	_ =	shalt  }
0x4b: {  	_ =	shalt  }
0x4c: {  	_ =	shalt  }
0x4d: {  	_ =	shalt  }
0x4e: {  	_ =	shalt  }
0x4f: {  	_ =	shalt  }
0x50: {  	_ =	shalt  }
0x51: {  	_ =	shalt  }
0x52: {  	_ =	shalt  }
0x53: {  	_ =	shalt  }
0x54: {  	_ =	shalt  }
0x55: {  	_ =	shalt  }
0x56: {  	_ =	shalt  }
0x57: {  	_ =	shalt  }
0x58: {  	_ =	shalt  }
0x59: {  	_ =	shalt  }
0x5a: {  	_ =	shalt  }
0x5b: {  	_ =	shalt  }
0x5c: {  	_ =	shalt  }
0x5d: {  	_ =	shalt  }
0x5e: {  	_ =	shalt  }
0x5f: {  	_ =	shalt  }
0x60: {  	_ =	shalt  }
0x61: {  	_ =	shalt  }
0x62: {  	_ =	shalt  }
0x63: {  	_ =	shalt  }
0x64: {  	_ =	shalt  }
0x65: {  	_ =	shalt  }
0x66: {  	_ =	shalt  }
0x67: {  	_ =	shalt  }
0x68: {  	_ =	shalt  }
0x69: {  	_ =	shalt  }
0x6a: {  	_ =	shalt  }
0x6b: {  	_ =	shalt  }
0x6c: {  	_ =	shalt  }
0x6d: {  	_ =	shalt  }
0x6e: {  	_ =	shalt  }
0x6f: {  	_ =	shalt  }
0x70: {  	_ =	shalt  }
0x71: {  	_ =	shalt  }
0x72: {  	_ =	shalt  }
0x73: {  	_ =	shalt  }
0x74: {  	_ =	shalt  }
0x75: {  	_ =	shalt  }
0x76: {  	_ =	shalt  }
0x77: {  	_ =	shalt  }
0x78: {  	_ =	shalt  }
0x79: {  	_ =	shalt  }
0x7a: {  	_ =	shalt  }
0x7b: {  	_ =	shalt  }
0x7c: {  	_ =	shalt  }
0x7d: {  	_ =	shalt  }
0x7e: {  	_ =	shalt  }
0x7f: {  	_ =	shalt  }
0x80: {  	_ =	shalt  }
0x81: {  	_ =	shalt  }
0x82: {  	_ =	shalt  }
0x83: {  	_ =	shalt  }
0x84: {  	_ =	shalt  }
0x85: {  	_ =	shalt  }
0x86: {  	_ =	shalt  }
0x87: {  	_ =	shalt  }
.Lfunc_end0:
.L_simem_size_0:
called_computation_lowered:
.L_overlay_start_0:
0x88: {  	s2 =	sld [smem:$0x3FD9]  }
0x89: {  	s3 =	sld [smem:$0x3FFE];
	_ =	sdelay $0x1  }
0x8a: {  	s1 =	srdreg.scid  }
0x8b: {  	s0 =	sand.u32 $0x1, s1  }
0x8c: {  	s17 =	sshll.u32 s0, $0xA;
	s2 =	sadd.s32 s3, s2  }
0x8d: {  	s2 =	sadd.s32 s2, s17  }
0x8e: {  	[smem:$0x3FC2] =	sst s2  }
0x8f: {  	_ = 	snop  }
0x90: {  	s2 =	sld [smem:$0x3FD0];
	(tm) =	ssettm $0x1  }
0x91: {  	s18 =	sld [smem:$0x3FFB];
	_ =	sdelay $0x3  }
0x92: {  	_ =	strace s18  }
0x93: {  	s3 =	sld [smem:$0x3FFC];
	_ =	sdelay $0x3  }
0x94: {  	_ =	strace s3  }
0x95: {  	s3 =	sld [smem:$0x3FFD];
	_ =	sdelay $0x3  }
0x96: {  	_ =	strace s3  }
0x97: {  	_ =	strace $0x8FFFFFFF  }
0x98: {  	s19 =	sld [smem:$0x3FDB];
	_ =	sdelay $0x1  }
0x99: {  	s4 =	simm.s32 $_scs_section_size  }
0x9a: {  	s5 =	simm.s32 $_size__tile_overlayer_lowered;
	s6 =	simm.s32 $_tile_overlayer_lowered  }
0x9b: {  	s22 =	simm.s32 $0x1BFF;
	s21 =	sshll.u32 s6, $0x1;
	s3 =	sadd.s32 s4, s19  }
0x9c: {  	s7 =	simm.s32 $0x0;
	s20 =	sshll.u32 s5, $0x1;
	s5 =	sadd.s32 s21, s3  }
0x9d: {  	[timem:s7], [sflag:s22] =	dma.local [hbm:s5], s20  }
0x9e: {  	_ =	swait.ge [sflag:s22], s20  }
0x9f: {  	s4 =	ssub.s32 $0x0, s20;
	[sflag:s22] =	ssyncset.done $0x0  }
0xa0: {  	[sflag:s22] =	ssyncadd.s32 s4;
	_ =	sdelay $0x1  }
0xa1: {  	s23 =	simm.s32 $0x1B8B  }
0xa2: {  	_ =	swait.ge [sflag:s23], $0x1  }
0xa3: {  	[sflag:s23] =	ssyncset.done $0x0  }
0xa4: {  	s25 =	simm.s32 $0x1B8E;
	s24 =	sld [smem:$0x3FFE];
	[sflag:s23] =	ssyncadd.s32 $0xFFFFFFFF  }
0xa5: {  	s26 =	simm.s32 $execute0_lowered;
	[smem:$0x3FD2] =	sst s25  }
0xa6: {  	s5 =	sshll.u32 s26, $0x1;
	_ =	strace $0x80000046;
	[dreg:$0x1] =	wrdreg $0xFFFFFFFF  }
0xa7: {  	s28 =	simm.s32 $_size_execute0_lowered;
	s3 =	sadd.s32 s3, s5;
	[dreg:$0x0] =	wrdreg $0x0  }
0xa8: {  	s5 =	sshll.u32 s28, $0x1;
	[dreg:$0x2] =	wrdreg s3  }
0xa9: {  	[dreg:$0x3] =	wrdreg s5  }
0xaa: {  	[dreg:$0x4] =	wrdreg $0xC0  }
0xab: {  	_ =	task [dreg:s7], $0x5FFFF  }
0xac: {  	[dreg:$0x1] =	wrdreg $0xFFFFFFFF  }
0xad: {  	[dreg:$0x0] =	wrdreg $0x60  }
0xae: {  	[dreg:$0x2] =	wrdreg s2  }
0xaf: {  	[dreg:$0x3] =	wrdreg s24  }
0xb0: {  	[dreg:$0x4] =	wrdreg $0x56000  }
0xb1: {  	[dreg:$0x5] =	wrdreg $0x9  }
0xb2: {  	_ =	task.clear_ibuf [dreg:s7], $0x6FFFF;
	_ =	strace $0x90000046  }
0xb3: {  	s29 =	simm.s32 $0x9;
	_ =	strace $0x80000048  }
0xb4: {  	_ =	swait.ge [sflag:s29], $0x1  }
0xb5: {  	[sflag:s29] =	ssyncadd.s32 $0xFFFFFFFF  }
0xb6: {  	_ =	strace $0x90000048  }
0xb7: {  	_ =	sfence  }
0xb8: {  	s30 =	sld [smem:$0x0];
	_ =	sdelay $0x2  }
0xb9: {  	s31 =	sshll.u32 s1, $0xD;
	s1 =	sshrl.u32 s1, $0x2  }
0xba: {  	s3 =	sand.u32 $0x4000, s31;
	s1 =	sadd.s32 s1, s30  }
0xbb: {  	s0 =	sor.u32 s3, s0;
	s1 =	sshll.u32 s1, $0x11  }
0xbc: {  	s0 =	sor.u32 s1, s0  }
0xbd: {  	s0 =	sadd.s32 $0x8F2B, s0  }
0xbe: {  	[sflag:s0] =	ssyncadd.remote.s32 $0x1  }
0xbf: {  	_ =	sfence.sel $0xFFFF  }
0xc0: {  	[dreg:$0x0] =	wrdreg $0xFFFFFFFF;
	(pc) =	sbr.abs _section_cstart, $3  }
0xc1: {  	[dreg:$0x1] =	wrdreg $0xFFFFFFFF  }
0xc2: {  	_ =	task.clear_ibuf [dreg:s7], $0x2FFFF;
	_ =	strace $0x9FFFFFFF  }
0xc3: {  	(tm) =	ssettm $0x7FFFFFFF  }
tec
execute0_lowered:
.L_overlay_start_1:
0x0: {  	(tag) =	ssettag $0x1  }
0x1: {  	s4 =	rddreg [dreg:$0x0]  }
0x2: {  	s5 =	rddreg [dreg:$0x1]  }
0x3: {  	s2 =	rddreg [dreg:$0x2];
	s3 =	srdreg.scid  }
0x4: {  	s0 =	rddreg [dreg:$0x3];
	s1 =	stileid.u32;
	s12 =	simm.s32 $0x80  }
0x5: {  	s13 =	simm.s32 $0x5000;
	s14 =	simm.s32 $0x1;
	s15 =	simm.s32 $0x100  }
0x6: {  	s16 =	simm.s32 $0x0;
	s6 =	sand.u32 $0x1, s3;
	s8 =	smul.u32 $0xB00, s1  }
0x7: {  	s3 =	simm.s32 $0x0;
	s29 =	smul.u32 $0x1600, s1;
	s7 =	sshll.u32 s6, $0x4  }
0x8: {  	[smem:$0x7FF] =	sst s3;
	s9 =	sshll.u32 s6, $0x7;
	s6 =	ssub.s32 $0x2, s6  }
0x9: {  	s7 =	sor.u32 s1, s7;
	_ =	strace $0x80000047;
	s8 =	sor.u32 s9, s8  }
0xa: {  	s30 =	sshrl.u32 s6, $0x1;
	s31 =	sshrl.u32 s29, $0x2;
	s7 =	smul.u32 $0x500, s7  }
0xb: {  	s9 =	simm.s32 $0x2;
	s8 =	sshrl.u32 s8, $0x3;
	s11 =	ssub.s32 s6, s30  }
0xc: {  	s6 =	sadd.s32 s31, s2;
	s8 =	sadd.s32 s8, s5;
	s10 =	sadd.s32 s7, s5  }
0xd: {  	s4 =	sadd.s32 s4, s7;
	s7 =	sadd.s32 $0xBC00, s8;
	s8 =	smax.u32 s11, $0x1  }
0xe: {  	v0 =	vimm.f32 $1.000000000e+00;
	v1 =	vimm.f32 $0.0e+00;
	s11 =	simm.s32 $0x5080;
	s5 =	sadd.s32 $0x1C00, s10;
	s10 =	simm.s32 $0x2800  }
.LBB2_1:
0xf: {  	[tilespmem:s3], [sflag:$0x2] =	stream.linear.gather [hbm4b:s4+s3], $0x2800, $0x38;
	[tilespmem:$0x5B80] =	vst v63  }
0x10: {  	_ =	swait.ge [sflag:s9], $0x2800  }
0x11: {  	[sflag:s9] =	ssyncset.done $0x0  }
0x12: {  	[sflag:s9] =	ssyncadd.s32 $0xFFFFD800  }
0x13: {  	[tilespmem:s10], [sflag:$0x2] =	stream.linear.gather [hbm4b:s5+s3], $0x2800, $0x38;
	[tilespmem:$0x5B80] =	vst v63  }
0x14: {  	_ =	swait.ge [sflag:s9], $0x2800  }
0x15: {  	[sflag:s9] =	ssyncset.done $0x0  }
0x16: {  	[sflag:s9] =	ssyncadd.s32 $0xFFFFD800  }
0x17: {  	[tilespmem:$0x5000] =	vst v0  }
0x18: {  	[tilespmem:$0x5010] =	vst v0  }
0x19: {  	[tilespmem:$0x5020] =	vst v0  }
0x1a: {  	[tilespmem:$0x5030] =	vst v0  }
0x1b: {  	[tilespmem:$0x5040] =	vst v0  }
0x1c: {  	[tilespmem:$0x5050] =	vst v0  }
0x1d: {  	[tilespmem:$0x5060] =	vst v0  }
0x1e: {  	s17 =	simm.s32 $0x40;
	s18 =	simm.s32 $0x0;
	[tilespmem:$0x5070] =	vst v0  }
.LBB2_2:
0x1f: {  	p0 =	sne.s32 s17, $0x15C0;
	[tilespmem:s18+$0x5080] =	vst v1;
	s18 =	smov.u32 s17;
	s17 =	sadd.s32 $0x40, s17  }
.Ltmp0:
0x20: {  	(pc) =	sbr.rel @p0 .LBB2_2-.Ltmp0, $2  }
0x21: {  	_ =	sdelay $0x2  }
0x22: {  	s18 =	sshra.s32 s18, $0x2  }
0x23: {  	[tilespmem:s18+$0x5080] =	vst v1  }
0x24: {  	[spmem:s6] =	stream.linear.scatter [tilespmem:s11], [sflag:$0x2], $0x580, $0x38;
	[tilespmem:$0x5B80] =	vst v63  }
0x25: {  	_ =	swait.ge [sflag:s9], $0x580  }
0x26: {  	[sflag:s9] =	ssyncset.done $0x0  }
0x27: {  	[sflag:s9] =	ssyncadd.s32 $0xFFFFFA80  }
0x28: {  	s17 =	simm.s32 $0x0;
	[bflag:$0x0] =	sbarrier.arrive $0xFFFF  }
0x29: {  	[spmem:s2] =	stream.indirect.scatter.add.f32 [tilespmem:s13], [sflag:$0x1], $0x1, s17, s12, $0xb8;
	[tilespmem:$0x5B80] =	vst v63  }
0x2a: {  	s30 =	simm.s32 $0x2800  }
0x2b: {  	[spmem:s2] =	stream.indirect.scatter.add.f32 [tilespmem:s13], [sflag:$0x1], $0x1, s30, s12, $0xb8;
	[tilespmem:$0x5B80] =	vst v63  }
0x2c: {  	s31 =	simm.s32 $0x80  }
0x2d: {  	[spmem:s2] =	stream.indirect.scatter.add.f32 [tilespmem:s13], [sflag:$0x1], $0x1, s31, s12, $0xb8;
	[tilespmem:$0x5B80] =	vst v63  }
0x2e: {  	s18 =	simm.s32 $0x2880  }
0x2f: {  	[spmem:s2] =	stream.indirect.scatter.add.f32 [tilespmem:s13], [sflag:$0x1], $0x1, s18, s12, $0xb8;
	[tilespmem:$0x5B80] =	vst v63  }
0x30: {  	s19 =	simm.s32 $0x100  }
0x31: {  	[spmem:s2] =	stream.indirect.scatter.add.f32 [tilespmem:s13], [sflag:$0x1], $0x1, s19, s12, $0xb8;
	[tilespmem:$0x5B80] =	vst v63  }
0x32: {  	s20 =	simm.s32 $0x2900  }
0x33: {  	[spmem:s2] =	stream.indirect.scatter.add.f32 [tilespmem:s13], [sflag:$0x1], $0x1, s20, s12, $0xb8;
	[tilespmem:$0x5B80] =	vst v63  }
0x34: {  	s21 =	simm.s32 $0x180  }
0x35: {  	[spmem:s2] =	stream.indirect.scatter.add.f32 [tilespmem:s13], [sflag:$0x1], $0x1, s21, s12, $0xb8;
	[tilespmem:$0x5B80] =	vst v63  }
0x36: {  	s22 =	simm.s32 $0x2980  }
0x37: {  	[spmem:s2] =	stream.indirect.scatter.add.f32 [tilespmem:s13], [sflag:$0x1], $0x1, s22, s12, $0xb8;
	[tilespmem:$0x5B80] =	vst v63  }
0x38: {  	s23 =	simm.s32 $0x200  }
0x39: {  	[spmem:s2] =	stream.indirect.scatter.add.f32 [tilespmem:s13], [sflag:$0x1], $0x1, s23, s12, $0xb8;
	[tilespmem:$0x5B80] =	vst v63  }
0x3a: {  	s24 =	simm.s32 $0x2A00  }
0x3b: {  	[spmem:s2] =	stream.indirect.scatter.add.f32 [tilespmem:s13], [sflag:$0x1], $0x1, s24, s12, $0xb8;
	[tilespmem:$0x5B80] =	vst v63  }
0x3c: {  	s25 =	simm.s32 $0x280  }
0x3d: {  	[spmem:s2] =	stream.indirect.scatter.add.f32 [tilespmem:s13], [sflag:$0x1], $0x1, s25, s12, $0xb8;
	[tilespmem:$0x5B80] =	vst v63  }
0x3e: {  	s26 =	simm.s32 $0x2A80  }
0x3f: {  	[spmem:s2] =	stream.indirect.scatter.add.f32 [tilespmem:s13], [sflag:$0x1], $0x1, s26, s12, $0xb8;
	[tilespmem:$0x5B80] =	vst v63  }
0x40: {  	s28 =	simm.s32 $0x300  }
0x41: {  	[spmem:s2] =	stream.indirect.scatter.add.f32 [tilespmem:s13], [sflag:$0x1], $0x1, s28, s12, $0xb8;
	[tilespmem:$0x5B80] =	vst v63  }
0x42: {  	s29 =	simm.s32 $0x2B00  }
0x43: {  	[spmem:s2] =	stream.indirect.scatter.add.f32 [tilespmem:s13], [sflag:$0x1], $0x1, s29, s12, $0xb8;
	[tilespmem:$0x5B80] =	vst v63  }
0x44: {  	s30 =	simm.s32 $0x380  }
0x45: {  	[spmem:s2] =	stream.indirect.scatter.add.f32 [tilespmem:s13], [sflag:$0x1], $0x1, s30, s12, $0xb8;
	[tilespmem:$0x5B80] =	vst v63  }
0x46: {  	s31 =	simm.s32 $0x2B80  }
0x47: {  	[spmem:s2] =	stream.indirect.scatter.add.f32 [tilespmem:s13], [sflag:$0x1], $0x1, s31, s12, $0xb8;
	[tilespmem:$0x5B80] =	vst v63  }
0x48: {  	_ =	swait.ge [sflag:s14], $0x80  }
0x49: {  	[sflag:s14] =	ssyncset.done $0x0  }
0x4a: {  	[sflag:s14] =	ssyncadd.s32 $0xFFFFFF80  }
0x4b: {  	_ =	swait.ge [sflag:s14], $0x80  }
0x4c: {  	[sflag:s14] =	ssyncset.done $0x0  }
0x4d: {  	[sflag:s14] =	ssyncadd.s32 $0xFFFFFF80  }
0x4e: {  	_ =	swait.ge [sflag:s14], $0x80  }
0x4f: {  	[sflag:s14] =	ssyncset.done $0x0  }
0x50: {  	[sflag:s14] =	ssyncadd.s32 $0xFFFFFF80  }
0x51: {  	_ =	swait.ge [sflag:s14], $0x80  }
0x52: {  	[sflag:s14] =	ssyncset.done $0x0  }
0x53: {  	[sflag:s14] =	ssyncadd.s32 $0xFFFFFF80  }
0x54: {  	_ =	swait.ge [sflag:s14], $0x80  }
0x55: {  	[sflag:s14] =	ssyncset.done $0x0  }
0x56: {  	[sflag:s14] =	ssyncadd.s32 $0xFFFFFF80  }
0x57: {  	_ =	swait.ge [sflag:s14], $0x80  }
0x58: {  	[sflag:s14] =	ssyncset.done $0x0  }
0x59: {  	[sflag:s14] =	ssyncadd.s32 $0xFFFFFF80  }
0x5a: {  	_ =	swait.ge [sflag:s14], $0x80  }
0x5b: {  	[sflag:s14] =	ssyncset.done $0x0  }
0x5c: {  	[sflag:s14] =	ssyncadd.s32 $0xFFFFFF80  }
0x5d: {  	_ =	swait.ge [sflag:s14], $0x80  }
0x5e: {  	[sflag:s14] =	ssyncset.done $0x0  }
0x5f: {  	[sflag:s14] =	ssyncadd.s32 $0xFFFFFF80  }
0x60: {  	_ =	swait.ge [sflag:s14], $0x80  }
0x61: {  	[sflag:s14] =	ssyncset.done $0x0  }
0x62: {  	[sflag:s14] =	ssyncadd.s32 $0xFFFFFF80  }
0x63: {  	_ =	swait.ge [sflag:s14], $0x80  }
0x64: {  	[sflag:s14] =	ssyncset.done $0x0  }
0x65: {  	[sflag:s14] =	ssyncadd.s32 $0xFFFFFF80  }
0x66: {  	_ =	swait.ge [sflag:s14], $0x80  }
0x67: {  	[sflag:s14] =	ssyncset.done $0x0  }
0x68: {  	[sflag:s14] =	ssyncadd.s32 $0xFFFFFF80  }
0x69: {  	_ =	swait.ge [sflag:s14], $0x80  }
0x6a: {  	[sflag:s14] =	ssyncset.done $0x0  }
0x6b: {  	[sflag:s14] =	ssyncadd.s32 $0xFFFFFF80  }
0x6c: {  	_ =	swait.ge [sflag:s14], $0x80  }
0x6d: {  	[sflag:s14] =	ssyncset.done $0x0  }
0x6e: {  	[sflag:s14] =	ssyncadd.s32 $0xFFFFFF80  }
0x6f: {  	_ =	swait.ge [sflag:s14], $0x80  }
0x70: {  	[sflag:s14] =	ssyncset.done $0x0  }
0x71: {  	[sflag:s14] =	ssyncadd.s32 $0xFFFFFF80  }
0x72: {  	_ =	swait.ge [sflag:s14], $0x80  }
0x73: {  	[sflag:s14] =	ssyncset.done $0x0  }
0x74: {  	[sflag:s14] =	ssyncadd.s32 $0xFFFFFF80  }
0x75: {  	_ =	swait.ge [sflag:s14], $0x80  }
0x76: {  	s17 =	simm.s32 $0x1000;
	s20 =	simm.s32 $0x2000;
	[sflag:s14] =	ssyncset.done $0x0  }
.LBB2_4:
0x77: {  	s19 =	sshra.s32 s17, $0x2  }
0x78: {  	[sflag:s14] =	ssyncadd.s32 $0xFFFFFF80;
	s17 =	smov.u32 s20;
	s18 =	sadd.s32 $0x1000, s20  }
0x79: {  	[spmem:s2] =	stream.indirect.scatter.add.f32 [tilespmem:s13], [sflag:$0x1], $0x1, s19, s12, $0xb8;
	[tilespmem:$0x5B80] =	vst v63  }
0x7a: {  	p0 =	sne.s32 s20, $0x9000;
	s20 =	sadd.s32 $0x2800, s19  }
0x7b: {  	[spmem:s2] =	stream.indirect.scatter.add.f32 [tilespmem:s13], [sflag:$0x1], $0x1, s20, s12, $0xb8;
	[tilespmem:$0x5B80] =	vst v63  }
0x7c: {  	s20 =	sadd.s32 $0x80, s19  }
0x7d: {  	[spmem:s2] =	stream.indirect.scatter.add.f32 [tilespmem:s13], [sflag:$0x1], $0x1, s20, s12, $0xb8;
	[tilespmem:$0x5B80] =	vst v63  }
0x7e: {  	s20 =	sadd.s32 $0x2880, s19  }
0x7f: {  	[spmem:s2] =	stream.indirect.scatter.add.f32 [tilespmem:s13], [sflag:$0x1], $0x1, s20, s12, $0xb8;
	[tilespmem:$0x5B80] =	vst v63  }
0x80: {  	s20 =	sadd.s32 $0x100, s19  }
0x81: {  	[spmem:s2] =	stream.indirect.scatter.add.f32 [tilespmem:s13], [sflag:$0x1], $0x1, s20, s12, $0xb8;
	[tilespmem:$0x5B80] =	vst v63  }
0x82: {  	s20 =	sadd.s32 $0x2900, s19  }
0x83: {  	[spmem:s2] =	stream.indirect.scatter.add.f32 [tilespmem:s13], [sflag:$0x1], $0x1, s20, s12, $0xb8;
	[tilespmem:$0x5B80] =	vst v63  }
0x84: {  	s20 =	sadd.s32 $0x180, s19  }
0x85: {  	[spmem:s2] =	stream.indirect.scatter.add.f32 [tilespmem:s13], [sflag:$0x1], $0x1, s20, s12, $0xb8;
	[tilespmem:$0x5B80] =	vst v63  }
0x86: {  	s20 =	sadd.s32 $0x2980, s19  }
0x87: {  	[spmem:s2] =	stream.indirect.scatter.add.f32 [tilespmem:s13], [sflag:$0x1], $0x1, s20, s12, $0xb8;
	[tilespmem:$0x5B80] =	vst v63  }
0x88: {  	s20 =	sadd.s32 $0x200, s19  }
0x89: {  	[spmem:s2] =	stream.indirect.scatter.add.f32 [tilespmem:s13], [sflag:$0x1], $0x1, s20, s12, $0xb8;
	[tilespmem:$0x5B80] =	vst v63  }
0x8a: {  	s20 =	sadd.s32 $0x2A00, s19  }
0x8b: {  	[spmem:s2] =	stream.indirect.scatter.add.f32 [tilespmem:s13], [sflag:$0x1], $0x1, s20, s12, $0xb8;
	[tilespmem:$0x5B80] =	vst v63  }
0x8c: {  	s20 =	sadd.s32 $0x280, s19  }
0x8d: {  	[spmem:s2] =	stream.indirect.scatter.add.f32 [tilespmem:s13], [sflag:$0x1], $0x1, s20, s12, $0xb8;
	[tilespmem:$0x5B80] =	vst v63  }
0x8e: {  	s20 =	sadd.s32 $0x2A80, s19  }
0x8f: {  	[spmem:s2] =	stream.indirect.scatter.add.f32 [tilespmem:s13], [sflag:$0x1], $0x1, s20, s12, $0xb8;
	[tilespmem:$0x5B80] =	vst v63  }
0x90: {  	s20 =	sadd.s32 $0x300, s19  }
0x91: {  	[spmem:s2] =	stream.indirect.scatter.add.f32 [tilespmem:s13], [sflag:$0x1], $0x1, s20, s12, $0xb8;
	[tilespmem:$0x5B80] =	vst v63  }
0x92: {  	s20 =	sadd.s32 $0x2B00, s19  }
0x93: {  	[spmem:s2] =	stream.indirect.scatter.add.f32 [tilespmem:s13], [sflag:$0x1], $0x1, s20, s12, $0xb8;
	[tilespmem:$0x5B80] =	vst v63  }
0x94: {  	s20 =	sadd.s32 $0x380, s19  }
0x95: {  	[spmem:s2] =	stream.indirect.scatter.add.f32 [tilespmem:s13], [sflag:$0x1], $0x1, s20, s12, $0xb8;
	[tilespmem:$0x5B80] =	vst v63  }
0x96: {  	s19 =	sadd.s32 $0x2B80, s19  }
0x97: {  	[spmem:s2] =	stream.indirect.scatter.add.f32 [tilespmem:s13], [sflag:$0x1], $0x1, s19, s12, $0xb8;
	[tilespmem:$0x5B80] =	vst v63  }
0x98: {  	_ =	swait.ge [sflag:s14], $0x80  }
0x99: {  	[sflag:s14] =	ssyncset.done $0x0  }
0x9a: {  	[sflag:s14] =	ssyncadd.s32 $0xFFFFFF80  }
0x9b: {  	_ =	swait.ge [sflag:s14], $0x80  }
0x9c: {  	[sflag:s14] =	ssyncset.done $0x0  }
0x9d: {  	[sflag:s14] =	ssyncadd.s32 $0xFFFFFF80  }
0x9e: {  	_ =	swait.ge [sflag:s14], $0x80  }
0x9f: {  	[sflag:s14] =	ssyncset.done $0x0  }
0xa0: {  	[sflag:s14] =	ssyncadd.s32 $0xFFFFFF80  }
0xa1: {  	_ =	swait.ge [sflag:s14], $0x80  }
0xa2: {  	[sflag:s14] =	ssyncset.done $0x0  }
0xa3: {  	[sflag:s14] =	ssyncadd.s32 $0xFFFFFF80  }
0xa4: {  	_ =	swait.ge [sflag:s14], $0x80  }
0xa5: {  	[sflag:s14] =	ssyncset.done $0x0  }
0xa6: {  	[sflag:s14] =	ssyncadd.s32 $0xFFFFFF80  }
0xa7: {  	_ =	swait.ge [sflag:s14], $0x80  }
0xa8: {  	[sflag:s14] =	ssyncset.done $0x0  }
0xa9: {  	[sflag:s14] =	ssyncadd.s32 $0xFFFFFF80  }
0xaa: {  	_ =	swait.ge [sflag:s14], $0x80  }
0xab: {  	[sflag:s14] =	ssyncset.done $0x0  }
0xac: {  	[sflag:s14] =	ssyncadd.s32 $0xFFFFFF80  }
0xad: {  	_ =	swait.ge [sflag:s14], $0x80  }
0xae: {  	[sflag:s14] =	ssyncset.done $0x0  }
0xaf: {  	[sflag:s14] =	ssyncadd.s32 $0xFFFFFF80  }
0xb0: {  	_ =	swait.ge [sflag:s14], $0x80  }
0xb1: {  	[sflag:s14] =	ssyncset.done $0x0  }
0xb2: {  	[sflag:s14] =	ssyncadd.s32 $0xFFFFFF80  }
0xb3: {  	_ =	swait.ge [sflag:s14], $0x80  }
0xb4: {  	[sflag:s14] =	ssyncset.done $0x0  }
0xb5: {  	[sflag:s14] =	ssyncadd.s32 $0xFFFFFF80  }
0xb6: {  	_ =	swait.ge [sflag:s14], $0x80  }
0xb7: {  	[sflag:s14] =	ssyncset.done $0x0  }
0xb8: {  	[sflag:s14] =	ssyncadd.s32 $0xFFFFFF80  }
0xb9: {  	_ =	swait.ge [sflag:s14], $0x80  }
0xba: {  	[sflag:s14] =	ssyncset.done $0x0  }
0xbb: {  	[sflag:s14] =	ssyncadd.s32 $0xFFFFFF80  }
0xbc: {  	_ =	swait.ge [sflag:s14], $0x80  }
0xbd: {  	[sflag:s14] =	ssyncset.done $0x0  }
0xbe: {  	[sflag:s14] =	ssyncadd.s32 $0xFFFFFF80  }
0xbf: {  	_ =	swait.ge [sflag:s14], $0x80  }
0xc0: {  	[sflag:s14] =	ssyncset.done $0x0  }
0xc1: {  	[sflag:s14] =	ssyncadd.s32 $0xFFFFFF80  }
.Ltmp1:
0xc2: {  	_ =	swait.ge [sflag:s14], $0x80;
	(pc) =	sbr.rel @p0 .LBB2_4-.Ltmp1, $4  }
0xc3: {  	[sflag:s14] =	ssyncset.done $0x0  }
0xc4: {  	[sflag:s14] =	ssyncadd.s32 $0xFFFFFF80  }
0xc5: {  	_ =	swait.ge [sflag:s14], $0x80  }
0xc6: {  	s20 =	smov.u32 s18;
	[sflag:s14] =	ssyncset.done $0x0  }
0xc7: {  	s17 =	sshra.s32 s17, $0x2;
	[sflag:s14] =	ssyncadd.s32 $0xFFFFFF80  }
0xc8: {  	[spmem:s2] =	stream.indirect.scatter.add.f32 [tilespmem:s13], [sflag:$0x1], $0x1, s17, s12, $0xb8;
	[tilespmem:$0x5B80] =	vst v63  }
0xc9: {  	s18 =	sadd.s32 $0x2800, s17  }
0xca: {  	[spmem:s2] =	stream.indirect.scatter.add.f32 [tilespmem:s13], [sflag:$0x1], $0x1, s18, s12, $0xb8;
	[tilespmem:$0x5B80] =	vst v63  }
0xcb: {  	s31 =	sadd.s32 $0x80, s17  }
0xcc: {  	[spmem:s2] =	stream.indirect.scatter.add.f32 [tilespmem:s13], [sflag:$0x1], $0x1, s31, s12, $0xb8;
	[tilespmem:$0x5B80] =	vst v63  }
0xcd: {  	s19 =	sadd.s32 $0x2880, s17  }
0xce: {  	[spmem:s2] =	stream.indirect.scatter.add.f32 [tilespmem:s13], [sflag:$0x1], $0x1, s19, s12, $0xb8;
	[tilespmem:$0x5B80] =	vst v63  }
0xcf: {  	s20 =	sadd.s32 $0x100, s17  }
0xd0: {  	[spmem:s2] =	stream.indirect.scatter.add.f32 [tilespmem:s13], [sflag:$0x1], $0x1, s20, s12, $0xb8;
	[tilespmem:$0x5B80] =	vst v63  }
0xd1: {  	s21 =	sadd.s32 $0x2900, s17  }
0xd2: {  	[spmem:s2] =	stream.indirect.scatter.add.f32 [tilespmem:s13], [sflag:$0x1], $0x1, s21, s12, $0xb8;
	[tilespmem:$0x5B80] =	vst v63  }
0xd3: {  	s22 =	sadd.s32 $0x180, s17  }
0xd4: {  	[spmem:s2] =	stream.indirect.scatter.add.f32 [tilespmem:s13], [sflag:$0x1], $0x1, s22, s12, $0xb8;
	[tilespmem:$0x5B80] =	vst v63  }
0xd5: {  	s23 =	sadd.s32 $0x2980, s17  }
0xd6: {  	[spmem:s2] =	stream.indirect.scatter.add.f32 [tilespmem:s13], [sflag:$0x1], $0x1, s23, s12, $0xb8;
	[tilespmem:$0x5B80] =	vst v63  }
0xd7: {  	s24 =	sadd.s32 $0x200, s17  }
0xd8: {  	[spmem:s2] =	stream.indirect.scatter.add.f32 [tilespmem:s13], [sflag:$0x1], $0x1, s24, s12, $0xb8;
	[tilespmem:$0x5B80] =	vst v63  }
0xd9: {  	s25 =	sadd.s32 $0x2A00, s17  }
0xda: {  	[spmem:s2] =	stream.indirect.scatter.add.f32 [tilespmem:s13], [sflag:$0x1], $0x1, s25, s12, $0xb8;
	[tilespmem:$0x5B80] =	vst v63  }
0xdb: {  	s26 =	sadd.s32 $0x280, s17  }
0xdc: {  	[spmem:s2] =	stream.indirect.scatter.add.f32 [tilespmem:s13], [sflag:$0x1], $0x1, s26, s12, $0xb8;
	[tilespmem:$0x5B80] =	vst v63  }
0xdd: {  	s28 =	sadd.s32 $0x2A80, s17  }
0xde: {  	[spmem:s2] =	stream.indirect.scatter.add.f32 [tilespmem:s13], [sflag:$0x1], $0x1, s28, s12, $0xb8;
	[tilespmem:$0x5B80] =	vst v63  }
0xdf: {  	s29 =	sadd.s32 $0x300, s17  }
0xe0: {  	[spmem:s2] =	stream.indirect.scatter.add.f32 [tilespmem:s13], [sflag:$0x1], $0x1, s29, s12, $0xb8;
	[tilespmem:$0x5B80] =	vst v63  }
0xe1: {  	s30 =	sadd.s32 $0x2B00, s17  }
0xe2: {  	[spmem:s2] =	stream.indirect.scatter.add.f32 [tilespmem:s13], [sflag:$0x1], $0x1, s30, s12, $0xb8;
	[tilespmem:$0x5B80] =	vst v63  }
0xe3: {  	s31 =	sadd.s32 $0x380, s17  }
0xe4: {  	[spmem:s2] =	stream.indirect.scatter.add.f32 [tilespmem:s13], [sflag:$0x1], $0x1, s31, s12, $0xb8;
	[tilespmem:$0x5B80] =	vst v63  }
0xe5: {  	s17 =	sadd.s32 $0x2B80, s17  }
0xe6: {  	[spmem:s2] =	stream.indirect.scatter.add.f32 [tilespmem:s13], [sflag:$0x1], $0x1, s17, s12, $0xb8;
	[tilespmem:$0x5B80] =	vst v63  }
0xe7: {  	_ =	swait.ge [sflag:s14], $0x80  }
0xe8: {  	[sflag:s14] =	ssyncset.done $0x0  }
0xe9: {  	[sflag:s14] =	ssyncadd.s32 $0xFFFFFF80  }
0xea: {  	_ =	swait.ge [sflag:s14], $0x80  }
0xeb: {  	[sflag:s14] =	ssyncset.done $0x0  }
0xec: {  	[sflag:s14] =	ssyncadd.s32 $0xFFFFFF80  }
0xed: {  	_ =	swait.ge [sflag:s14], $0x80  }
0xee: {  	[sflag:s14] =	ssyncset.done $0x0  }
0xef: {  	[sflag:s14] =	ssyncadd.s32 $0xFFFFFF80  }
0xf0: {  	_ =	swait.ge [sflag:s14], $0x80  }
0xf1: {  	[sflag:s14] =	ssyncset.done $0x0  }
0xf2: {  	[sflag:s14] =	ssyncadd.s32 $0xFFFFFF80  }
0xf3: {  	_ =	swait.ge [sflag:s14], $0x80  }
0xf4: {  	[sflag:s14] =	ssyncset.done $0x0  }
0xf5: {  	[sflag:s14] =	ssyncadd.s32 $0xFFFFFF80  }
0xf6: {  	_ =	swait.ge [sflag:s14], $0x80  }
0xf7: {  	[sflag:s14] =	ssyncset.done $0x0  }
0xf8: {  	[sflag:s14] =	ssyncadd.s32 $0xFFFFFF80  }
0xf9: {  	_ =	swait.ge [sflag:s14], $0x80  }
0xfa: {  	[sflag:s14] =	ssyncset.done $0x0  }
0xfb: {  	[sflag:s14] =	ssyncadd.s32 $0xFFFFFF80  }
0xfc: {  	_ =	swait.ge [sflag:s14], $0x80  }
0xfd: {  	[sflag:s14] =	ssyncset.done $0x0  }
0xfe: {  	[sflag:s14] =	ssyncadd.s32 $0xFFFFFF80  }
0xff: {  	_ =	swait.ge [sflag:s14], $0x80  }
0x100: {  	[sflag:s14] =	ssyncset.done $0x0  }
0x101: {  	[sflag:s14] =	ssyncadd.s32 $0xFFFFFF80  }
0x102: {  	_ =	swait.ge [sflag:s14], $0x80  }
0x103: {  	[sflag:s14] =	ssyncset.done $0x0  }
0x104: {  	[sflag:s14] =	ssyncadd.s32 $0xFFFFFF80  }
0x105: {  	_ =	swait.ge [sflag:s14], $0x80  }
0x106: {  	[sflag:s14] =	ssyncset.done $0x0  }
0x107: {  	[sflag:s14] =	ssyncadd.s32 $0xFFFFFF80  }
0x108: {  	_ =	swait.ge [sflag:s14], $0x80  }
0x109: {  	[sflag:s14] =	ssyncset.done $0x0  }
0x10a: {  	[sflag:s14] =	ssyncadd.s32 $0xFFFFFF80  }
0x10b: {  	_ =	swait.ge [sflag:s14], $0x80  }
0x10c: {  	[sflag:s14] =	ssyncset.done $0x0  }
0x10d: {  	[sflag:s14] =	ssyncadd.s32 $0xFFFFFF80  }
0x10e: {  	_ =	swait.ge [sflag:s14], $0x80  }
0x10f: {  	[sflag:s14] =	ssyncset.done $0x0  }
0x110: {  	[sflag:s14] =	ssyncadd.s32 $0xFFFFFF80  }
0x111: {  	_ =	swait.ge [sflag:s14], $0x80  }
0x112: {  	[sflag:s14] =	ssyncset.done $0x0  }
0x113: {  	[sflag:s14] =	ssyncadd.s32 $0xFFFFFF80  }
0x114: {  	_ =	swait.ge [sflag:s14], $0x80  }
0x115: {  	[sflag:s14] =	ssyncset.done $0x0  }
0x116: {  	[sflag:s14] =	ssyncadd.s32 $0xFFFFFF80  }
0x117: {  	[bflag:$0x0] =	sbarrier.arrive $0xFFFF  }
0x118: {  	[tilespmem:s11], [sflag:$0x2] =	stream.linear.gather [spmem:s6], $0x580, $0x38;
	[tilespmem:$0x5B80] =	vst v63  }
0x119: {  	s16 =	sadd.s32 $0x1, s16;
	_ =	swait.ge [sflag:s9], $0x580  }
0x11a: {  	p0 =	sne.s32 s16, s8;
	[sflag:s9] =	ssyncset.done $0x0  }
.Ltmp2:
0x11b: {  	[sflag:s9] =	ssyncadd.s32 $0xFFFFFA80;
	(pc) =	sbr.rel @p0 .LBB2_1-.Ltmp2, $4  }
0x11c: {  	[hbm4b:s7+s12] =	stream.strided.scatter [tilespmem:s11], [sflag:$0x2], $0x580, s15, s12, $0x38;
	[tilespmem:$0x5B80] =	vst v63  }
0x11d: {  	_ =	swait.ge [sflag:s9], $0x580  }
0x11e: {  	[sflag:s9] =	ssyncset.done $0x0  }
0x11f: {  	[sflag:s9] =	ssyncadd.s32 $0xFFFFFA80  }
0x120: {  	_ =	sfence.sel $0x180000  }
0x121: {  	[bflag:$0x0] =	sbarrier.arrive $0xFFFF  }
0x122: {  	p0 =	sne.s32 s1, $0x0;
	_ =	strace $0x90000047  }
0x123: {  	s0 =	sadd.s32 @!p0 $0x100000, s0;
	[bflag:$0x2] =	sbarrier.arrive $0xFFFF  }
0x124: {  	[sflag:s0] =	ssyncadd.tile.s32 @!p0 $0x1;
	_ =	shalt  }
.Lfunc_end2:
_tile_overlayer_lowered:
.L_overlay_start_2:
0x125: {  	(tag) =	ssettag $0x2  }
0x126: {  	s0 =	rddreg [dreg:$0x0];
	s2 =	stileid.u32  }
0x127: {  	s1 =	rddreg [dreg:$0x1];
	p0 =	sne.s32 s2, $0x0  }
0x128: {  	s3 =	rddreg [dreg:$0x2];
	[bflag:$0x3] =	sbarrier.arrive $0xFFFF;
	s2 =	simm.s32 @!p0 $0x1C02  }
0x129: {  	[timem:s3], [sflag:s2] =	dma.local @!p0 [hbm:s0], s1  }
0x12a: {  	s0 =	simm.s32 @!p0 $0x2  }
0x12b: {  	_ =	swait.ge @!p0 [sflag:s0], s1  }
0x12c: {  	s1 =	ssub.s32 @!p0 $0x0, s1;
	[sflag:s0] =	ssyncset.done @!p0 $0x0  }
0x12d: {  	[sflag:s0] =	ssyncadd.s32 @!p0 s1  }
0x12e: {  	[bflag:$0x3] =	sbarrier.arrive $0xFFFF  }
0x12f: {  	_ =	shalt  }

</sc_bundles>
